<compile_context>
chip_gen: v7x
topology: tpu7x:2x2x1
jax: 0.10.2.dev20260603
libtpu: 0.0.44.dev20260713+nightly
codegen_flags: <defaults>
</compile_context>

<pallas_src>
import functools

import jax
import jax.numpy as jnp
from jax import lax
from jax.experimental import pallas as pl
from jax.experimental.pallas import tpu as pltpu
from jax.experimental.pallas import tpu_sc as plsc

N = 10000
E = 320000
F = 128
NPAD = 10112
DUMMY = 10008
RPT = NPAD // 16
BW = 128
NB = 160
CH = 32
NCH = NB // CH
PPT = NB * BW
IDXROWS = 2 * 16 * NB
NTILES = 32
BL = 400
GS = 40
PAIRS = 125


@functools.lru_cache(maxsize=None)
def _gs_kernel(t_rows):
    mesh = plsc.VectorSubcoreMesh(core_axis_name="c", subcore_axis_name="s")

    @functools.partial(
        pl.kernel,
        mesh=mesh,
        out_type=jax.ShapeDtypeStruct((2, NPAD, F), jnp.float32),
        scratch_types=[
            pltpu.VMEM((CH, BW), jnp.int32),
            pltpu.VMEM((CH, BW), jnp.int32),
            pltpu.VMEM((BW, F), jnp.float32),
            pltpu.VMEM((BW, F), jnp.float32),
            pltpu.VMEM_SHARED((NPAD, F), jnp.float32),
            pltpu.SemaphoreType.DMA,
            pltpu.SemaphoreType.DMA,
            pltpu.SemaphoreType.DMA,
            pltpu.SemaphoreType.DMA,
        ],
    )
    def k(a_hbm, src_hbm, dst_hbm, z_hbm, out_hbm, src_v, dst_v, rows0, rows1,
          acc, gsem0, gsem1, ssem0, ssem1):
        c = lax.axis_index("c")
        s = lax.axis_index("s")
        r0 = s * RPT
        pltpu.sync_copy(z_hbm.at[pl.ds(r0, RPT)], acc.at[pl.ds(r0, RPT)])
        plsc.subcore_barrier()
        base = (c * 16 + s) * NB
        nch = NCH

        def chunk(cc, carry):
            pltpu.sync_copy(src_hbm.at[pl.ds(base + cc * CH, CH)], src_v)
            pltpu.sync_copy(dst_hbm.at[pl.ds(base + cc * CH, CH)], dst_v)
            pltpu.async_copy(a_hbm.at[src_v.at[0]], rows0, gsem0)
            pltpu.async_copy(a_hbm.at[src_v.at[1]], rows1, gsem1)

            def m_body(m, carry2):
                j0 = 2 * m
                pltpu.make_async_copy(a_hbm.at[src_v.at[j0]], rows0, gsem0).wait()
                pltpu.async_copy(rows0, acc.at[dst_v.at[j0]], ssem0, add=True)
                pltpu.make_async_copy(a_hbm.at[src_v.at[j0 + 1]], rows1, gsem1).wait()
                pltpu.async_copy(rows1, acc.at[dst_v.at[j0 + 1]], ssem1, add=True)

                @pl.when(m < CH // 2 - 1)
                def _():
                    pltpu.make_async_copy(rows0, acc.at[dst_v.at[j0]], ssem0).wait()
                    pltpu.async_copy(a_hbm.at[src_v.at[j0 + 2]], rows0, gsem0)
                    pltpu.make_async_copy(rows1, acc.at[dst_v.at[j0 + 1]], ssem1).wait()
                    pltpu.async_copy(a_hbm.at[src_v.at[j0 + 3]], rows1, gsem1)

                return carry2

            lax.fori_loop(0, CH // 2, m_body, 0)
            pltpu.make_async_copy(rows0, acc.at[dst_v.at[0]], ssem0).wait()
            pltpu.make_async_copy(rows1, acc.at[dst_v.at[1]], ssem1).wait()
            return carry

        lax.fori_loop(0, nch, chunk, 0)
        plsc.subcore_barrier()
        pltpu.sync_copy(acc.at[pl.ds(r0, RPT)], out_hbm.at[c, pl.ds(r0, RPT)])

    return k


def _spmm_sc(a, src_idx, dst_idx, zeros):
    return _gs_kernel(a.shape[0])(a, src_idx, dst_idx, zeros)


def _node_spec():
    return pl.BlockSpec((BL, F), lambda i: (i, 0))


def _full_spec(shape):
    return pl.BlockSpec(shape, lambda i: tuple(0 for _ in shape))


def _tc_pre(nf, efa0, efa1, wen, ben, wee, bee, wmsg, bmsg):
    f32 = jnp.float32

    def body(nf_r, e0_r, e1_r, wen_r, ben_r, wee_r, bee_r, wmsg_r, bmsg_r,
             h_o, a_o, b_o, kc_o, dg_o):
        h0 = jnp.dot(nf_r[:], wen_r[:], preferred_element_type=f32) + ben_r[:]
        w3 = wmsg_r[256:272, :]
        ea = e0_r[:] + e1_r[:]
        we3 = jnp.dot(wee_r[:], w3, preferred_element_type=f32)
        bb = jnp.dot(bee_r[:], w3, preferred_element_type=f32) + bmsg_r[:]
        m_kc = jnp.concatenate([we3, bb, jnp.zeros((111, F), f32)], axis=0)
        m_dg = jnp.concatenate(
            [jnp.zeros((16, F), f32), jnp.ones((1, F), f32), jnp.zeros((111, F), f32)],
            axis=0)
        kc_o[:] = jnp.dot(ea, m_kc, preferred_element_type=f32)
        dg_o[:] = jnp.dot(ea, m_dg, preferred_element_type=f32)
        h_o[:] = h0
        a_o[:] = jnp.dot(h0, wmsg_r[0:128, :], preferred_element_type=f32)
        b_o[:] = jnp.dot(h0, wmsg_r[128:256, :], preferred_element_type=f32)

    out = jax.ShapeDtypeStruct((N, F), f32)
    return pl.pallas_call(
        body,
        grid=(N // BL,),
        in_specs=[
            _node_spec(),
            _node_spec(),
            _node_spec(),
            _full_spec((F, F)),
            _full_spec((1, F)),
            _full_spec((16, 16)),
            _full_spec((1, 16)),
            _full_spec((272, F)),
            _full_spec((1, F)),
        ],
        out_specs=[_node_spec()] * 5,
        out_shape=[out] * 5,
    )(nf, efa0, efa1, wen, ben, wee, bee, wmsg, bmsg)


def _tc_update(s0, s1, b, h, kc, dg, wupd, bupd, wmsg):
    f32 = jnp.float32

    def body(s0_r, s1_r, b_r, h_r, kc_r, dg_r, wupd_r, bupd_r, wmsg_r,
             h_o, a_o, b_o):
        agg = s0_r[:] + s1_r[:] + kc_r[:] + dg_r[:] * b_r[:]
        hn = (jnp.dot(agg, wupd_r[0:128, :], preferred_element_type=f32)
              + jnp.dot(h_r[:], wupd_r[128:256, :], preferred_element_type=f32)
              + bupd_r[:])
        h_o[:] = hn
        a_o[:] = jnp.dot(hn, wmsg_r[0:128, :], preferred_element_type=f32)
        b_o[:] = jnp.dot(hn, wmsg_r[128:256, :], preferred_element_type=f32)

    out = jax.ShapeDtypeStruct((N, F), f32)
    return pl.pallas_call(
        body,
        grid=(N // BL,),
        in_specs=[
            _node_spec(), _node_spec(), _node_spec(), _node_spec(),
            _node_spec(), _node_spec(),
            _full_spec((256, F)),
            _full_spec((1, F)),
            _full_spec((272, F)),
        ],
        out_specs=[_node_spec()] * 3,
        out_shape=[out] * 3,
    )(s0, s1, b, h, kc, dg, wupd, bupd, wmsg)


def _tc_update_final(s0, s1, b, h, kc, dg, wupd, bupd, wagg, bagg):
    f32 = jnp.float32
    ppb = BL // (2 * GS)

    def body(s0_r, s1_r, b_r, h_r, kc_r, dg_r, wupd_r, bupd_r, wagg_r, bagg_r,
             o_r):
        agg = s0_r[:] + s1_r[:] + kc_r[:] + dg_r[:] * b_r[:]
        hn = (jnp.dot(agg, wupd_r[0:128, :], preferred_element_type=f32)
              + jnp.dot(h_r[:], wupd_r[128:256, :], preferred_element_type=f32)
              + bupd_r[:])
        g = jnp.dot(hn, wagg_r[:], preferred_element_type=f32) + bagg_r[:]
        gates = jax.nn.sigmoid(g[:, 0:F])
        feat = g[:, F:2 * F] * gates
        for p in range(ppb):
            q = feat[2 * GS * p:2 * GS * p + GS, :]
            c = feat[2 * GS * p + GS:2 * GS * (p + 1), :]
            sc = lax.dot_general(q, c, (((1,), (1,)), ((), ())),
                                 preferred_element_type=f32)
            tot = jnp.sum(jnp.max(sc, axis=1))
            o_r[p] = jnp.full((8, F), tot, f32)

    return pl.pallas_call(
        body,
        grid=(N // BL,),
        in_specs=[
            _node_spec(), _node_spec(), _node_spec(), _node_spec(),
            _node_spec(), _node_spec(),
            _full_spec((256, F)),
            _full_spec((1, F)),
            _full_spec((F, 2 * F)),
            _full_spec((1, 2 * F)),
        ],
        out_specs=pl.BlockSpec((ppb, 8, F), lambda i: (i, 0, 0)),
        out_shape=jax.ShapeDtypeStruct((PAIRS, 8, F), f32),
    )(s0, s1, b, h, kc, dg, wupd, bupd, wagg, bagg)


def kernel(node_features, edge_features, from_idx, to_idx, graph_idx,
           batch_data_sizes, W_enc_node, b_enc_node, W_enc_edge, b_enc_edge,
           W_msg, b_msg, W_upd, b_upd, W_agg, b_agg):
    f32 = jnp.float32
    i32 = jnp.int32
    ben = b_enc_node.reshape(1, F)
    bee = b_enc_edge.reshape(1, 16)
    bmsg = b_msg.reshape(1, F)
    bupd = b_upd.reshape(1, F)
    bagg = b_agg.reshape(1, 2 * F)

    npair_pad = NTILES * PPT - 2 * E
    src_all = jnp.concatenate(
        [from_idx, to_idx, jnp.zeros((npair_pad,), i32)]).reshape(IDXROWS, BW)
    dst_all = jnp.concatenate(
        [to_idx, from_idx, jnp.full((npair_pad,), DUMMY, i32)]).reshape(IDXROWS, BW)

    eids = jnp.arange(E, dtype=i32)
    esrc = jnp.concatenate(
        [eids, eids, jnp.zeros((npair_pad,), i32)]).reshape(IDXROWS, BW)
    ef128 = jnp.concatenate(
        [edge_features, jnp.ones((E, 1), f32), jnp.zeros((E, F - 17), f32)], axis=1)

    z_f = jnp.zeros((NPAD, F), f32)

    efa = _spmm_sc(ef128, esrc, dst_all, z_f)
    h, a, b, kc, dg = _tc_pre(node_features, efa[0], efa[1], W_enc_node, ben,
                              W_enc_edge, bee, W_msg, bmsg)
    for _ in range(2):
        s = _spmm_sc(a, src_all, dst_all, z_f)
        h, a, b = _tc_update(s[0], s[1], b, h, kc, dg, W_upd, bupd, W_msg)
    s = _spmm_sc(a, src_all, dst_all, z_f)
    out = _tc_update_final(s[0], s[1], b, h, kc, dg, W_upd, bupd, W_agg, bagg)
    return out[:, 0, 0]

# --- scband reference (transcript-rebuilt; emitter-appended) ---
"""Pipeline reference for scband-gmn-embed-maxsim-dot-corrected-19335942766732 (READ-ONLY COPY).

The authoritative reference and input builder live on the scoring server;
editing this copy changes nothing except your own understanding.
"""

import jax, jax.numpy as jnp
import numpy as np

N_NODES = 10000
N_EDGES = 320000
D_FEAT = 128
D_EDGE = 16
NODE_STATE = 128
EDGE_STATE = 16
MSG_HID = 128
N_PROP = 3
N_PAIRS = 125
GRAPH_SIZE = 40
MAX_SET = 64


def setup_inputs(seed: int = 0) -> dict:
    key = jax.random.key(seed)
    ks = jax.random.split(key, 12)
    inp = {}
    inp["node_features"] = jax.random.normal(ks[0], (N_NODES, D_FEAT), jnp.float32)
    inp["edge_features"] = jax.random.normal(ks[1], (N_EDGES, D_EDGE), jnp.float32)
    inp["from_idx"] = jax.random.randint(ks[2], (N_EDGES,), 0, N_NODES, jnp.int32)
    inp["to_idx"] = jax.random.randint(ks[3], (N_EDGES,), 0, N_NODES, jnp.int32)
    inp["graph_idx"] = jnp.sort(jax.random.randint(ks[4], (N_NODES,), 0, 2 * N_PAIRS, jnp.int32))
    inp["batch_data_sizes"] = jnp.full((N_PAIRS, 2), GRAPH_SIZE, jnp.int32)
    inp["W_enc_node"] = jax.random.normal(ks[5], (D_FEAT, NODE_STATE), jnp.float32) / np.sqrt(D_FEAT)
    inp["b_enc_node"] = jnp.zeros((NODE_STATE,), jnp.float32)
    inp["W_enc_edge"] = jax.random.normal(ks[6], (D_EDGE, EDGE_STATE), jnp.float32) / np.sqrt(D_EDGE)
    inp["b_enc_edge"] = jnp.zeros((EDGE_STATE,), jnp.float32)
    msg_in = 2 * NODE_STATE + EDGE_STATE
    inp["W_msg"] = jax.random.normal(ks[7], (msg_in, MSG_HID), jnp.float32) * (0.1 / np.sqrt(msg_in))
    inp["b_msg"] = jnp.zeros((MSG_HID,), jnp.float32)
    upd_in = MSG_HID + NODE_STATE
    inp["W_upd"] = jax.random.normal(ks[8], (upd_in, NODE_STATE), jnp.float32) / np.sqrt(upd_in)
    inp["b_upd"] = jnp.zeros((NODE_STATE,), jnp.float32)
    inp["W_agg"] = jax.random.normal(ks[9], (NODE_STATE, 2 * NODE_STATE), jnp.float32) / np.sqrt(NODE_STATE)
    inp["b_agg"] = jnp.zeros((2 * NODE_STATE,), jnp.float32)
    return inp


def reference(node_features, edge_features, from_idx, to_idx, graph_idx, batch_data_sizes, W_enc_node, b_enc_node, W_enc_edge, b_enc_edge, W_msg, b_msg, W_upd, b_upd, W_agg, b_agg):
    # GraphEncoder: single-linear-layer MLPs on node and edge features
    h = node_features @ W_enc_node + b_enc_node
    e = edge_features @ W_enc_edge + b_enc_edge
    # shared GraphPropLayer applied n_prop_layers times
    for _ in range(N_PROP):
        fs = jnp.take(h, from_idx, axis=0)
        ts = jnp.take(h, to_idx, axis=0)
        # forward messages, scatter-add at to_idx
        m_fwd = jnp.concatenate([fs, ts, e], axis=-1) @ W_msg + b_msg
        agg = jax.ops.segment_sum(m_fwd, to_idx, num_segments=N_NODES)
        # reverse direction messages (shared params), scatter-add at from_idx
        m_rev = jnp.concatenate([ts, fs, e], axis=-1) @ W_msg + b_msg
        agg = agg + jax.ops.segment_sum(m_rev, from_idx, num_segments=N_NODES)
        # node update (node_update_type='mlp'): MLP(concat([agg, h]))
        h = jnp.concatenate([agg, h], axis=-1) @ W_upd + b_upd
    # aggregator.MLP1 + gating
    g = h @ W_agg + b_agg
    gates = jax.nn.sigmoid(g[:, :NODE_STATE])
    feat = g[:, NODE_STATE:] * gates
    # split into 250 equal-size graphs; even -> query, odd -> corpus
    feat = feat.reshape(2 * N_PAIRS, GRAPH_SIZE, NODE_STATE)
    q = feat[0::2]
    c = feat[1::2]
    pad = ((0, 0), (0, MAX_SET - GRAPH_SIZE), (0, 0))
    q = jnp.pad(q, pad)
    c = jnp.pad(c, pad)
    scores = jnp.einsum('bqd,bcd->bqc', q, c)
    ar = jnp.arange(MAX_SET)
    qmask = ar[None, :] < batch_data_sizes[:, 0:1]
    cmask = ar[None, :] < batch_data_sizes[:, 1:2]
    combined = qmask[:, :, None] & (~cmask[:, None, :])
    scores = jnp.where(combined, -jnp.inf, scores)
    return scores.max(axis=-1).sum(axis=-1)

if __name__ == "__main__":
    import jax
    _d = setup_inputs()
    print(jax.jit(kernel)(*tuple(_d.values())))

</pallas_src>

<mosaic_0001>
#map = affine_map<(d0, d1) -> (0, 0)>
#map1 = affine_map<(d0, d1) -> (0, 0, 0)>
module attributes {stable_mosaic.version = 14 : i64} {
  func.func @k(%arg0: i32, %arg1: i32, %arg2: memref<10000x128xf32, #tpu.memory_space<hbm>>, %arg3: memref<5120x128xi32, #tpu.memory_space<hbm>>, %arg4: memref<5120x128xi32, #tpu.memory_space<hbm>>, %arg5: memref<10112x128xf32, #tpu.memory_space<hbm>>, %arg6: memref<2x10112x128xf32, #tpu.memory_space<hbm>>, %arg7: memref<32x128xi32, #tpu.memory_space<vmem>>, %arg8: memref<32x128xi32, #tpu.memory_space<vmem>>, %arg9: memref<128x128xf32, #tpu.memory_space<vmem>>, %arg10: memref<128x128xf32, #tpu.memory_space<vmem>>, %arg11: memref<10112x128xf32, #tpu.memory_space<vmem_shared>>, %arg12: memref<!tpu.dma_semaphore, #tpu.memory_space<semaphore_mem>>, %arg13: memref<!tpu.dma_semaphore, #tpu.memory_space<semaphore_mem>>, %arg14: memref<!tpu.dma_semaphore, #tpu.memory_space<semaphore_mem>>, %arg15: memref<!tpu.dma_semaphore, #tpu.memory_space<semaphore_mem>>) attributes {dimension_semantics = [#tpu.dimension_semantics<core_parallel>, #tpu.dimension_semantics<subcore_parallel>], iteration_bounds = array<i64: 2, 16>, scalar_prefetch = 0 : i64, scratch_operands = 9 : i64, tpu.core_type = #tpu.core_type<sc_vector_subcore>, window_params = [{transform_indices = #map}, {transform_indices = #map}, {transform_indices = #map}, {transform_indices = #map}, {transform_indices = #map1}]} {
    %mul3A = arith.constant 632 : i32
    %mul3A_0 = arith.muli %arg1, %mul3A : i32
    "tpu.region"() ({
      %run_scoped3A = tpu.sem_alloc : memref<!tpu.dma_semaphore, #tpu.memory_space<semaphore_mem>>
      %dma_start3A = arith.constant 0 : i32
      %dma_start3A_11 = tpu.memref_slice %arg11[%mul3A_0, %dma_start3A] : memref<10112x128xf32, #tpu.memory_space<vmem_shared>> -> memref<632x128xf32, #tpu.memory_space<vmem_shared>>
      %dma_start3A_12 = arith.constant 0 : i32
      %dma_start3A_13 = tpu.memref_slice %arg5[%mul3A_0, %dma_start3A_12] : memref<10112x128xf32, #tpu.memory_space<hbm>> -> memref<632x128xf32, #tpu.memory_space<hbm>>
      tpu.enqueue_dma source(%dma_start3A_13 : memref<632x128xf32, #tpu.memory_space<hbm>>) target(%dma_start3A_11 : memref<632x128xf32, #tpu.memory_space<vmem_shared>>) target_semaphore(%run_scoped3A : memref<!tpu.dma_semaphore, #tpu.memory_space<semaphore_mem>>)
      %dma_wait3A = arith.constant 0 : i32
      %dma_wait3A_14 = tpu.memref_slice %arg11[%mul3A_0, %dma_wait3A] : memref<10112x128xf32, #tpu.memory_space<vmem_shared>> -> memref<632x128xf32, #tpu.memory_space<vmem_shared>>
      %dma_wait3A_15 = arith.constant 0 : i32
      %dma_wait3A_16 = tpu.memref_slice %arg5[%mul3A_0, %dma_wait3A_15] : memref<10112x128xf32, #tpu.memory_space<hbm>> -> memref<632x128xf32, #tpu.memory_space<hbm>>
      tpu.wait_dma2 semaphore(%run_scoped3A : memref<!tpu.dma_semaphore, #tpu.memory_space<semaphore_mem>>) src(%dma_wait3A_16 : memref<632x128xf32, #tpu.memory_space<hbm>>) dst(%dma_wait3A_14 : memref<632x128xf32, #tpu.memory_space<vmem_shared>>)
      tpu.yield
    }) : () -> ()
    %barrier3A = arith.constant 0 : index
    tpu.barrier barrier_id(%barrier3A)
    %mul3A_1 = arith.constant 16 : i32
    %mul3A_2 = arith.muli %arg0, %mul3A_1 : i32
    %add3A = arith.addi %mul3A_2, %arg1 : i32
    %mul3A_3 = arith.constant 160 : i32
    %mul3A_4 = arith.muli %add3A, %mul3A_3 : i32
    %scan3A = arith.constant 0 : i32
    %scan3A_5 = arith.constant 0 : i32
    %scan3A_6 = arith.constant 5 : i32
    %scan3A_7 = arith.addi %scan3A_5, %scan3A_6 : i32
    %scan3A_8 = arith.constant 1 : i32
    scf.for %scan3A_11 = %scan3A_5 to %scan3A_7 step %scan3A_8  : i32 {
      %mul3A_12 = arith.constant 32 : i32
      %mul3A_13 = arith.muli %scan3A_11, %mul3A_12 : i32
      %add3A_14 = arith.addi %mul3A_4, %mul3A_13 : i32
      "tpu.region"() ({
        %run_scoped3A = tpu.sem_alloc : memref<!tpu.dma_semaphore, #tpu.memory_space<semaphore_mem>>
        %dma_start3A_50 = arith.constant 0 : i32
        %dma_start3A_51 = tpu.memref_slice %arg3[%add3A_14, %dma_start3A_50] : memref<5120x128xi32, #tpu.memory_space<hbm>> -> memref<32x128xi32, #tpu.memory_space<hbm>>
        %dma_start3A_52 = arith.constant 0 : i32
        %dma_start3A_53 = tpu.memref_slice %arg3[%add3A_14, %dma_start3A_52] : memref<5120x128xi32, #tpu.memory_space<hbm>> -> memref<32x128xi32, #tpu.memory_space<hbm>>
        tpu.enqueue_dma source(%dma_start3A_53 : memref<32x128xi32, #tpu.memory_space<hbm>>) target(%arg7 : memref<32x128xi32, #tpu.memory_space<vmem>>) target_semaphore(%run_scoped3A : memref<!tpu.dma_semaphore, #tpu.memory_space<semaphore_mem>>)
        %dma_wait3A_54 = arith.constant 0 : i32
        %dma_wait3A_55 = tpu.memref_slice %arg3[%add3A_14, %dma_wait3A_54] : memref<5120x128xi32, #tpu.memory_space<hbm>> -> memref<32x128xi32, #tpu.memory_space<hbm>>
        %dma_wait3A_56 = arith.constant 0 : i32
        %dma_wait3A_57 = tpu.memref_slice %arg3[%add3A_14, %dma_wait3A_56] : memref<5120x128xi32, #tpu.memory_space<hbm>> -> memref<32x128xi32, #tpu.memory_space<hbm>>
        tpu.wait_dma2 semaphore(%run_scoped3A : memref<!tpu.dma_semaphore, #tpu.memory_space<semaphore_mem>>) src(%dma_wait3A_57 : memref<32x128xi32, #tpu.memory_space<hbm>>) dst(%arg7 : memref<32x128xi32, #tpu.memory_space<vmem>>)
        tpu.yield
      }) : () -> ()
      %mul3A_15 = arith.constant 32 : i32
      %mul3A_16 = arith.muli %scan3A_11, %mul3A_15 : i32
      %add3A_17 = arith.addi %mul3A_4, %mul3A_16 : i32
      "tpu.region"() ({
        %run_scoped3A = tpu.sem_alloc : memref<!tpu.dma_semaphore, #tpu.memory_space<semaphore_mem>>
        %dma_start3A_50 = arith.constant 0 : i32
        %dma_start3A_51 = tpu.memref_slice %arg4[%add3A_17, %dma_start3A_50] : memref<5120x128xi32, #tpu.memory_space<hbm>> -> memref<32x128xi32, #tpu.memory_space<hbm>>
        %dma_start3A_52 = arith.constant 0 : i32
        %dma_start3A_53 = tpu.memref_slice %arg4[%add3A_17, %dma_start3A_52] : memref<5120x128xi32, #tpu.memory_space<hbm>> -> memref<32x128xi32, #tpu.memory_space<hbm>>
        tpu.enqueue_dma source(%dma_start3A_53 : memref<32x128xi32, #tpu.memory_space<hbm>>) target(%arg8 : memref<32x128xi32, #tpu.memory_space<vmem>>) target_semaphore(%run_scoped3A : memref<!tpu.dma_semaphore, #tpu.memory_space<semaphore_mem>>)
        %dma_wait3A_54 = arith.constant 0 : i32
        %dma_wait3A_55 = tpu.memref_slice %arg4[%add3A_17, %dma_wait3A_54] : memref<5120x128xi32, #tpu.memory_space<hbm>> -> memref<32x128xi32, #tpu.memory_space<hbm>>
        %dma_wait3A_56 = arith.constant 0 : i32
        %dma_wait3A_57 = tpu.memref_slice %arg4[%add3A_17, %dma_wait3A_56] : memref<5120x128xi32, #tpu.memory_space<hbm>> -> memref<32x128xi32, #tpu.memory_space<hbm>>
        tpu.wait_dma2 semaphore(%run_scoped3A : memref<!tpu.dma_semaphore, #tpu.memory_space<semaphore_mem>>) src(%dma_wait3A_57 : memref<32x128xi32, #tpu.memory_space<hbm>>) dst(%arg8 : memref<32x128xi32, #tpu.memory_space<vmem>>)
        tpu.yield
      }) : () -> ()
      %dma_start3A = arith.constant 0 : i32
      %dma_start3A_18 = arith.constant 0 : i32
      %dma_start3A_19 = tpu.memref_slice %arg7[%dma_start3A, %dma_start3A_18] : memref<32x128xi32, #tpu.memory_space<vmem>> -> memref<1x128xi32, #tpu.memory_space<vmem>>
      %dma_start3A_20 = tpu.memref_squeeze %dma_start3A_19 : memref<1x128xi32, #tpu.memory_space<vmem>> -> memref<128xi32, #tpu.memory_space<vmem>>
      %dma_start3A_21 = arith.constant 0 : i32
      %dma_start3A_22 = arith.constant 0 : i32
      %dma_start3A_23 = tpu.memref_slice %arg2[%dma_start3A_21, %dma_start3A_22] : memref<10000x128xf32, #tpu.memory_space<hbm>> -> memref<10000x128xf32, #tpu.memory_space<hbm>>
      tpu.enqueue_indirect_dma source(%dma_start3A_23 : memref<10000x128xf32, #tpu.memory_space<hbm>>) target(%arg9 : memref<128x128xf32, #tpu.memory_space<vmem>>) offsets(%dma_start3A_20 : memref<128xi32, #tpu.memory_space<vmem>>) semaphore(%arg12 : memref<!tpu.dma_semaphore, #tpu.memory_space<semaphore_mem>>)
      %dma_start3A_24 = arith.constant 1 : i32
      %dma_start3A_25 = arith.constant 0 : i32
      %dma_start3A_26 = tpu.memref_slice %arg7[%dma_start3A_24, %dma_start3A_25] : memref<32x128xi32, #tpu.memory_space<vmem>> -> memref<1x128xi32, #tpu.memory_space<vmem>>
      %dma_start3A_27 = tpu.memref_squeeze %dma_start3A_26 : memref<1x128xi32, #tpu.memory_space<vmem>> -> memref<128xi32, #tpu.memory_space<vmem>>
      %dma_start3A_28 = arith.constant 0 : i32
      %dma_start3A_29 = arith.constant 0 : i32
      %dma_start3A_30 = tpu.memref_slice %arg2[%dma_start3A_28, %dma_start3A_29] : memref<10000x128xf32, #tpu.memory_space<hbm>> -> memref<10000x128xf32, #tpu.memory_space<hbm>>
      tpu.enqueue_indirect_dma source(%dma_start3A_30 : memref<10000x128xf32, #tpu.memory_space<hbm>>) target(%arg10 : memref<128x128xf32, #tpu.memory_space<vmem>>) offsets(%dma_start3A_27 : memref<128xi32, #tpu.memory_space<vmem>>) semaphore(%arg13 : memref<!tpu.dma_semaphore, #tpu.memory_space<semaphore_mem>>)
      %scan3A_31 = arith.constant 0 : i32
      %scan3A_32 = arith.constant 0 : i32
      %scan3A_33 = arith.constant 16 : i32
      %scan3A_34 = arith.addi %scan3A_32, %scan3A_33 : i32
      %scan3A_35 = arith.constant 1 : i32
      scf.for %scan3A_50 = %scan3A_32 to %scan3A_34 step %scan3A_35  : i32 {
        %mul3A_51 = arith.constant 2 : i32
        %mul3A_52 = arith.muli %mul3A_51, %scan3A_50 : i32
        %dma_wait3A_53 = arith.constant 0 : i32
        %dma_wait3A_54 = tpu.memref_slice %arg7[%mul3A_52, %dma_wait3A_53] : memref<32x128xi32, #tpu.memory_space<vmem>> -> memref<1x128xi32, #tpu.memory_space<vmem>>
        %dma_wait3A_55 = tpu.memref_squeeze %dma_wait3A_54 : memref<1x128xi32, #tpu.memory_space<vmem>> -> memref<128xi32, #tpu.memory_space<vmem>>
        %dma_wait3A_56 = arith.constant 0 : i32
        %dma_wait3A_57 = arith.constant 0 : i32
        %dma_wait3A_58 = tpu.memref_slice %arg2[%dma_wait3A_56, %dma_wait3A_57] : memref<10000x128xf32, #tpu.memory_space<hbm>> -> memref<10000x128xf32, #tpu.memory_space<hbm>>
        tpu.wait_indirect_dma semaphore(%arg12 : memref<!tpu.dma_semaphore, #tpu.memory_space<semaphore_mem>>) src(%dma_wait3A_58 : memref<10000x128xf32, #tpu.memory_space<hbm>>) dst(%arg9 : memref<128x128xf32, #tpu.memory_space<vmem>>)
        %dma_start3A_59 = arith.constant 0 : i32
        %dma_start3A_60 = tpu.memref_slice %arg8[%mul3A_52, %dma_start3A_59] : memref<32x128xi32, #tpu.memory_space<vmem>> -> memref<1x128xi32, #tpu.memory_space<vmem>>
        %dma_start3A_61 = tpu.memref_squeeze %dma_start3A_60 : memref<1x128xi32, #tpu.memory_space<vmem>> -> memref<128xi32, #tpu.memory_space<vmem>>
        %dma_start3A_62 = arith.constant 0 : i32
        %dma_start3A_63 = arith.constant 0 : i32
        %dma_start3A_64 = tpu.memref_slice %arg11[%dma_start3A_62, %dma_start3A_63] : memref<10112x128xf32, #tpu.memory_space<vmem_shared>> -> memref<10112x128xf32, #tpu.memory_space<vmem_shared>>
        tpu.enqueue_indirect_dma source(%arg9 : memref<128x128xf32, #tpu.memory_space<vmem>>) target(%dma_start3A_64 : memref<10112x128xf32, #tpu.memory_space<vmem_shared>>) offsets(%dma_start3A_61 : memref<128xi32, #tpu.memory_space<vmem>>) semaphore(%arg14 : memref<!tpu.dma_semaphore, #tpu.memory_space<semaphore_mem>>) {add = true}
        %add3A_65 = arith.constant 1 : i32
        %add3A_66 = arith.addi %mul3A_52, %add3A_65 : i32
        %dma_wait3A_67 = arith.constant 0 : i32
        %dma_wait3A_68 = tpu.memref_slice %arg7[%add3A_66, %dma_wait3A_67] : memref<32x128xi32, #tpu.memory_space<vmem>> -> memref<1x128xi32, #tpu.memory_space<vmem>>
        %dma_wait3A_69 = tpu.memref_squeeze %dma_wait3A_68 : memref<1x128xi32, #tpu.memory_space<vmem>> -> memref<128xi32, #tpu.memory_space<vmem>>
        %dma_wait3A_70 = arith.constant 0 : i32
        %dma_wait3A_71 = arith.constant 0 : i32
        %dma_wait3A_72 = tpu.memref_slice %arg2[%dma_wait3A_70, %dma_wait3A_71] : memref<10000x128xf32, #tpu.memory_space<hbm>> -> memref<10000x128xf32, #tpu.memory_space<hbm>>
        tpu.wait_indirect_dma semaphore(%arg13 : memref<!tpu.dma_semaphore, #tpu.memory_space<semaphore_mem>>) src(%dma_wait3A_72 : memref<10000x128xf32, #tpu.memory_space<hbm>>) dst(%arg10 : memref<128x128xf32, #tpu.memory_space<vmem>>)
        %add3A_73 = arith.constant 1 : i32
        %add3A_74 = arith.addi %mul3A_52, %add3A_73 : i32
        %dma_start3A_75 = arith.constant 0 : i32
        %dma_start3A_76 = tpu.memref_slice %arg8[%add3A_74, %dma_start3A_75] : memref<32x128xi32, #tpu.memory_space<vmem>> -> memref<1x128xi32, #tpu.memory_space<vmem>>
        %dma_start3A_77 = tpu.memref_squeeze %dma_start3A_76 : memref<1x128xi32, #tpu.memory_space<vmem>> -> memref<128xi32, #tpu.memory_space<vmem>>
        %dma_start3A_78 = arith.constant 0 : i32
        %dma_start3A_79 = arith.constant 0 : i32
        %dma_start3A_80 = tpu.memref_slice %arg11[%dma_start3A_78, %dma_start3A_79] : memref<10112x128xf32, #tpu.memory_space<vmem_shared>> -> memref<10112x128xf32, #tpu.memory_space<vmem_shared>>
        tpu.enqueue_indirect_dma source(%arg10 : memref<128x128xf32, #tpu.memory_space<vmem>>) target(%dma_start3A_80 : memref<10112x128xf32, #tpu.memory_space<vmem_shared>>) offsets(%dma_start3A_77 : memref<128xi32, #tpu.memory_space<vmem>>) semaphore(%arg15 : memref<!tpu.dma_semaphore, #tpu.memory_space<semaphore_mem>>) {add = true}
        %lt3A = arith.constant 15 : i32
        %lt3A_81 = arith.cmpi slt, %scan3A_50, %lt3A : i32
        %convert_element_type3A = arith.extui %lt3A_81 : i1 to i32
        %cond3A = arith.constant 0 : i32
        %cond3A_82 = arith.cmpi ne, %convert_element_type3A, %cond3A : i32
        scf.if %cond3A_82 {
          %dma_wait3A_83 = arith.constant 0 : i32
          %dma_wait3A_84 = tpu.memref_slice %arg8[%mul3A_52, %dma_wait3A_83] : memref<32x128xi32, #tpu.memory_space<vmem>> -> memref<1x128xi32, #tpu.memory_space<vmem>>
          %dma_wait3A_85 = tpu.memref_squeeze %dma_wait3A_84 : memref<1x128xi32, #tpu.memory_space<vmem>> -> memref<128xi32, #tpu.memory_space<vmem>>
          %dma_wait3A_86 = arith.constant 0 : i32
          %dma_wait3A_87 = arith.constant 0 : i32
          %dma_wait3A_88 = tpu.memref_slice %arg11[%dma_wait3A_86, %dma_wait3A_87] : memref<10112x128xf32, #tpu.memory_space<vmem_shared>> -> memref<10112x128xf32, #tpu.memory_space<vmem_shared>>
          tpu.wait_indirect_dma semaphore(%arg14 : memref<!tpu.dma_semaphore, #tpu.memory_space<semaphore_mem>>) src(%arg9 : memref<128x128xf32, #tpu.memory_space<vmem>>) dst(%dma_wait3A_88 : memref<10112x128xf32, #tpu.memory_space<vmem_shared>>)
          %add3A_89 = arith.constant 2 : i32
          %add3A_90 = arith.addi %mul3A_52, %add3A_89 : i32
          %dma_start3A_91 = arith.constant 0 : i32
          %dma_start3A_92 = tpu.memref_slice %arg7[%add3A_90, %dma_start3A_91] : memref<32x128xi32, #tpu.memory_space<vmem>> -> memref<1x128xi32, #tpu.memory_space<vmem>>
          %dma_start3A_93 = tpu.memref_squeeze %dma_start3A_92 : memref<1x128xi32, #tpu.memory_space<vmem>> -> memref<128xi32, #tpu.memory_space<vmem>>
          %dma_start3A_94 = arith.constant 0 : i32
          %dma_start3A_95 = arith.constant 0 : i32
          %dma_start3A_96 = tpu.memref_slice %arg2[%dma_start3A_94, %dma_start3A_95] : memref<10000x128xf32, #tpu.memory_space<hbm>> -> memref<10000x128xf32, #tpu.memory_space<hbm>>
          tpu.enqueue_indirect_dma source(%dma_start3A_96 : memref<10000x128xf32, #tpu.memory_space<hbm>>) target(%arg9 : memref<128x128xf32, #tpu.memory_space<vmem>>) offsets(%dma_start3A_93 : memref<128xi32, #tpu.memory_space<vmem>>) semaphore(%arg12 : memref<!tpu.dma_semaphore, #tpu.memory_space<semaphore_mem>>)
          %add3A_97 = arith.constant 1 : i32
          %add3A_98 = arith.addi %mul3A_52, %add3A_97 : i32
          %dma_wait3A_99 = arith.constant 0 : i32
          %dma_wait3A_100 = tpu.memref_slice %arg8[%add3A_98, %dma_wait3A_99] : memref<32x128xi32, #tpu.memory_space<vmem>> -> memref<1x128xi32, #tpu.memory_space<vmem>>
          %dma_wait3A_101 = tpu.memref_squeeze %dma_wait3A_100 : memref<1x128xi32, #tpu.memory_space<vmem>> -> memref<128xi32, #tpu.memory_space<vmem>>
          %dma_wait3A_102 = arith.constant 0 : i32
          %dma_wait3A_103 = arith.constant 0 : i32
          %dma_wait3A_104 = tpu.memref_slice %arg11[%dma_wait3A_102, %dma_wait3A_103] : memref<10112x128xf32, #tpu.memory_space<vmem_shared>> -> memref<10112x128xf32, #tpu.memory_space<vmem_shared>>
          tpu.wait_indirect_dma semaphore(%arg15 : memref<!tpu.dma_semaphore, #tpu.memory_space<semaphore_mem>>) src(%arg10 : memref<128x128xf32, #tpu.memory_space<vmem>>) dst(%dma_wait3A_104 : memref<10112x128xf32, #tpu.memory_space<vmem_shared>>)
          %add3A_105 = arith.constant 3 : i32
          %add3A_106 = arith.addi %mul3A_52, %add3A_105 : i32
          %dma_start3A_107 = arith.constant 0 : i32
          %dma_start3A_108 = tpu.memref_slice %arg7[%add3A_106, %dma_start3A_107] : memref<32x128xi32, #tpu.memory_space<vmem>> -> memref<1x128xi32, #tpu.memory_space<vmem>>
          %dma_start3A_109 = tpu.memref_squeeze %dma_start3A_108 : memref<1x128xi32, #tpu.memory_space<vmem>> -> memref<128xi32, #tpu.memory_space<vmem>>
          %dma_start3A_110 = arith.constant 0 : i32
          %dma_start3A_111 = arith.constant 0 : i32
          %dma_start3A_112 = tpu.memref_slice %arg2[%dma_start3A_110, %dma_start3A_111] : memref<10000x128xf32, #tpu.memory_space<hbm>> -> memref<10000x128xf32, #tpu.memory_space<hbm>>
          tpu.enqueue_indirect_dma source(%dma_start3A_112 : memref<10000x128xf32, #tpu.memory_space<hbm>>) target(%arg10 : memref<128x128xf32, #tpu.memory_space<vmem>>) offsets(%dma_start3A_109 : memref<128xi32, #tpu.memory_space<vmem>>) semaphore(%arg13 : memref<!tpu.dma_semaphore, #tpu.memory_space<semaphore_mem>>)
        } else {
        }
      }
      %scan3A_36 = arith.constant 16 : i32
      %dma_wait3A = arith.constant 0 : i32
      %dma_wait3A_37 = arith.constant 0 : i32
      %dma_wait3A_38 = tpu.memref_slice %arg8[%dma_wait3A, %dma_wait3A_37] : memref<32x128xi32, #tpu.memory_space<vmem>> -> memref<1x128xi32, #tpu.memory_space<vmem>>
      %dma_wait3A_39 = tpu.memref_squeeze %dma_wait3A_38 : memref<1x128xi32, #tpu.memory_space<vmem>> -> memref<128xi32, #tpu.memory_space<vmem>>
      %dma_wait3A_40 = arith.constant 0 : i32
      %dma_wait3A_41 = arith.constant 0 : i32
      %dma_wait3A_42 = tpu.memref_slice %arg11[%dma_wait3A_40, %dma_wait3A_41] : memref<10112x128xf32, #tpu.memory_space<vmem_shared>> -> memref<10112x128xf32, #tpu.memory_space<vmem_shared>>
      tpu.wait_indirect_dma semaphore(%arg14 : memref<!tpu.dma_semaphore, #tpu.memory_space<semaphore_mem>>) src(%arg9 : memref<128x128xf32, #tpu.memory_space<vmem>>) dst(%dma_wait3A_42 : memref<10112x128xf32, #tpu.memory_space<vmem_shared>>)
      %dma_wait3A_43 = arith.constant 1 : i32
      %dma_wait3A_44 = arith.constant 0 : i32
      %dma_wait3A_45 = tpu.memref_slice %arg8[%dma_wait3A_43, %dma_wait3A_44] : memref<32x128xi32, #tpu.memory_space<vmem>> -> memref<1x128xi32, #tpu.memory_space<vmem>>
      %dma_wait3A_46 = tpu.memref_squeeze %dma_wait3A_45 : memref<1x128xi32, #tpu.memory_space<vmem>> -> memref<128xi32, #tpu.memory_space<vmem>>
      %dma_wait3A_47 = arith.constant 0 : i32
      %dma_wait3A_48 = arith.constant 0 : i32
      %dma_wait3A_49 = tpu.memref_slice %arg11[%dma_wait3A_47, %dma_wait3A_48] : memref<10112x128xf32, #tpu.memory_space<vmem_shared>> -> memref<10112x128xf32, #tpu.memory_space<vmem_shared>>
      tpu.wait_indirect_dma semaphore(%arg15 : memref<!tpu.dma_semaphore, #tpu.memory_space<semaphore_mem>>) src(%arg10 : memref<128x128xf32, #tpu.memory_space<vmem>>) dst(%dma_wait3A_49 : memref<10112x128xf32, #tpu.memory_space<vmem_shared>>)
    }
    %scan3A_9 = arith.constant 5 : i32
    %barrier3A_10 = arith.constant 0 : index
    tpu.barrier barrier_id(%barrier3A_10)
    "tpu.region"() ({
      %run_scoped3A = tpu.sem_alloc : memref<!tpu.dma_semaphore, #tpu.memory_space<semaphore_mem>>
      %dma_start3A = arith.constant 0 : i32
      %dma_start3A_11 = tpu.memref_slice %arg6[%arg0, %mul3A_0, %dma_start3A] : memref<2x10112x128xf32, #tpu.memory_space<hbm>> -> memref<1x632x128xf32, #tpu.memory_space<hbm>>
      %dma_start3A_12 = tpu.memref_squeeze %dma_start3A_11 : memref<1x632x128xf32, #tpu.memory_space<hbm>> -> memref<632x128xf32, #tpu.memory_space<hbm>>
      %dma_start3A_13 = arith.constant 0 : i32
      %dma_start3A_14 = tpu.memref_slice %arg11[%mul3A_0, %dma_start3A_13] : memref<10112x128xf32, #tpu.memory_space<vmem_shared>> -> memref<632x128xf32, #tpu.memory_space<vmem_shared>>
      tpu.enqueue_dma source(%dma_start3A_14 : memref<632x128xf32, #tpu.memory_space<vmem_shared>>) target(%dma_start3A_12 : memref<632x128xf32, #tpu.memory_space<hbm>>) target_semaphore(%run_scoped3A : memref<!tpu.dma_semaphore, #tpu.memory_space<semaphore_mem>>)
      %dma_wait3A = arith.constant 0 : i32
      %dma_wait3A_15 = tpu.memref_slice %arg6[%arg0, %mul3A_0, %dma_wait3A] : memref<2x10112x128xf32, #tpu.memory_space<hbm>> -> memref<1x632x128xf32, #tpu.memory_space<hbm>>
      %dma_wait3A_16 = tpu.memref_squeeze %dma_wait3A_15 : memref<1x632x128xf32, #tpu.memory_space<hbm>> -> memref<632x128xf32, #tpu.memory_space<hbm>>
      %dma_wait3A_17 = arith.constant 0 : i32
      %dma_wait3A_18 = tpu.memref_slice %arg11[%mul3A_0, %dma_wait3A_17] : memref<10112x128xf32, #tpu.memory_space<vmem_shared>> -> memref<632x128xf32, #tpu.memory_space<vmem_shared>>
      tpu.wait_dma2 semaphore(%run_scoped3A : memref<!tpu.dma_semaphore, #tpu.memory_space<semaphore_mem>>) src(%dma_wait3A_18 : memref<632x128xf32, #tpu.memory_space<vmem_shared>>) dst(%dma_wait3A_16 : memref<632x128xf32, #tpu.memory_space<hbm>>)
      tpu.yield
    }) : () -> ()
    return
  }
}

#map = affine_map<(d0, d1) -> (0, 0)>
#map1 = affine_map<(d0, d1) -> (0, 0, 0)>
module attributes {stable_mosaic.version = 14 : i64} {
  func.func @k(%arg0: i32, %arg1: i32, %arg2: memref<10000x128xf32, #tpu.memory_space<hbm>>, %arg3: memref<5120x128xi32, #tpu.memory_space<hbm>>, %arg4: memref<5120x128xi32, #tpu.memory_space<hbm>>, %arg5: memref<10112x128xf32, #tpu.memory_space<hbm>>, %arg6: memref<2x10112x128xf32, #tpu.memory_space<hbm>>, %arg7: memref<32x128xi32, #tpu.memory_space<vmem>>, %arg8: memref<32x128xi32, #tpu.memory_space<vmem>>, %arg9: memref<128x128xf32, #tpu.memory_space<vmem>>, %arg10: memref<128x128xf32, #tpu.memory_space<vmem>>, %arg11: memref<10112x128xf32, #tpu.memory_space<vmem_shared>>, %arg12: memref<!tpu.dma_semaphore, #tpu.memory_space<semaphore_mem>>, %arg13: memref<!tpu.dma_semaphore, #tpu.memory_space<semaphore_mem>>, %arg14: memref<!tpu.dma_semaphore, #tpu.memory_space<semaphore_mem>>, %arg15: memref<!tpu.dma_semaphore, #tpu.memory_space<semaphore_mem>>) attributes {dimension_semantics = [#tpu.dimension_semantics<core_parallel>, #tpu.dimension_semantics<subcore_parallel>], iteration_bounds = array<i64: 2, 16>, scalar_prefetch = 0 : i64, scratch_operands = 9 : i64, tpu.core_type = #tpu.core_type<sc_vector_subcore>, window_params = [{transform_indices = #map}, {transform_indices = #map}, {transform_indices = #map}, {transform_indices = #map}, {transform_indices = #map1}]} {
    %mul3A = arith.constant 632 : i32
    %mul3A_0 = arith.muli %arg1, %mul3A : i32
    "tpu.region"() ({
      %run_scoped3A = tpu.sem_alloc : memref<!tpu.dma_semaphore, #tpu.memory_space<semaphore_mem>>
      %dma_start3A = arith.constant 0 : i32
      %dma_start3A_11 = tpu.memref_slice %arg11[%mul3A_0, %dma_start3A] : memref<10112x128xf32, #tpu.memory_space<vmem_shared>> -> memref<632x128xf32, #tpu.memory_space<vmem_shared>>
      %dma_start3A_12 = arith.constant 0 : i32
      %dma_start3A_13 = tpu.memref_slice %arg5[%mul3A_0, %dma_start3A_12] : memref<10112x128xf32, #tpu.memory_space<hbm>> -> memref<632x128xf32, #tpu.memory_space<hbm>>
      tpu.enqueue_dma source(%dma_start3A_13 : memref<632x128xf32, #tpu.memory_space<hbm>>) target(%dma_start3A_11 : memref<632x128xf32, #tpu.memory_space<vmem_shared>>) target_semaphore(%run_scoped3A : memref<!tpu.dma_semaphore, #tpu.memory_space<semaphore_mem>>)
      %dma_wait3A = arith.constant 0 : i32
      %dma_wait3A_14 = tpu.memref_slice %arg11[%mul3A_0, %dma_wait3A] : memref<10112x128xf32, #tpu.memory_space<vmem_shared>> -> memref<632x128xf32, #tpu.memory_space<vmem_shared>>
      %dma_wait3A_15 = arith.constant 0 : i32
      %dma_wait3A_16 = tpu.memref_slice %arg5[%mul3A_0, %dma_wait3A_15] : memref<10112x128xf32, #tpu.memory_space<hbm>> -> memref<632x128xf32, #tpu.memory_space<hbm>>
      tpu.wait_dma2 semaphore(%run_scoped3A : memref<!tpu.dma_semaphore, #tpu.memory_space<semaphore_mem>>) src(%dma_wait3A_16 : memref<632x128xf32, #tpu.memory_space<hbm>>) dst(%dma_wait3A_14 : memref<632x128xf32, #tpu.memory_space<vmem_shared>>)
      tpu.yield
    }) : () -> ()
    %barrier3A = arith.constant 0 : index
    tpu.barrier barrier_id(%barrier3A)
    %mul3A_1 = arith.constant 16 : i32
    %mul3A_2 = arith.muli %arg0, %mul3A_1 : i32
    %add3A = arith.addi %mul3A_2, %arg1 : i32
    %mul3A_3 = arith.constant 160 : i32
    %mul3A_4 = arith.muli %add3A, %mul3A_3 : i32
    %scan3A = arith.constant 0 : i32
    %scan3A_5 = arith.constant 0 : i32
    %scan3A_6 = arith.constant 5 : i32
    %scan3A_7 = arith.addi %scan3A_5, %scan3A_6 : i32
    %scan3A_8 = arith.constant 1 : i32
    scf.for %scan3A_11 = %scan3A_5 to %scan3A_7 step %scan3A_8  : i32 {
      %mul3A_12 = arith.constant 32 : i32
      %mul3A_13 = arith.muli %scan3A_11, %mul3A_12 : i32
      %add3A_14 = arith.addi %mul3A_4, %mul3A_13 : i32
      "tpu.region"() ({
        %run_scoped3A = tpu.sem_alloc : memref<!tpu.dma_semaphore, #tpu.memory_space<semaphore_mem>>
        %dma_start3A_50 = arith.constant 0 : i32
        %dma_start3A_51 = tpu.memref_slice %arg3[%add3A_14, %dma_start3A_50] : memref<5120x128xi32, #tpu.memory_space<hbm>> -> memref<32x128xi32, #tpu.memory_space<hbm>>
        %dma_start3A_52 = arith.constant 0 : i32
        %dma_start3A_53 = tpu.memref_slice %arg3[%add3A_14, %dma_start3A_52] : memref<5120x128xi32, #tpu.memory_space<hbm>> -> memref<32x128xi32, #tpu.memory_space<hbm>>
        tpu.enqueue_dma source(%dma_start3A_53 : memref<32x128xi32, #tpu.memory_space<hbm>>) target(%arg7 : memref<32x128xi32, #tpu.memory_space<vmem>>) target_semaphore(%run_scoped3A : memref<!tpu.dma_semaphore, #tpu.memory_space<semaphore_mem>>)
        %dma_wait3A_54 = arith.constant 0 : i32
        %dma_wait3A_55 = tpu.memref_slice %arg3[%add3A_14, %dma_wait3A_54] : memref<5120x128xi32, #tpu.memory_space<hbm>> -> memref<32x128xi32, #tpu.memory_space<hbm>>
        %dma_wait3A_56 = arith.constant 0 : i32
        %dma_wait3A_57 = tpu.memref_slice %arg3[%add3A_14, %dma_wait3A_56] : memref<5120x128xi32, #tpu.memory_space<hbm>> -> memref<32x128xi32, #tpu.memory_space<hbm>>
        tpu.wait_dma2 semaphore(%run_scoped3A : memref<!tpu.dma_semaphore, #tpu.memory_space<semaphore_mem>>) src(%dma_wait3A_57 : memref<32x128xi32, #tpu.memory_space<hbm>>) dst(%arg7 : memref<32x128xi32, #tpu.memory_space<vmem>>)
        tpu.yield
      }) : () -> ()
      %mul3A_15 = arith.constant 32 : i32
      %mul3A_16 = arith.muli %scan3A_11, %mul3A_15 : i32
      %add3A_17 = arith.addi %mul3A_4, %mul3A_16 : i32
      "tpu.region"() ({
        %run_scoped3A = tpu.sem_alloc : memref<!tpu.dma_semaphore, #tpu.memory_space<semaphore_mem>>
        %dma_start3A_50 = arith.constant 0 : i32
        %dma_start3A_51 = tpu.memref_slice %arg4[%add3A_17, %dma_start3A_50] : memref<5120x128xi32, #tpu.memory_space<hbm>> -> memref<32x128xi32, #tpu.memory_space<hbm>>
        %dma_start3A_52 = arith.constant 0 : i32
        %dma_start3A_53 = tpu.memref_slice %arg4[%add3A_17, %dma_start3A_52] : memref<5120x128xi32, #tpu.memory_space<hbm>> -> memref<32x128xi32, #tpu.memory_space<hbm>>
        tpu.enqueue_dma source(%dma_start3A_53 : memref<32x128xi32, #tpu.memory_space<hbm>>) target(%arg8 : memref<32x128xi32, #tpu.memory_space<vmem>>) target_semaphore(%run_scoped3A : memref<!tpu.dma_semaphore, #tpu.memory_space<semaphore_mem>>)
        %dma_wait3A_54 = arith.constant 0 : i32
        %dma_wait3A_55 = tpu.memref_slice %arg4[%add3A_17, %dma_wait3A_54] : memref<5120x128xi32, #tpu.memory_space<hbm>> -> memref<32x128xi32, #tpu.memory_space<hbm>>
        %dma_wait3A_56 = arith.constant 0 : i32
        %dma_wait3A_57 = tpu.memref_slice %arg4[%add3A_17, %dma_wait3A_56] : memref<5120x128xi32, #tpu.memory_space<hbm>> -> memref<32x128xi32, #tpu.memory_space<hbm>>
        tpu.wait_dma2 semaphore(%run_scoped3A : memref<!tpu.dma_semaphore, #tpu.memory_space<semaphore_mem>>) src(%dma_wait3A_57 : memref<32x128xi32, #tpu.memory_space<hbm>>) dst(%arg8 : memref<32x128xi32, #tpu.memory_space<vmem>>)
        tpu.yield
      }) : () -> ()
      %dma_start3A = arith.constant 0 : i32
      %dma_start3A_18 = arith.constant 0 : i32
      %dma_start3A_19 = tpu.memref_slice %arg7[%dma_start3A, %dma_start3A_18] : memref<32x128xi32, #tpu.memory_space<vmem>> -> memref<1x128xi32, #tpu.memory_space<vmem>>
      %dma_start3A_20 = tpu.memref_squeeze %dma_start3A_19 : memref<1x128xi32, #tpu.memory_space<vmem>> -> memref<128xi32, #tpu.memory_space<vmem>>
      %dma_start3A_21 = arith.constant 0 : i32
      %dma_start3A_22 = arith.constant 0 : i32
      %dma_start3A_23 = tpu.memref_slice %arg2[%dma_start3A_21, %dma_start3A_22] : memref<10000x128xf32, #tpu.memory_space<hbm>> -> memref<10000x128xf32, #tpu.memory_space<hbm>>
      tpu.enqueue_indirect_dma source(%dma_start3A_23 : memref<10000x128xf32, #tpu.memory_space<hbm>>) target(%arg9 : memref<128x128xf32, #tpu.memory_space<vmem>>) offsets(%dma_start3A_20 : memref<128xi32, #tpu.memory_space<vmem>>) semaphore(%arg12 : memref<!tpu.dma_semaphore, #tpu.memory_space<semaphore_mem>>)
      %dma_start3A_24 = arith.constant 1 : i32
      %dma_start3A_25 = arith.constant 0 : i32
      %dma_start3A_26 = tpu.memref_slice %arg7[%dma_start3A_24, %dma_start3A_25] : memref<32x128xi32, #tpu.memory_space<vmem>> -> memref<1x128xi32, #tpu.memory_space<vmem>>
      %dma_start3A_27 = tpu.memref_squeeze %dma_start3A_26 : memref<1x128xi32, #tpu.memory_space<vmem>> -> memref<128xi32, #tpu.memory_space<vmem>>
      %dma_start3A_28 = arith.constant 0 : i32
      %dma_start3A_29 = arith.constant 0 : i32
      %dma_start3A_30 = tpu.memref_slice %arg2[%dma_start3A_28, %dma_start3A_29] : memref<10000x128xf32, #tpu.memory_space<hbm>> -> memref<10000x128xf32, #tpu.memory_space<hbm>>
      tpu.enqueue_indirect_dma source(%dma_start3A_30 : memref<10000x128xf32, #tpu.memory_space<hbm>>) target(%arg10 : memref<128x128xf32, #tpu.memory_space<vmem>>) offsets(%dma_start3A_27 : memref<128xi32, #tpu.memory_space<vmem>>) semaphore(%arg13 : memref<!tpu.dma_semaphore, #tpu.memory_space<semaphore_mem>>)
      %scan3A_31 = arith.constant 0 : i32
      %scan3A_32 = arith.constant 0 : i32
      %scan3A_33 = arith.constant 16 : i32
      %scan3A_34 = arith.addi %scan3A_32, %scan3A_33 : i32
      %scan3A_35 = arith.constant 1 : i32
      scf.for %scan3A_50 = %scan3A_32 to %scan3A_34 step %scan3A_35  : i32 {
        %mul3A_51 = arith.constant 2 : i32
        %mul3A_52 = arith.muli %mul3A_51, %scan3A_50 : i32
        %dma_wait3A_53 = arith.constant 0 : i32
        %dma_wait3A_54 = tpu.memref_slice %arg7[%mul3A_52, %dma_wait3A_53] : memref<32x128xi32, #tpu.memory_space<vmem>> -> memref<1x128xi32, #tpu.memory_space<vmem>>
        %dma_wait3A_55 = tpu.memref_squeeze %dma_wait3A_54 : memref<1x128xi32, #tpu.memory_space<vmem>> -> memref<128xi32, #tpu.memory_space<vmem>>
        %dma_wait3A_56 = arith.constant 0 : i32
        %dma_wait3A_57 = arith.constant 0 : i32
        %dma_wait3A_58 = tpu.memref_slice %arg2[%dma_wait3A_56, %dma_wait3A_57] : memref<10000x128xf32, #tpu.memory_space<hbm>> -> memref<10000x128xf32, #tpu.memory_space<hbm>>
        tpu.wait_indirect_dma semaphore(%arg12 : memref<!tpu.dma_semaphore, #tpu.memory_space<semaphore_mem>>) src(%dma_wait3A_58 : memref<10000x128xf32, #tpu.memory_space<hbm>>) dst(%arg9 : memref<128x128xf32, #tpu.memory_space<vmem>>)
        %dma_start3A_59 = arith.constant 0 : i32
        %dma_start3A_60 = tpu.memref_slice %arg8[%mul3A_52, %dma_start3A_59] : memref<32x128xi32, #tpu.memory_space<vmem>> -> memref<1x128xi32, #tpu.memory_space<vmem>>
        %dma_start3A_61 = tpu.memref_squeeze %dma_start3A_60 : memref<1x128xi32, #tpu.memory_space<vmem>> -> memref<128xi32, #tpu.memory_space<vmem>>
        %dma_start3A_62 = arith.constant 0 : i32
        %dma_start3A_63 = arith.constant 0 : i32
        %dma_start3A_64 = tpu.memref_slice %arg11[%dma_start3A_62, %dma_start3A_63] : memref<10112x128xf32, #tpu.memory_space<vmem_shared>> -> memref<10112x128xf32, #tpu.memory_space<vmem_shared>>
        tpu.enqueue_indirect_dma source(%arg9 : memref<128x128xf32, #tpu.memory_space<vmem>>) target(%dma_start3A_64 : memref<10112x128xf32, #tpu.memory_space<vmem_shared>>) offsets(%dma_start3A_61 : memref<128xi32, #tpu.memory_space<vmem>>) semaphore(%arg14 : memref<!tpu.dma_semaphore, #tpu.memory_space<semaphore_mem>>) {add = true}
        %add3A_65 = arith.constant 1 : i32
        %add3A_66 = arith.addi %mul3A_52, %add3A_65 : i32
        %dma_wait3A_67 = arith.constant 0 : i32
        %dma_wait3A_68 = tpu.memref_slice %arg7[%add3A_66, %dma_wait3A_67] : memref<32x128xi32, #tpu.memory_space<vmem>> -> memref<1x128xi32, #tpu.memory_space<vmem>>
        %dma_wait3A_69 = tpu.memref_squeeze %dma_wait3A_68 : memref<1x128xi32, #tpu.memory_space<vmem>> -> memref<128xi32, #tpu.memory_space<vmem>>
        %dma_wait3A_70 = arith.constant 0 : i32
        %dma_wait3A_71 = arith.constant 0 : i32
        %dma_wait3A_72 = tpu.memref_slice %arg2[%dma_wait3A_70, %dma_wait3A_71] : memref<10000x128xf32, #tpu.memory_space<hbm>> -> memref<10000x128xf32, #tpu.memory_space<hbm>>
        tpu.wait_indirect_dma semaphore(%arg13 : memref<!tpu.dma_semaphore, #tpu.memory_space<semaphore_mem>>) src(%dma_wait3A_72 : memref<10000x128xf32, #tpu.memory_space<hbm>>) dst(%arg10 : memref<128x128xf32, #tpu.memory_space<vmem>>)
        %add3A_73 = arith.constant 1 : i32
        %add3A_74 = arith.addi %mul3A_52, %add3A_73 : i32
        %dma_start3A_75 = arith.constant 0 : i32
        %dma_start3A_76 = tpu.memref_slice %arg8[%add3A_74, %dma_start3A_75] : memref<32x128xi32, #tpu.memory_space<vmem>> -> memref<1x128xi32, #tpu.memory_space<vmem>>
        %dma_start3A_77 = tpu.memref_squeeze %dma_start3A_76 : memref<1x128xi32, #tpu.memory_space<vmem>> -> memref<128xi32, #tpu.memory_space<vmem>>
        %dma_start3A_78 = arith.constant 0 : i32
        %dma_start3A_79 = arith.constant 0 : i32
        %dma_start3A_80 = tpu.memref_slice %arg11[%dma_start3A_78, %dma_start3A_79] : memref<10112x128xf32, #tpu.memory_space<vmem_shared>> -> memref<10112x128xf32, #tpu.memory_space<vmem_shared>>
        tpu.enqueue_indirect_dma source(%arg10 : memref<128x128xf32, #tpu.memory_space<vmem>>) target(%dma_start3A_80 : memref<10112x128xf32, #tpu.memory_space<vmem_shared>>) offsets(%dma_start3A_77 : memref<128xi32, #tpu.memory_space<vmem>>) semaphore(%arg15 : memref<!tpu.dma_semaphore, #tpu.memory_space<semaphore_mem>>) {add = true}
        %lt3A = arith.constant 15 : i32
        %lt3A_81 = arith.cmpi slt, %scan3A_50, %lt3A : i32
        %convert_element_type3A = arith.extui %lt3A_81 : i1 to i32
        %cond3A = arith.constant 0 : i32
        %cond3A_82 = arith.cmpi ne, %convert_element_type3A, %cond3A : i32
        scf.if %cond3A_82 {
          %dma_wait3A_83 = arith.constant 0 : i32
          %dma_wait3A_84 = tpu.memref_slice %arg8[%mul3A_52, %dma_wait3A_83] : memref<32x128xi32, #tpu.memory_space<vmem>> -> memref<1x128xi32, #tpu.memory_space<vmem>>
          %dma_wait3A_85 = tpu.memref_squeeze %dma_wait3A_84 : memref<1x128xi32, #tpu.memory_space<vmem>> -> memref<128xi32, #tpu.memory_space<vmem>>
          %dma_wait3A_86 = arith.constant 0 : i32
          %dma_wait3A_87 = arith.constant 0 : i32
          %dma_wait3A_88 = tpu.memref_slice %arg11[%dma_wait3A_86, %dma_wait3A_87] : memref<10112x128xf32, #tpu.memory_space<vmem_shared>> -> memref<10112x128xf32, #tpu.memory_space<vmem_shared>>
          tpu.wait_indirect_dma semaphore(%arg14 : memref<!tpu.dma_semaphore, #tpu.memory_space<semaphore_mem>>) src(%arg9 : memref<128x128xf32, #tpu.memory_space<vmem>>) dst(%dma_wait3A_88 : memref<10112x128xf32, #tpu.memory_space<vmem_shared>>)
          %add3A_89 = arith.constant 2 : i32
          %add3A_90 = arith.addi %mul3A_52, %add3A_89 : i32
          %dma_start3A_91 = arith.constant 0 : i32
          %dma_start3A_92 = tpu.memref_slice %arg7[%add3A_90, %dma_start3A_91] : memref<32x128xi32, #tpu.memory_space<vmem>> -> memref<1x128xi32, #tpu.memory_space<vmem>>
          %dma_start3A_93 = tpu.memref_squeeze %dma_start3A_92 : memref<1x128xi32, #tpu.memory_space<vmem>> -> memref<128xi32, #tpu.memory_space<vmem>>
          %dma_start3A_94 = arith.constant 0 : i32
          %dma_start3A_95 = arith.constant 0 : i32
          %dma_start3A_96 = tpu.memref_slice %arg2[%dma_start3A_94, %dma_start3A_95] : memref<10000x128xf32, #tpu.memory_space<hbm>> -> memref<10000x128xf32, #tpu.memory_space<hbm>>
          tpu.enqueue_indirect_dma source(%dma_start3A_96 : memref<10000x128xf32, #tpu.memory_space<hbm>>) target(%arg9 : memref<128x128xf32, #tpu.memory_space<vmem>>) offsets(%dma_start3A_93 : memref<128xi32, #tpu.memory_space<vmem>>) semaphore(%arg12 : memref<!tpu.dma_semaphore, #tpu.memory_space<semaphore_mem>>)
          %add3A_97 = arith.constant 1 : i32
          %add3A_98 = arith.addi %mul3A_52, %add3A_97 : i32
          %dma_wait3A_99 = arith.constant 0 : i32
          %dma_wait3A_100 = tpu.memref_slice %arg8[%add3A_98, %dma_wait3A_99] : memref<32x128xi32, #tpu.memory_space<vmem>> -> memref<1x128xi32, #tpu.memory_space<vmem>>
          %dma_wait3A_101 = tpu.memref_squeeze %dma_wait3A_100 : memref<1x128xi32, #tpu.memory_space<vmem>> -> memref<128xi32, #tpu.memory_space<vmem>>
          %dma_wait3A_102 = arith.constant 0 : i32
          %dma_wait3A_103 = arith.constant 0 : i32
          %dma_wait3A_104 = tpu.memref_slice %arg11[%dma_wait3A_102, %dma_wait3A_103] : memref<10112x128xf32, #tpu.memory_space<vmem_shared>> -> memref<10112x128xf32, #tpu.memory_space<vmem_shared>>
          tpu.wait_indirect_dma semaphore(%arg15 : memref<!tpu.dma_semaphore, #tpu.memory_space<semaphore_mem>>) src(%arg10 : memref<128x128xf32, #tpu.memory_space<vmem>>) dst(%dma_wait3A_104 : memref<10112x128xf32, #tpu.memory_space<vmem_shared>>)
          %add3A_105 = arith.constant 3 : i32
          %add3A_106 = arith.addi %mul3A_52, %add3A_105 : i32
          %dma_start3A_107 = arith.constant 0 : i32
          %dma_start3A_108 = tpu.memref_slice %arg7[%add3A_106, %dma_start3A_107] : memref<32x128xi32, #tpu.memory_space<vmem>> -> memref<1x128xi32, #tpu.memory_space<vmem>>
          %dma_start3A_109 = tpu.memref_squeeze %dma_start3A_108 : memref<1x128xi32, #tpu.memory_space<vmem>> -> memref<128xi32, #tpu.memory_space<vmem>>
          %dma_start3A_110 = arith.constant 0 : i32
          %dma_start3A_111 = arith.constant 0 : i32
          %dma_start3A_112 = tpu.memref_slice %arg2[%dma_start3A_110, %dma_start3A_111] : memref<10000x128xf32, #tpu.memory_space<hbm>> -> memref<10000x128xf32, #tpu.memory_space<hbm>>
          tpu.enqueue_indirect_dma source(%dma_start3A_112 : memref<10000x128xf32, #tpu.memory_space<hbm>>) target(%arg10 : memref<128x128xf32, #tpu.memory_space<vmem>>) offsets(%dma_start3A_109 : memref<128xi32, #tpu.memory_space<vmem>>) semaphore(%arg13 : memref<!tpu.dma_semaphore, #tpu.memory_space<semaphore_mem>>)
        } else {
        }
      }
      %scan3A_36 = arith.constant 16 : i32
      %dma_wait3A = arith.constant 0 : i32
      %dma_wait3A_37 = arith.constant 0 : i32
      %dma_wait3A_38 = tpu.memref_slice %arg8[%dma_wait3A, %dma_wait3A_37] : memref<32x128xi32, #tpu.memory_space<vmem>> -> memref<1x128xi32, #tpu.memory_space<vmem>>
      %dma_wait3A_39 = tpu.memref_squeeze %dma_wait3A_38 : memref<1x128xi32, #tpu.memory_space<vmem>> -> memref<128xi32, #tpu.memory_space<vmem>>
      %dma_wait3A_40 = arith.constant 0 : i32
      %dma_wait3A_41 = arith.constant 0 : i32
      %dma_wait3A_42 = tpu.memref_slice %arg11[%dma_wait3A_40, %dma_wait3A_41] : memref<10112x128xf32, #tpu.memory_space<vmem_shared>> -> memref<10112x128xf32, #tpu.memory_space<vmem_shared>>
      tpu.wait_indirect_dma semaphore(%arg14 : memref<!tpu.dma_semaphore, #tpu.memory_space<semaphore_mem>>) src(%arg9 : memref<128x128xf32, #tpu.memory_space<vmem>>) dst(%dma_wait3A_42 : memref<10112x128xf32, #tpu.memory_space<vmem_shared>>)
      %dma_wait3A_43 = arith.constant 1 : i32
      %dma_wait3A_44 = arith.constant 0 : i32
      %dma_wait3A_45 = tpu.memref_slice %arg8[%dma_wait3A_43, %dma_wait3A_44] : memref<32x128xi32, #tpu.memory_space<vmem>> -> memref<1x128xi32, #tpu.memory_space<vmem>>
      %dma_wait3A_46 = tpu.memref_squeeze %dma_wait3A_45 : memref<1x128xi32, #tpu.memory_space<vmem>> -> memref<128xi32, #tpu.memory_space<vmem>>
      %dma_wait3A_47 = arith.constant 0 : i32
      %dma_wait3A_48 = arith.constant 0 : i32
      %dma_wait3A_49 = tpu.memref_slice %arg11[%dma_wait3A_47, %dma_wait3A_48] : memref<10112x128xf32, #tpu.memory_space<vmem_shared>> -> memref<10112x128xf32, #tpu.memory_space<vmem_shared>>
      tpu.wait_indirect_dma semaphore(%arg15 : memref<!tpu.dma_semaphore, #tpu.memory_space<semaphore_mem>>) src(%arg10 : memref<128x128xf32, #tpu.memory_space<vmem>>) dst(%dma_wait3A_49 : memref<10112x128xf32, #tpu.memory_space<vmem_shared>>)
    }
    %scan3A_9 = arith.constant 5 : i32
    %barrier3A_10 = arith.constant 0 : index
    tpu.barrier barrier_id(%barrier3A_10)
    "tpu.region"() ({
      %run_scoped3A = tpu.sem_alloc : memref<!tpu.dma_semaphore, #tpu.memory_space<semaphore_mem>>
      %dma_start3A = arith.constant 0 : i32
      %dma_start3A_11 = tpu.memref_slice %arg6[%arg0, %mul3A_0, %dma_start3A] : memref<2x10112x128xf32, #tpu.memory_space<hbm>> -> memref<1x632x128xf32, #tpu.memory_space<hbm>>
      %dma_start3A_12 = tpu.memref_squeeze %dma_start3A_11 : memref<1x632x128xf32, #tpu.memory_space<hbm>> -> memref<632x128xf32, #tpu.memory_space<hbm>>
      %dma_start3A_13 = arith.constant 0 : i32
      %dma_start3A_14 = tpu.memref_slice %arg11[%mul3A_0, %dma_start3A_13] : memref<10112x128xf32, #tpu.memory_space<vmem_shared>> -> memref<632x128xf32, #tpu.memory_space<vmem_shared>>
      tpu.enqueue_dma source(%dma_start3A_14 : memref<632x128xf32, #tpu.memory_space<vmem_shared>>) target(%dma_start3A_12 : memref<632x128xf32, #tpu.memory_space<hbm>>) target_semaphore(%run_scoped3A : memref<!tpu.dma_semaphore, #tpu.memory_space<semaphore_mem>>)
      %dma_wait3A = arith.constant 0 : i32
      %dma_wait3A_15 = tpu.memref_slice %arg6[%arg0, %mul3A_0, %dma_wait3A] : memref<2x10112x128xf32, #tpu.memory_space<hbm>> -> memref<1x632x128xf32, #tpu.memory_space<hbm>>
      %dma_wait3A_16 = tpu.memref_squeeze %dma_wait3A_15 : memref<1x632x128xf32, #tpu.memory_space<hbm>> -> memref<632x128xf32, #tpu.memory_space<hbm>>
      %dma_wait3A_17 = arith.constant 0 : i32
      %dma_wait3A_18 = tpu.memref_slice %arg11[%mul3A_0, %dma_wait3A_17] : memref<10112x128xf32, #tpu.memory_space<vmem_shared>> -> memref<632x128xf32, #tpu.memory_space<vmem_shared>>
      tpu.wait_dma2 semaphore(%run_scoped3A : memref<!tpu.dma_semaphore, #tpu.memory_space<semaphore_mem>>) src(%dma_wait3A_18 : memref<632x128xf32, #tpu.memory_space<vmem_shared>>) dst(%dma_wait3A_16 : memref<632x128xf32, #tpu.memory_space<hbm>>)
      tpu.yield
    }) : () -> ()
    return
  }
}

#map = affine_map<(d0, d1) -> (0, 0)>
#map1 = affine_map<(d0, d1) -> (0, 0, 0)>
module attributes {stable_mosaic.version = 14 : i64} {
  func.func @k(%arg0: i32, %arg1: i32, %arg2: memref<10000x128xf32, #tpu.memory_space<hbm>>, %arg3: memref<5120x128xi32, #tpu.memory_space<hbm>>, %arg4: memref<5120x128xi32, #tpu.memory_space<hbm>>, %arg5: memref<10112x128xf32, #tpu.memory_space<hbm>>, %arg6: memref<2x10112x128xf32, #tpu.memory_space<hbm>>, %arg7: memref<32x128xi32, #tpu.memory_space<vmem>>, %arg8: memref<32x128xi32, #tpu.memory_space<vmem>>, %arg9: memref<128x128xf32, #tpu.memory_space<vmem>>, %arg10: memref<128x128xf32, #tpu.memory_space<vmem>>, %arg11: memref<10112x128xf32, #tpu.memory_space<vmem_shared>>, %arg12: memref<!tpu.dma_semaphore, #tpu.memory_space<semaphore_mem>>, %arg13: memref<!tpu.dma_semaphore, #tpu.memory_space<semaphore_mem>>, %arg14: memref<!tpu.dma_semaphore, #tpu.memory_space<semaphore_mem>>, %arg15: memref<!tpu.dma_semaphore, #tpu.memory_space<semaphore_mem>>) attributes {dimension_semantics = [#tpu.dimension_semantics<core_parallel>, #tpu.dimension_semantics<subcore_parallel>], iteration_bounds = array<i64: 2, 16>, scalar_prefetch = 0 : i64, scratch_operands = 9 : i64, tpu.core_type = #tpu.core_type<sc_vector_subcore>, window_params = [{transform_indices = #map}, {transform_indices = #map}, {transform_indices = #map}, {transform_indices = #map}, {transform_indices = #map1}]} {
    %mul3A = arith.constant 632 : i32
    %mul3A_0 = arith.muli %arg1, %mul3A : i32
    "tpu.region"() ({
      %run_scoped3A = tpu.sem_alloc : memref<!tpu.dma_semaphore, #tpu.memory_space<semaphore_mem>>
      %dma_start3A = arith.constant 0 : i32
      %dma_start3A_11 = tpu.memref_slice %arg11[%mul3A_0, %dma_start3A] : memref<10112x128xf32, #tpu.memory_space<vmem_shared>> -> memref<632x128xf32, #tpu.memory_space<vmem_shared>>
      %dma_start3A_12 = arith.constant 0 : i32
      %dma_start3A_13 = tpu.memref_slice %arg5[%mul3A_0, %dma_start3A_12] : memref<10112x128xf32, #tpu.memory_space<hbm>> -> memref<632x128xf32, #tpu.memory_space<hbm>>
      tpu.enqueue_dma source(%dma_start3A_13 : memref<632x128xf32, #tpu.memory_space<hbm>>) target(%dma_start3A_11 : memref<632x128xf32, #tpu.memory_space<vmem_shared>>) target_semaphore(%run_scoped3A : memref<!tpu.dma_semaphore, #tpu.memory_space<semaphore_mem>>)
      %dma_wait3A = arith.constant 0 : i32
      %dma_wait3A_14 = tpu.memref_slice %arg11[%mul3A_0, %dma_wait3A] : memref<10112x128xf32, #tpu.memory_space<vmem_shared>> -> memref<632x128xf32, #tpu.memory_space<vmem_shared>>
      %dma_wait3A_15 = arith.constant 0 : i32
      %dma_wait3A_16 = tpu.memref_slice %arg5[%mul3A_0, %dma_wait3A_15] : memref<10112x128xf32, #tpu.memory_space<hbm>> -> memref<632x128xf32, #tpu.memory_space<hbm>>
      tpu.wait_dma2 semaphore(%run_scoped3A : memref<!tpu.dma_semaphore, #tpu.memory_space<semaphore_mem>>) src(%dma_wait3A_16 : memref<632x128xf32, #tpu.memory_space<hbm>>) dst(%dma_wait3A_14 : memref<632x128xf32, #tpu.memory_space<vmem_shared>>)
      tpu.yield
    }) : () -> ()
    %barrier3A = arith.constant 0 : index
    tpu.barrier barrier_id(%barrier3A)
    %mul3A_1 = arith.constant 16 : i32
    %mul3A_2 = arith.muli %arg0, %mul3A_1 : i32
    %add3A = arith.addi %mul3A_2, %arg1 : i32
    %mul3A_3 = arith.constant 160 : i32
    %mul3A_4 = arith.muli %add3A, %mul3A_3 : i32
    %scan3A = arith.constant 0 : i32
    %scan3A_5 = arith.constant 0 : i32
    %scan3A_6 = arith.constant 5 : i32
    %scan3A_7 = arith.addi %scan3A_5, %scan3A_6 : i32
    %scan3A_8 = arith.constant 1 : i32
    scf.for %scan3A_11 = %scan3A_5 to %scan3A_7 step %scan3A_8  : i32 {
      %mul3A_12 = arith.constant 32 : i32
      %mul3A_13 = arith.muli %scan3A_11, %mul3A_12 : i32
      %add3A_14 = arith.addi %mul3A_4, %mul3A_13 : i32
      "tpu.region"() ({
        %run_scoped3A = tpu.sem_alloc : memref<!tpu.dma_semaphore, #tpu.memory_space<semaphore_mem>>
        %dma_start3A_50 = arith.constant 0 : i32
        %dma_start3A_51 = tpu.memref_slice %arg3[%add3A_14, %dma_start3A_50] : memref<5120x128xi32, #tpu.memory_space<hbm>> -> memref<32x128xi32, #tpu.memory_space<hbm>>
        %dma_start3A_52 = arith.constant 0 : i32
        %dma_start3A_53 = tpu.memref_slice %arg3[%add3A_14, %dma_start3A_52] : memref<5120x128xi32, #tpu.memory_space<hbm>> -> memref<32x128xi32, #tpu.memory_space<hbm>>
        tpu.enqueue_dma source(%dma_start3A_53 : memref<32x128xi32, #tpu.memory_space<hbm>>) target(%arg7 : memref<32x128xi32, #tpu.memory_space<vmem>>) target_semaphore(%run_scoped3A : memref<!tpu.dma_semaphore, #tpu.memory_space<semaphore_mem>>)
        %dma_wait3A_54 = arith.constant 0 : i32
        %dma_wait3A_55 = tpu.memref_slice %arg3[%add3A_14, %dma_wait3A_54] : memref<5120x128xi32, #tpu.memory_space<hbm>> -> memref<32x128xi32, #tpu.memory_space<hbm>>
        %dma_wait3A_56 = arith.constant 0 : i32
        %dma_wait3A_57 = tpu.memref_slice %arg3[%add3A_14, %dma_wait3A_56] : memref<5120x128xi32, #tpu.memory_space<hbm>> -> memref<32x128xi32, #tpu.memory_space<hbm>>
        tpu.wait_dma2 semaphore(%run_scoped3A : memref<!tpu.dma_semaphore, #tpu.memory_space<semaphore_mem>>) src(%dma_wait3A_57 : memref<32x128xi32, #tpu.memory_space<hbm>>) dst(%arg7 : memref<32x128xi32, #tpu.memory_space<vmem>>)
        tpu.yield
      }) : () -> ()
      %mul3A_15 = arith.constant 32 : i32
      %mul3A_16 = arith.muli %scan3A_11, %mul3A_15 : i32
      %add3A_17 = arith.addi %mul3A_4, %mul3A_16 : i32
      "tpu.region"() ({
        %run_scoped3A = tpu.sem_alloc : memref<!tpu.dma_semaphore, #tpu.memory_space<semaphore_mem>>
        %dma_start3A_50 = arith.constant 0 : i32
        %dma_start3A_51 = tpu.memref_slice %arg4[%add3A_17, %dma_start3A_50] : memref<5120x128xi32, #tpu.memory_space<hbm>> -> memref<32x128xi32, #tpu.memory_space<hbm>>
        %dma_start3A_52 = arith.constant 0 : i32
        %dma_start3A_53 = tpu.memref_slice %arg4[%add3A_17, %dma_start3A_52] : memref<5120x128xi32, #tpu.memory_space<hbm>> -> memref<32x128xi32, #tpu.memory_space<hbm>>
        tpu.enqueue_dma source(%dma_start3A_53 : memref<32x128xi32, #tpu.memory_space<hbm>>) target(%arg8 : memref<32x128xi32, #tpu.memory_space<vmem>>) target_semaphore(%run_scoped3A : memref<!tpu.dma_semaphore, #tpu.memory_space<semaphore_mem>>)
        %dma_wait3A_54 = arith.constant 0 : i32
        %dma_wait3A_55 = tpu.memref_slice %arg4[%add3A_17, %dma_wait3A_54] : memref<5120x128xi32, #tpu.memory_space<hbm>> -> memref<32x128xi32, #tpu.memory_space<hbm>>
        %dma_wait3A_56 = arith.constant 0 : i32
        %dma_wait3A_57 = tpu.memref_slice %arg4[%add3A_17, %dma_wait3A_56] : memref<5120x128xi32, #tpu.memory_space<hbm>> -> memref<32x128xi32, #tpu.memory_space<hbm>>
        tpu.wait_dma2 semaphore(%run_scoped3A : memref<!tpu.dma_semaphore, #tpu.memory_space<semaphore_mem>>) src(%dma_wait3A_57 : memref<32x128xi32, #tpu.memory_space<hbm>>) dst(%arg8 : memref<32x128xi32, #tpu.memory_space<vmem>>)
        tpu.yield
      }) : () -> ()
      %dma_start3A = arith.constant 0 : i32
      %dma_start3A_18 = arith.constant 0 : i32
      %dma_start3A_19 = tpu.memref_slice %arg7[%dma_start3A, %dma_start3A_18] : memref<32x128xi32, #tpu.memory_space<vmem>> -> memref<1x128xi32, #tpu.memory_space<vmem>>
      %dma_start3A_20 = tpu.memref_squeeze %dma_start3A_19 : memref<1x128xi32, #tpu.memory_space<vmem>> -> memref<128xi32, #tpu.memory_space<vmem>>
      %dma_start3A_21 = arith.constant 0 : i32
      %dma_start3A_22 = arith.constant 0 : i32
      %dma_start3A_23 = tpu.memref_slice %arg2[%dma_start3A_21, %dma_start3A_22] : memref<10000x128xf32, #tpu.memory_space<hbm>> -> memref<10000x128xf32, #tpu.memory_space<hbm>>
      tpu.enqueue_indirect_dma source(%dma_start3A_23 : memref<10000x128xf32, #tpu.memory_space<hbm>>) target(%arg9 : memref<128x128xf32, #tpu.memory_space<vmem>>) offsets(%dma_start3A_20 : memref<128xi32, #tpu.memory_space<vmem>>) semaphore(%arg12 : memref<!tpu.dma_semaphore, #tpu.memory_space<semaphore_mem>>)
      %dma_start3A_24 = arith.constant 1 : i32
      %dma_start3A_25 = arith.constant 0 : i32
      %dma_start3A_26 = tpu.memref_slice %arg7[%dma_start3A_24, %dma_start3A_25] : memref<32x128xi32, #tpu.memory_space<vmem>> -> memref<1x128xi32, #tpu.memory_space<vmem>>
      %dma_start3A_27 = tpu.memref_squeeze %dma_start3A_26 : memref<1x128xi32, #tpu.memory_space<vmem>> -> memref<128xi32, #tpu.memory_space<vmem>>
      %dma_start3A_28 = arith.constant 0 : i32
      %dma_start3A_29 = arith.constant 0 : i32
      %dma_start3A_30 = tpu.memref_slice %arg2[%dma_start3A_28, %dma_start3A_29] : memref<10000x128xf32, #tpu.memory_space<hbm>> -> memref<10000x128xf32, #tpu.memory_space<hbm>>
      tpu.enqueue_indirect_dma source(%dma_start3A_30 : memref<10000x128xf32, #tpu.memory_space<hbm>>) target(%arg10 : memref<128x128xf32, #tpu.memory_space<vmem>>) offsets(%dma_start3A_27 : memref<128xi32, #tpu.memory_space<vmem>>) semaphore(%arg13 : memref<!tpu.dma_semaphore, #tpu.memory_space<semaphore_mem>>)
      %scan3A_31 = arith.constant 0 : i32
      %scan3A_32 = arith.constant 0 : i32
      %scan3A_33 = arith.constant 16 : i32
      %scan3A_34 = arith.addi %scan3A_32, %scan3A_33 : i32
      %scan3A_35 = arith.constant 1 : i32
      scf.for %scan3A_50 = %scan3A_32 to %scan3A_34 step %scan3A_35  : i32 {
        %mul3A_51 = arith.constant 2 : i32
        %mul3A_52 = arith.muli %mul3A_51, %scan3A_50 : i32
        %dma_wait3A_53 = arith.constant 0 : i32
        %dma_wait3A_54 = tpu.memref_slice %arg7[%mul3A_52, %dma_wait3A_53] : memref<32x128xi32, #tpu.memory_space<vmem>> -> memref<1x128xi32, #tpu.memory_space<vmem>>
        %dma_wait3A_55 = tpu.memref_squeeze %dma_wait3A_54 : memref<1x128xi32, #tpu.memory_space<vmem>> -> memref<128xi32, #tpu.memory_space<vmem>>
        %dma_wait3A_56 = arith.constant 0 : i32
        %dma_wait3A_57 = arith.constant 0 : i32
        %dma_wait3A_58 = tpu.memref_slice %arg2[%dma_wait3A_56, %dma_wait3A_57] : memref<10000x128xf32, #tpu.memory_space<hbm>> -> memref<10000x128xf32, #tpu.memory_space<hbm>>
        tpu.wait_indirect_dma semaphore(%arg12 : memref<!tpu.dma_semaphore, #tpu.memory_space<semaphore_mem>>) src(%dma_wait3A_58 : memref<10000x128xf32, #tpu.memory_space<hbm>>) dst(%arg9 : memref<128x128xf32, #tpu.memory_space<vmem>>)
        %dma_start3A_59 = arith.constant 0 : i32
        %dma_start3A_60 = tpu.memref_slice %arg8[%mul3A_52, %dma_start3A_59] : memref<32x128xi32, #tpu.memory_space<vmem>> -> memref<1x128xi32, #tpu.memory_space<vmem>>
        %dma_start3A_61 = tpu.memref_squeeze %dma_start3A_60 : memref<1x128xi32, #tpu.memory_space<vmem>> -> memref<128xi32, #tpu.memory_space<vmem>>
        %dma_start3A_62 = arith.constant 0 : i32
        %dma_start3A_63 = arith.constant 0 : i32
        %dma_start3A_64 = tpu.memref_slice %arg11[%dma_start3A_62, %dma_start3A_63] : memref<10112x128xf32, #tpu.memory_space<vmem_shared>> -> memref<10112x128xf32, #tpu.memory_space<vmem_shared>>
        tpu.enqueue_indirect_dma source(%arg9 : memref<128x128xf32, #tpu.memory_space<vmem>>) target(%dma_start3A_64 : memref<10112x128xf32, #tpu.memory_space<vmem_shared>>) offsets(%dma_start3A_61 : memref<128xi32, #tpu.memory_space<vmem>>) semaphore(%arg14 : memref<!tpu.dma_semaphore, #tpu.memory_space<semaphore_mem>>) {add = true}
        %add3A_65 = arith.constant 1 : i32
        %add3A_66 = arith.addi %mul3A_52, %add3A_65 : i32
        %dma_wait3A_67 = arith.constant 0 : i32
        %dma_wait3A_68 = tpu.memref_slice %arg7[%add3A_66, %dma_wait3A_67] : memref<32x128xi32, #tpu.memory_space<vmem>> -> memref<1x128xi32, #tpu.memory_space<vmem>>
        %dma_wait3A_69 = tpu.memref_squeeze %dma_wait3A_68 : memref<1x128xi32, #tpu.memory_space<vmem>> -> memref<128xi32, #tpu.memory_space<vmem>>
        %dma_wait3A_70 = arith.constant 0 : i32
        %dma_wait3A_71 = arith.constant 0 : i32
        %dma_wait3A_72 = tpu.memref_slice %arg2[%dma_wait3A_70, %dma_wait3A_71] : memref<10000x128xf32, #tpu.memory_space<hbm>> -> memref<10000x128xf32, #tpu.memory_space<hbm>>
        tpu.wait_indirect_dma semaphore(%arg13 : memref<!tpu.dma_semaphore, #tpu.memory_space<semaphore_mem>>) src(%dma_wait3A_72 : memref<10000x128xf32, #tpu.memory_space<hbm>>) dst(%arg10 : memref<128x128xf32, #tpu.memory_space<vmem>>)
        %add3A_73 = arith.constant 1 : i32
        %add3A_74 = arith.addi %mul3A_52, %add3A_73 : i32
        %dma_start3A_75 = arith.constant 0 : i32
        %dma_start3A_76 = tpu.memref_slice %arg8[%add3A_74, %dma_start3A_75] : memref<32x128xi32, #tpu.memory_space<vmem>> -> memref<1x128xi32, #tpu.memory_space<vmem>>
        %dma_start3A_77 = tpu.memref_squeeze %dma_start3A_76 : memref<1x128xi32, #tpu.memory_space<vmem>> -> memref<128xi32, #tpu.memory_space<vmem>>
        %dma_start3A_78 = arith.constant 0 : i32
        %dma_start3A_79 = arith.constant 0 : i32
        %dma_start3A_80 = tpu.memref_slice %arg11[%dma_start3A_78, %dma_start3A_79] : memref<10112x128xf32, #tpu.memory_space<vmem_shared>> -> memref<10112x128xf32, #tpu.memory_space<vmem_shared>>
        tpu.enqueue_indirect_dma source(%arg10 : memref<128x128xf32, #tpu.memory_space<vmem>>) target(%dma_start3A_80 : memref<10112x128xf32, #tpu.memory_space<vmem_shared>>) offsets(%dma_start3A_77 : memref<128xi32, #tpu.memory_space<vmem>>) semaphore(%arg15 : memref<!tpu.dma_semaphore, #tpu.memory_space<semaphore_mem>>) {add = true}
        %lt3A = arith.constant 15 : i32
        %lt3A_81 = arith.cmpi slt, %scan3A_50, %lt3A : i32
        %convert_element_type3A = arith.extui %lt3A_81 : i1 to i32
        %cond3A = arith.constant 0 : i32
        %cond3A_82 = arith.cmpi ne, %convert_element_type3A, %cond3A : i32
        scf.if %cond3A_82 {
          %dma_wait3A_83 = arith.constant 0 : i32
          %dma_wait3A_84 = tpu.memref_slice %arg8[%mul3A_52, %dma_wait3A_83] : memref<32x128xi32, #tpu.memory_space<vmem>> -> memref<1x128xi32, #tpu.memory_space<vmem>>
          %dma_wait3A_85 = tpu.memref_squeeze %dma_wait3A_84 : memref<1x128xi32, #tpu.memory_space<vmem>> -> memref<128xi32, #tpu.memory_space<vmem>>
          %dma_wait3A_86 = arith.constant 0 : i32
          %dma_wait3A_87 = arith.constant 0 : i32
          %dma_wait3A_88 = tpu.memref_slice %arg11[%dma_wait3A_86, %dma_wait3A_87] : memref<10112x128xf32, #tpu.memory_space<vmem_shared>> -> memref<10112x128xf32, #tpu.memory_space<vmem_shared>>
          tpu.wait_indirect_dma semaphore(%arg14 : memref<!tpu.dma_semaphore, #tpu.memory_space<semaphore_mem>>) src(%arg9 : memref<128x128xf32, #tpu.memory_space<vmem>>) dst(%dma_wait3A_88 : memref<10112x128xf32, #tpu.memory_space<vmem_shared>>)
          %add3A_89 = arith.constant 2 : i32
          %add3A_90 = arith.addi %mul3A_52, %add3A_89 : i32
          %dma_start3A_91 = arith.constant 0 : i32
          %dma_start3A_92 = tpu.memref_slice %arg7[%add3A_90, %dma_start3A_91] : memref<32x128xi32, #tpu.memory_space<vmem>> -> memref<1x128xi32, #tpu.memory_space<vmem>>
          %dma_start3A_93 = tpu.memref_squeeze %dma_start3A_92 : memref<1x128xi32, #tpu.memory_space<vmem>> -> memref<128xi32, #tpu.memory_space<vmem>>
          %dma_start3A_94 = arith.constant 0 : i32
          %dma_start3A_95 = arith.constant 0 : i32
          %dma_start3A_96 = tpu.memref_slice %arg2[%dma_start3A_94, %dma_start3A_95] : memref<10000x128xf32, #tpu.memory_space<hbm>> -> memref<10000x128xf32, #tpu.memory_space<hbm>>
          tpu.enqueue_indirect_dma source(%dma_start3A_96 : memref<10000x128xf32, #tpu.memory_space<hbm>>) target(%arg9 : memref<128x128xf32, #tpu.memory_space<vmem>>) offsets(%dma_start3A_93 : memref<128xi32, #tpu.memory_space<vmem>>) semaphore(%arg12 : memref<!tpu.dma_semaphore, #tpu.memory_space<semaphore_mem>>)
          %add3A_97 = arith.constant 1 : i32
          %add3A_98 = arith.addi %mul3A_52, %add3A_97 : i32
          %dma_wait3A_99 = arith.constant 0 : i32
          %dma_wait3A_100 = tpu.memref_slice %arg8[%add3A_98, %dma_wait3A_99] : memref<32x128xi32, #tpu.memory_space<vmem>> -> memref<1x128xi32, #tpu.memory_space<vmem>>
          %dma_wait3A_101 = tpu.memref_squeeze %dma_wait3A_100 : memref<1x128xi32, #tpu.memory_space<vmem>> -> memref<128xi32, #tpu.memory_space<vmem>>
          %dma_wait3A_102 = arith.constant 0 : i32
          %dma_wait3A_103 = arith.constant 0 : i32
          %dma_wait3A_104 = tpu.memref_slice %arg11[%dma_wait3A_102, %dma_wait3A_103] : memref<10112x128xf32, #tpu.memory_space<vmem_shared>> -> memref<10112x128xf32, #tpu.memory_space<vmem_shared>>
          tpu.wait_indirect_dma semaphore(%arg15 : memref<!tpu.dma_semaphore, #tpu.memory_space<semaphore_mem>>) src(%arg10 : memref<128x128xf32, #tpu.memory_space<vmem>>) dst(%dma_wait3A_104 : memref<10112x128xf32, #tpu.memory_space<vmem_shared>>)
          %add3A_105 = arith.constant 3 : i32
          %add3A_106 = arith.addi %mul3A_52, %add3A_105 : i32
          %dma_start3A_107 = arith.constant 0 : i32
          %dma_start3A_108 = tpu.memref_slice %arg7[%add3A_106, %dma_start3A_107] : memref<32x128xi32, #tpu.memory_space<vmem>> -> memref<1x128xi32, #tpu.memory_space<vmem>>
          %dma_start3A_109 = tpu.memref_squeeze %dma_start3A_108 : memref<1x128xi32, #tpu.memory_space<vmem>> -> memref<128xi32, #tpu.memory_space<vmem>>
          %dma_start3A_110 = arith.constant 0 : i32
          %dma_start3A_111 = arith.constant 0 : i32
          %dma_start3A_112 = tpu.memref_slice %arg2[%dma_start3A_110, %dma_start3A_111] : memref<10000x128xf32, #tpu.memory_space<hbm>> -> memref<10000x128xf32, #tpu.memory_space<hbm>>
          tpu.enqueue_indirect_dma source(%dma_start3A_112 : memref<10000x128xf32, #tpu.memory_space<hbm>>) target(%arg10 : memref<128x128xf32, #tpu.memory_space<vmem>>) offsets(%dma_start3A_109 : memref<128xi32, #tpu.memory_space<vmem>>) semaphore(%arg13 : memref<!tpu.dma_semaphore, #tpu.memory_space<semaphore_mem>>)
        } else {
        }
      }
      %scan3A_36 = arith.constant 16 : i32
      %dma_wait3A = arith.constant 0 : i32
      %dma_wait3A_37 = arith.constant 0 : i32
      %dma_wait3A_38 = tpu.memref_slice %arg8[%dma_wait3A, %dma_wait3A_37] : memref<32x128xi32, #tpu.memory_space<vmem>> -> memref<1x128xi32, #tpu.memory_space<vmem>>
      %dma_wait3A_39 = tpu.memref_squeeze %dma_wait3A_38 : memref<1x128xi32, #tpu.memory_space<vmem>> -> memref<128xi32, #tpu.memory_space<vmem>>
      %dma_wait3A_40 = arith.constant 0 : i32
      %dma_wait3A_41 = arith.constant 0 : i32
      %dma_wait3A_42 = tpu.memref_slice %arg11[%dma_wait3A_40, %dma_wait3A_41] : memref<10112x128xf32, #tpu.memory_space<vmem_shared>> -> memref<10112x128xf32, #tpu.memory_space<vmem_shared>>
      tpu.wait_indirect_dma semaphore(%arg14 : memref<!tpu.dma_semaphore, #tpu.memory_space<semaphore_mem>>) src(%arg9 : memref<128x128xf32, #tpu.memory_space<vmem>>) dst(%dma_wait3A_42 : memref<10112x128xf32, #tpu.memory_space<vmem_shared>>)
      %dma_wait3A_43 = arith.constant 1 : i32
      %dma_wait3A_44 = arith.constant 0 : i32
      %dma_wait3A_45 = tpu.memref_slice %arg8[%dma_wait3A_43, %dma_wait3A_44] : memref<32x128xi32, #tpu.memory_space<vmem>> -> memref<1x128xi32, #tpu.memory_space<vmem>>
      %dma_wait3A_46 = tpu.memref_squeeze %dma_wait3A_45 : memref<1x128xi32, #tpu.memory_space<vmem>> -> memref<128xi32, #tpu.memory_space<vmem>>
      %dma_wait3A_47 = arith.constant 0 : i32
      %dma_wait3A_48 = arith.constant 0 : i32
      %dma_wait3A_49 = tpu.memref_slice %arg11[%dma_wait3A_47, %dma_wait3A_48] : memref<10112x128xf32, #tpu.memory_space<vmem_shared>> -> memref<10112x128xf32, #tpu.memory_space<vmem_shared>>
      tpu.wait_indirect_dma semaphore(%arg15 : memref<!tpu.dma_semaphore, #tpu.memory_space<semaphore_mem>>) src(%arg10 : memref<128x128xf32, #tpu.memory_space<vmem>>) dst(%dma_wait3A_49 : memref<10112x128xf32, #tpu.memory_space<vmem_shared>>)
    }
    %scan3A_9 = arith.constant 5 : i32
    %barrier3A_10 = arith.constant 0 : index
    tpu.barrier barrier_id(%barrier3A_10)
    "tpu.region"() ({
      %run_scoped3A = tpu.sem_alloc : memref<!tpu.dma_semaphore, #tpu.memory_space<semaphore_mem>>
      %dma_start3A = arith.constant 0 : i32
      %dma_start3A_11 = tpu.memref_slice %arg6[%arg0, %mul3A_0, %dma_start3A] : memref<2x10112x128xf32, #tpu.memory_space<hbm>> -> memref<1x632x128xf32, #tpu.memory_space<hbm>>
      %dma_start3A_12 = tpu.memref_squeeze %dma_start3A_11 : memref<1x632x128xf32, #tpu.memory_space<hbm>> -> memref<632x128xf32, #tpu.memory_space<hbm>>
      %dma_start3A_13 = arith.constant 0 : i32
      %dma_start3A_14 = tpu.memref_slice %arg11[%mul3A_0, %dma_start3A_13] : memref<10112x128xf32, #tpu.memory_space<vmem_shared>> -> memref<632x128xf32, #tpu.memory_space<vmem_shared>>
      tpu.enqueue_dma source(%dma_start3A_14 : memref<632x128xf32, #tpu.memory_space<vmem_shared>>) target(%dma_start3A_12 : memref<632x128xf32, #tpu.memory_space<hbm>>) target_semaphore(%run_scoped3A : memref<!tpu.dma_semaphore, #tpu.memory_space<semaphore_mem>>)
      %dma_wait3A = arith.constant 0 : i32
      %dma_wait3A_15 = tpu.memref_slice %arg6[%arg0, %mul3A_0, %dma_wait3A] : memref<2x10112x128xf32, #tpu.memory_space<hbm>> -> memref<1x632x128xf32, #tpu.memory_space<hbm>>
      %dma_wait3A_16 = tpu.memref_squeeze %dma_wait3A_15 : memref<1x632x128xf32, #tpu.memory_space<hbm>> -> memref<632x128xf32, #tpu.memory_space<hbm>>
      %dma_wait3A_17 = arith.constant 0 : i32
      %dma_wait3A_18 = tpu.memref_slice %arg11[%mul3A_0, %dma_wait3A_17] : memref<10112x128xf32, #tpu.memory_space<vmem_shared>> -> memref<632x128xf32, #tpu.memory_space<vmem_shared>>
      tpu.wait_dma2 semaphore(%run_scoped3A : memref<!tpu.dma_semaphore, #tpu.memory_space<semaphore_mem>>) src(%dma_wait3A_18 : memref<632x128xf32, #tpu.memory_space<vmem_shared>>) dst(%dma_wait3A_16 : memref<632x128xf32, #tpu.memory_space<hbm>>)
      tpu.yield
    }) : () -> ()
    return
  }
}

#map = affine_map<(d0, d1) -> (0, 0)>
#map1 = affine_map<(d0, d1) -> (0, 0, 0)>
module attributes {stable_mosaic.version = 14 : i64} {
  func.func @k(%arg0: i32, %arg1: i32, %arg2: memref<320000x128xf32, #tpu.memory_space<hbm>>, %arg3: memref<5120x128xi32, #tpu.memory_space<hbm>>, %arg4: memref<5120x128xi32, #tpu.memory_space<hbm>>, %arg5: memref<10112x128xf32, #tpu.memory_space<hbm>>, %arg6: memref<2x10112x128xf32, #tpu.memory_space<hbm>>, %arg7: memref<32x128xi32, #tpu.memory_space<vmem>>, %arg8: memref<32x128xi32, #tpu.memory_space<vmem>>, %arg9: memref<128x128xf32, #tpu.memory_space<vmem>>, %arg10: memref<128x128xf32, #tpu.memory_space<vmem>>, %arg11: memref<10112x128xf32, #tpu.memory_space<vmem_shared>>, %arg12: memref<!tpu.dma_semaphore, #tpu.memory_space<semaphore_mem>>, %arg13: memref<!tpu.dma_semaphore, #tpu.memory_space<semaphore_mem>>, %arg14: memref<!tpu.dma_semaphore, #tpu.memory_space<semaphore_mem>>, %arg15: memref<!tpu.dma_semaphore, #tpu.memory_space<semaphore_mem>>) attributes {dimension_semantics = [#tpu.dimension_semantics<core_parallel>, #tpu.dimension_semantics<subcore_parallel>], iteration_bounds = array<i64: 2, 16>, scalar_prefetch = 0 : i64, scratch_operands = 9 : i64, tpu.core_type = #tpu.core_type<sc_vector_subcore>, window_params = [{transform_indices = #map}, {transform_indices = #map}, {transform_indices = #map}, {transform_indices = #map}, {transform_indices = #map1}]} {
    %mul3A = arith.constant 632 : i32
    %mul3A_0 = arith.muli %arg1, %mul3A : i32
    "tpu.region"() ({
      %run_scoped3A = tpu.sem_alloc : memref<!tpu.dma_semaphore, #tpu.memory_space<semaphore_mem>>
      %dma_start3A = arith.constant 0 : i32
      %dma_start3A_11 = tpu.memref_slice %arg11[%mul3A_0, %dma_start3A] : memref<10112x128xf32, #tpu.memory_space<vmem_shared>> -> memref<632x128xf32, #tpu.memory_space<vmem_shared>>
      %dma_start3A_12 = arith.constant 0 : i32
      %dma_start3A_13 = tpu.memref_slice %arg5[%mul3A_0, %dma_start3A_12] : memref<10112x128xf32, #tpu.memory_space<hbm>> -> memref<632x128xf32, #tpu.memory_space<hbm>>
      tpu.enqueue_dma source(%dma_start3A_13 : memref<632x128xf32, #tpu.memory_space<hbm>>) target(%dma_start3A_11 : memref<632x128xf32, #tpu.memory_space<vmem_shared>>) target_semaphore(%run_scoped3A : memref<!tpu.dma_semaphore, #tpu.memory_space<semaphore_mem>>)
      %dma_wait3A = arith.constant 0 : i32
      %dma_wait3A_14 = tpu.memref_slice %arg11[%mul3A_0, %dma_wait3A] : memref<10112x128xf32, #tpu.memory_space<vmem_shared>> -> memref<632x128xf32, #tpu.memory_space<vmem_shared>>
      %dma_wait3A_15 = arith.constant 0 : i32
      %dma_wait3A_16 = tpu.memref_slice %arg5[%mul3A_0, %dma_wait3A_15] : memref<10112x128xf32, #tpu.memory_space<hbm>> -> memref<632x128xf32, #tpu.memory_space<hbm>>
      tpu.wait_dma2 semaphore(%run_scoped3A : memref<!tpu.dma_semaphore, #tpu.memory_space<semaphore_mem>>) src(%dma_wait3A_16 : memref<632x128xf32, #tpu.memory_space<hbm>>) dst(%dma_wait3A_14 : memref<632x128xf32, #tpu.memory_space<vmem_shared>>)
      tpu.yield
    }) : () -> ()
    %barrier3A = arith.constant 0 : index
    tpu.barrier barrier_id(%barrier3A)
    %mul3A_1 = arith.constant 16 : i32
    %mul3A_2 = arith.muli %arg0, %mul3A_1 : i32
    %add3A = arith.addi %mul3A_2, %arg1 : i32
    %mul3A_3 = arith.constant 160 : i32
    %mul3A_4 = arith.muli %add3A, %mul3A_3 : i32
    %scan3A = arith.constant 0 : i32
    %scan3A_5 = arith.constant 0 : i32
    %scan3A_6 = arith.constant 5 : i32
    %scan3A_7 = arith.addi %scan3A_5, %scan3A_6 : i32
    %scan3A_8 = arith.constant 1 : i32
    scf.for %scan3A_11 = %scan3A_5 to %scan3A_7 step %scan3A_8  : i32 {
      %mul3A_12 = arith.constant 32 : i32
      %mul3A_13 = arith.muli %scan3A_11, %mul3A_12 : i32
      %add3A_14 = arith.addi %mul3A_4, %mul3A_13 : i32
      "tpu.region"() ({
        %run_scoped3A = tpu.sem_alloc : memref<!tpu.dma_semaphore, #tpu.memory_space<semaphore_mem>>
        %dma_start3A_50 = arith.constant 0 : i32
        %dma_start3A_51 = tpu.memref_slice %arg3[%add3A_14, %dma_start3A_50] : memref<5120x128xi32, #tpu.memory_space<hbm>> -> memref<32x128xi32, #tpu.memory_space<hbm>>
        %dma_start3A_52 = arith.constant 0 : i32
        %dma_start3A_53 = tpu.memref_slice %arg3[%add3A_14, %dma_start3A_52] : memref<5120x128xi32, #tpu.memory_space<hbm>> -> memref<32x128xi32, #tpu.memory_space<hbm>>
        tpu.enqueue_dma source(%dma_start3A_53 : memref<32x128xi32, #tpu.memory_space<hbm>>) target(%arg7 : memref<32x128xi32, #tpu.memory_space<vmem>>) target_semaphore(%run_scoped3A : memref<!tpu.dma_semaphore, #tpu.memory_space<semaphore_mem>>)
        %dma_wait3A_54 = arith.constant 0 : i32
        %dma_wait3A_55 = tpu.memref_slice %arg3[%add3A_14, %dma_wait3A_54] : memref<5120x128xi32, #tpu.memory_space<hbm>> -> memref<32x128xi32, #tpu.memory_space<hbm>>
        %dma_wait3A_56 = arith.constant 0 : i32
        %dma_wait3A_57 = tpu.memref_slice %arg3[%add3A_14, %dma_wait3A_56] : memref<5120x128xi32, #tpu.memory_space<hbm>> -> memref<32x128xi32, #tpu.memory_space<hbm>>
        tpu.wait_dma2 semaphore(%run_scoped3A : memref<!tpu.dma_semaphore, #tpu.memory_space<semaphore_mem>>) src(%dma_wait3A_57 : memref<32x128xi32, #tpu.memory_space<hbm>>) dst(%arg7 : memref<32x128xi32, #tpu.memory_space<vmem>>)
        tpu.yield
      }) : () -> ()
      %mul3A_15 = arith.constant 32 : i32
      %mul3A_16 = arith.muli %scan3A_11, %mul3A_15 : i32
      %add3A_17 = arith.addi %mul3A_4, %mul3A_16 : i32
      "tpu.region"() ({
        %run_scoped3A = tpu.sem_alloc : memref<!tpu.dma_semaphore, #tpu.memory_space<semaphore_mem>>
        %dma_start3A_50 = arith.constant 0 : i32
        %dma_start3A_51 = tpu.memref_slice %arg4[%add3A_17, %dma_start3A_50] : memref<5120x128xi32, #tpu.memory_space<hbm>> -> memref<32x128xi32, #tpu.memory_space<hbm>>
        %dma_start3A_52 = arith.constant 0 : i32
        %dma_start3A_53 = tpu.memref_slice %arg4[%add3A_17, %dma_start3A_52] : memref<5120x128xi32, #tpu.memory_space<hbm>> -> memref<32x128xi32, #tpu.memory_space<hbm>>
        tpu.enqueue_dma source(%dma_start3A_53 : memref<32x128xi32, #tpu.memory_space<hbm>>) target(%arg8 : memref<32x128xi32, #tpu.memory_space<vmem>>) target_semaphore(%run_scoped3A : memref<!tpu.dma_semaphore, #tpu.memory_space<semaphore_mem>>)
        %dma_wait3A_54 = arith.constant 0 : i32
        %dma_wait3A_55 = tpu.memref_slice %arg4[%add3A_17, %dma_wait3A_54] : memref<5120x128xi32, #tpu.memory_space<hbm>> -> memref<32x128xi32, #tpu.memory_space<hbm>>
        %dma_wait3A_56 = arith.constant 0 : i32
        %dma_wait3A_57 = tpu.memref_slice %arg4[%add3A_17, %dma_wait3A_56] : memref<5120x128xi32, #tpu.memory_space<hbm>> -> memref<32x128xi32, #tpu.memory_space<hbm>>
        tpu.wait_dma2 semaphore(%run_scoped3A : memref<!tpu.dma_semaphore, #tpu.memory_space<semaphore_mem>>) src(%dma_wait3A_57 : memref<32x128xi32, #tpu.memory_space<hbm>>) dst(%arg8 : memref<32x128xi32, #tpu.memory_space<vmem>>)
        tpu.yield
      }) : () -> ()
      %dma_start3A = arith.constant 0 : i32
      %dma_start3A_18 = arith.constant 0 : i32
      %dma_start3A_19 = tpu.memref_slice %arg7[%dma_start3A, %dma_start3A_18] : memref<32x128xi32, #tpu.memory_space<vmem>> -> memref<1x128xi32, #tpu.memory_space<vmem>>
      %dma_start3A_20 = tpu.memref_squeeze %dma_start3A_19 : memref<1x128xi32, #tpu.memory_space<vmem>> -> memref<128xi32, #tpu.memory_space<vmem>>
      %dma_start3A_21 = arith.constant 0 : i32
      %dma_start3A_22 = arith.constant 0 : i32
      %dma_start3A_23 = tpu.memref_slice %arg2[%dma_start3A_21, %dma_start3A_22] : memref<320000x128xf32, #tpu.memory_space<hbm>> -> memref<320000x128xf32, #tpu.memory_space<hbm>>
      tpu.enqueue_indirect_dma source(%dma_start3A_23 : memref<320000x128xf32, #tpu.memory_space<hbm>>) target(%arg9 : memref<128x128xf32, #tpu.memory_space<vmem>>) offsets(%dma_start3A_20 : memref<128xi32, #tpu.memory_space<vmem>>) semaphore(%arg12 : memref<!tpu.dma_semaphore, #tpu.memory_space<semaphore_mem>>)
      %dma_start3A_24 = arith.constant 1 : i32
      %dma_start3A_25 = arith.constant 0 : i32
      %dma_start3A_26 = tpu.memref_slice %arg7[%dma_start3A_24, %dma_start3A_25] : memref<32x128xi32, #tpu.memory_space<vmem>> -> memref<1x128xi32, #tpu.memory_space<vmem>>
      %dma_start3A_27 = tpu.memref_squeeze %dma_start3A_26 : memref<1x128xi32, #tpu.memory_space<vmem>> -> memref<128xi32, #tpu.memory_space<vmem>>
      %dma_start3A_28 = arith.constant 0 : i32
      %dma_start3A_29 = arith.constant 0 : i32
      %dma_start3A_30 = tpu.memref_slice %arg2[%dma_start3A_28, %dma_start3A_29] : memref<320000x128xf32, #tpu.memory_space<hbm>> -> memref<320000x128xf32, #tpu.memory_space<hbm>>
      tpu.enqueue_indirect_dma source(%dma_start3A_30 : memref<320000x128xf32, #tpu.memory_space<hbm>>) target(%arg10 : memref<128x128xf32, #tpu.memory_space<vmem>>) offsets(%dma_start3A_27 : memref<128xi32, #tpu.memory_space<vmem>>) semaphore(%arg13 : memref<!tpu.dma_semaphore, #tpu.memory_space<semaphore_mem>>)
      %scan3A_31 = arith.constant 0 : i32
      %scan3A_32 = arith.constant 0 : i32
      %scan3A_33 = arith.constant 16 : i32
      %scan3A_34 = arith.addi %scan3A_32, %scan3A_33 : i32
      %scan3A_35 = arith.constant 1 : i32
      scf.for %scan3A_50 = %scan3A_32 to %scan3A_34 step %scan3A_35  : i32 {
        %mul3A_51 = arith.constant 2 : i32
        %mul3A_52 = arith.muli %mul3A_51, %scan3A_50 : i32
        %dma_wait3A_53 = arith.constant 0 : i32
        %dma_wait3A_54 = tpu.memref_slice %arg7[%mul3A_52, %dma_wait3A_53] : memref<32x128xi32, #tpu.memory_space<vmem>> -> memref<1x128xi32, #tpu.memory_space<vmem>>
        %dma_wait3A_55 = tpu.memref_squeeze %dma_wait3A_54 : memref<1x128xi32, #tpu.memory_space<vmem>> -> memref<128xi32, #tpu.memory_space<vmem>>
        %dma_wait3A_56 = arith.constant 0 : i32
        %dma_wait3A_57 = arith.constant 0 : i32
        %dma_wait3A_58 = tpu.memref_slice %arg2[%dma_wait3A_56, %dma_wait3A_57] : memref<320000x128xf32, #tpu.memory_space<hbm>> -> memref<320000x128xf32, #tpu.memory_space<hbm>>
        tpu.wait_indirect_dma semaphore(%arg12 : memref<!tpu.dma_semaphore, #tpu.memory_space<semaphore_mem>>) src(%dma_wait3A_58 : memref<320000x128xf32, #tpu.memory_space<hbm>>) dst(%arg9 : memref<128x128xf32, #tpu.memory_space<vmem>>)
        %dma_start3A_59 = arith.constant 0 : i32
        %dma_start3A_60 = tpu.memref_slice %arg8[%mul3A_52, %dma_start3A_59] : memref<32x128xi32, #tpu.memory_space<vmem>> -> memref<1x128xi32, #tpu.memory_space<vmem>>
        %dma_start3A_61 = tpu.memref_squeeze %dma_start3A_60 : memref<1x128xi32, #tpu.memory_space<vmem>> -> memref<128xi32, #tpu.memory_space<vmem>>
        %dma_start3A_62 = arith.constant 0 : i32
        %dma_start3A_63 = arith.constant 0 : i32
        %dma_start3A_64 = tpu.memref_slice %arg11[%dma_start3A_62, %dma_start3A_63] : memref<10112x128xf32, #tpu.memory_space<vmem_shared>> -> memref<10112x128xf32, #tpu.memory_space<vmem_shared>>
        tpu.enqueue_indirect_dma source(%arg9 : memref<128x128xf32, #tpu.memory_space<vmem>>) target(%dma_start3A_64 : memref<10112x128xf32, #tpu.memory_space<vmem_shared>>) offsets(%dma_start3A_61 : memref<128xi32, #tpu.memory_space<vmem>>) semaphore(%arg14 : memref<!tpu.dma_semaphore, #tpu.memory_space<semaphore_mem>>) {add = true}
        %add3A_65 = arith.constant 1 : i32
        %add3A_66 = arith.addi %mul3A_52, %add3A_65 : i32
        %dma_wait3A_67 = arith.constant 0 : i32
        %dma_wait3A_68 = tpu.memref_slice %arg7[%add3A_66, %dma_wait3A_67] : memref<32x128xi32, #tpu.memory_space<vmem>> -> memref<1x128xi32, #tpu.memory_space<vmem>>
        %dma_wait3A_69 = tpu.memref_squeeze %dma_wait3A_68 : memref<1x128xi32, #tpu.memory_space<vmem>> -> memref<128xi32, #tpu.memory_space<vmem>>
        %dma_wait3A_70 = arith.constant 0 : i32
        %dma_wait3A_71 = arith.constant 0 : i32
        %dma_wait3A_72 = tpu.memref_slice %arg2[%dma_wait3A_70, %dma_wait3A_71] : memref<320000x128xf32, #tpu.memory_space<hbm>> -> memref<320000x128xf32, #tpu.memory_space<hbm>>
        tpu.wait_indirect_dma semaphore(%arg13 : memref<!tpu.dma_semaphore, #tpu.memory_space<semaphore_mem>>) src(%dma_wait3A_72 : memref<320000x128xf32, #tpu.memory_space<hbm>>) dst(%arg10 : memref<128x128xf32, #tpu.memory_space<vmem>>)
        %add3A_73 = arith.constant 1 : i32
        %add3A_74 = arith.addi %mul3A_52, %add3A_73 : i32
        %dma_start3A_75 = arith.constant 0 : i32
        %dma_start3A_76 = tpu.memref_slice %arg8[%add3A_74, %dma_start3A_75] : memref<32x128xi32, #tpu.memory_space<vmem>> -> memref<1x128xi32, #tpu.memory_space<vmem>>
        %dma_start3A_77 = tpu.memref_squeeze %dma_start3A_76 : memref<1x128xi32, #tpu.memory_space<vmem>> -> memref<128xi32, #tpu.memory_space<vmem>>
        %dma_start3A_78 = arith.constant 0 : i32
        %dma_start3A_79 = arith.constant 0 : i32
        %dma_start3A_80 = tpu.memref_slice %arg11[%dma_start3A_78, %dma_start3A_79] : memref<10112x128xf32, #tpu.memory_space<vmem_shared>> -> memref<10112x128xf32, #tpu.memory_space<vmem_shared>>
        tpu.enqueue_indirect_dma source(%arg10 : memref<128x128xf32, #tpu.memory_space<vmem>>) target(%dma_start3A_80 : memref<10112x128xf32, #tpu.memory_space<vmem_shared>>) offsets(%dma_start3A_77 : memref<128xi32, #tpu.memory_space<vmem>>) semaphore(%arg15 : memref<!tpu.dma_semaphore, #tpu.memory_space<semaphore_mem>>) {add = true}
        %lt3A = arith.constant 15 : i32
        %lt3A_81 = arith.cmpi slt, %scan3A_50, %lt3A : i32
        %convert_element_type3A = arith.extui %lt3A_81 : i1 to i32
        %cond3A = arith.constant 0 : i32
        %cond3A_82 = arith.cmpi ne, %convert_element_type3A, %cond3A : i32
        scf.if %cond3A_82 {
          %dma_wait3A_83 = arith.constant 0 : i32
          %dma_wait3A_84 = tpu.memref_slice %arg8[%mul3A_52, %dma_wait3A_83] : memref<32x128xi32, #tpu.memory_space<vmem>> -> memref<1x128xi32, #tpu.memory_space<vmem>>
          %dma_wait3A_85 = tpu.memref_squeeze %dma_wait3A_84 : memref<1x128xi32, #tpu.memory_space<vmem>> -> memref<128xi32, #tpu.memory_space<vmem>>
          %dma_wait3A_86 = arith.constant 0 : i32
          %dma_wait3A_87 = arith.constant 0 : i32
          %dma_wait3A_88 = tpu.memref_slice %arg11[%dma_wait3A_86, %dma_wait3A_87] : memref<10112x128xf32, #tpu.memory_space<vmem_shared>> -> memref<10112x128xf32, #tpu.memory_space<vmem_shared>>
          tpu.wait_indirect_dma semaphore(%arg14 : memref<!tpu.dma_semaphore, #tpu.memory_space<semaphore_mem>>) src(%arg9 : memref<128x128xf32, #tpu.memory_space<vmem>>) dst(%dma_wait3A_88 : memref<10112x128xf32, #tpu.memory_space<vmem_shared>>)
          %add3A_89 = arith.constant 2 : i32
          %add3A_90 = arith.addi %mul3A_52, %add3A_89 : i32
          %dma_start3A_91 = arith.constant 0 : i32
          %dma_start3A_92 = tpu.memref_slice %arg7[%add3A_90, %dma_start3A_91] : memref<32x128xi32, #tpu.memory_space<vmem>> -> memref<1x128xi32, #tpu.memory_space<vmem>>
          %dma_start3A_93 = tpu.memref_squeeze %dma_start3A_92 : memref<1x128xi32, #tpu.memory_space<vmem>> -> memref<128xi32, #tpu.memory_space<vmem>>
          %dma_start3A_94 = arith.constant 0 : i32
          %dma_start3A_95 = arith.constant 0 : i32
          %dma_start3A_96 = tpu.memref_slice %arg2[%dma_start3A_94, %dma_start3A_95] : memref<320000x128xf32, #tpu.memory_space<hbm>> -> memref<320000x128xf32, #tpu.memory_space<hbm>>
          tpu.enqueue_indirect_dma source(%dma_start3A_96 : memref<320000x128xf32, #tpu.memory_space<hbm>>) target(%arg9 : memref<128x128xf32, #tpu.memory_space<vmem>>) offsets(%dma_start3A_93 : memref<128xi32, #tpu.memory_space<vmem>>) semaphore(%arg12 : memref<!tpu.dma_semaphore, #tpu.memory_space<semaphore_mem>>)
          %add3A_97 = arith.constant 1 : i32
          %add3A_98 = arith.addi %mul3A_52, %add3A_97 : i32
          %dma_wait3A_99 = arith.constant 0 : i32
          %dma_wait3A_100 = tpu.memref_slice %arg8[%add3A_98, %dma_wait3A_99] : memref<32x128xi32, #tpu.memory_space<vmem>> -> memref<1x128xi32, #tpu.memory_space<vmem>>
          %dma_wait3A_101 = tpu.memref_squeeze %dma_wait3A_100 : memref<1x128xi32, #tpu.memory_space<vmem>> -> memref<128xi32, #tpu.memory_space<vmem>>
          %dma_wait3A_102 = arith.constant 0 : i32
          %dma_wait3A_103 = arith.constant 0 : i32
          %dma_wait3A_104 = tpu.memref_slice %arg11[%dma_wait3A_102, %dma_wait3A_103] : memref<10112x128xf32, #tpu.memory_space<vmem_shared>> -> memref<10112x128xf32, #tpu.memory_space<vmem_shared>>
          tpu.wait_indirect_dma semaphore(%arg15 : memref<!tpu.dma_semaphore, #tpu.memory_space<semaphore_mem>>) src(%arg10 : memref<128x128xf32, #tpu.memory_space<vmem>>) dst(%dma_wait3A_104 : memref<10112x128xf32, #tpu.memory_space<vmem_shared>>)
          %add3A_105 = arith.constant 3 : i32
          %add3A_106 = arith.addi %mul3A_52, %add3A_105 : i32
          %dma_start3A_107 = arith.constant 0 : i32
          %dma_start3A_108 = tpu.memref_slice %arg7[%add3A_106, %dma_start3A_107] : memref<32x128xi32, #tpu.memory_space<vmem>> -> memref<1x128xi32, #tpu.memory_space<vmem>>
          %dma_start3A_109 = tpu.memref_squeeze %dma_start3A_108 : memref<1x128xi32, #tpu.memory_space<vmem>> -> memref<128xi32, #tpu.memory_space<vmem>>
          %dma_start3A_110 = arith.constant 0 : i32
          %dma_start3A_111 = arith.constant 0 : i32
          %dma_start3A_112 = tpu.memref_slice %arg2[%dma_start3A_110, %dma_start3A_111] : memref<320000x128xf32, #tpu.memory_space<hbm>> -> memref<320000x128xf32, #tpu.memory_space<hbm>>
          tpu.enqueue_indirect_dma source(%dma_start3A_112 : memref<320000x128xf32, #tpu.memory_space<hbm>>) target(%arg10 : memref<128x128xf32, #tpu.memory_space<vmem>>) offsets(%dma_start3A_109 : memref<128xi32, #tpu.memory_space<vmem>>) semaphore(%arg13 : memref<!tpu.dma_semaphore, #tpu.memory_space<semaphore_mem>>)
        } else {
        }
      }
      %scan3A_36 = arith.constant 16 : i32
      %dma_wait3A = arith.constant 0 : i32
      %dma_wait3A_37 = arith.constant 0 : i32
      %dma_wait3A_38 = tpu.memref_slice %arg8[%dma_wait3A, %dma_wait3A_37] : memref<32x128xi32, #tpu.memory_space<vmem>> -> memref<1x128xi32, #tpu.memory_space<vmem>>
      %dma_wait3A_39 = tpu.memref_squeeze %dma_wait3A_38 : memref<1x128xi32, #tpu.memory_space<vmem>> -> memref<128xi32, #tpu.memory_space<vmem>>
      %dma_wait3A_40 = arith.constant 0 : i32
      %dma_wait3A_41 = arith.constant 0 : i32
      %dma_wait3A_42 = tpu.memref_slice %arg11[%dma_wait3A_40, %dma_wait3A_41] : memref<10112x128xf32, #tpu.memory_space<vmem_shared>> -> memref<10112x128xf32, #tpu.memory_space<vmem_shared>>
      tpu.wait_indirect_dma semaphore(%arg14 : memref<!tpu.dma_semaphore, #tpu.memory_space<semaphore_mem>>) src(%arg9 : memref<128x128xf32, #tpu.memory_space<vmem>>) dst(%dma_wait3A_42 : memref<10112x128xf32, #tpu.memory_space<vmem_shared>>)
      %dma_wait3A_43 = arith.constant 1 : i32
      %dma_wait3A_44 = arith.constant 0 : i32
      %dma_wait3A_45 = tpu.memref_slice %arg8[%dma_wait3A_43, %dma_wait3A_44] : memref<32x128xi32, #tpu.memory_space<vmem>> -> memref<1x128xi32, #tpu.memory_space<vmem>>
      %dma_wait3A_46 = tpu.memref_squeeze %dma_wait3A_45 : memref<1x128xi32, #tpu.memory_space<vmem>> -> memref<128xi32, #tpu.memory_space<vmem>>
      %dma_wait3A_47 = arith.constant 0 : i32
      %dma_wait3A_48 = arith.constant 0 : i32
      %dma_wait3A_49 = tpu.memref_slice %arg11[%dma_wait3A_47, %dma_wait3A_48] : memref<10112x128xf32, #tpu.memory_space<vmem_shared>> -> memref<10112x128xf32, #tpu.memory_space<vmem_shared>>
      tpu.wait_indirect_dma semaphore(%arg15 : memref<!tpu.dma_semaphore, #tpu.memory_space<semaphore_mem>>) src(%arg10 : memref<128x128xf32, #tpu.memory_space<vmem>>) dst(%dma_wait3A_49 : memref<10112x128xf32, #tpu.memory_space<vmem_shared>>)
    }
    %scan3A_9 = arith.constant 5 : i32
    %barrier3A_10 = arith.constant 0 : index
    tpu.barrier barrier_id(%barrier3A_10)
    "tpu.region"() ({
      %run_scoped3A = tpu.sem_alloc : memref<!tpu.dma_semaphore, #tpu.memory_space<semaphore_mem>>
      %dma_start3A = arith.constant 0 : i32
      %dma_start3A_11 = tpu.memref_slice %arg6[%arg0, %mul3A_0, %dma_start3A] : memref<2x10112x128xf32, #tpu.memory_space<hbm>> -> memref<1x632x128xf32, #tpu.memory_space<hbm>>
      %dma_start3A_12 = tpu.memref_squeeze %dma_start3A_11 : memref<1x632x128xf32, #tpu.memory_space<hbm>> -> memref<632x128xf32, #tpu.memory_space<hbm>>
      %dma_start3A_13 = arith.constant 0 : i32
      %dma_start3A_14 = tpu.memref_slice %arg11[%mul3A_0, %dma_start3A_13] : memref<10112x128xf32, #tpu.memory_space<vmem_shared>> -> memref<632x128xf32, #tpu.memory_space<vmem_shared>>
      tpu.enqueue_dma source(%dma_start3A_14 : memref<632x128xf32, #tpu.memory_space<vmem_shared>>) target(%dma_start3A_12 : memref<632x128xf32, #tpu.memory_space<hbm>>) target_semaphore(%run_scoped3A : memref<!tpu.dma_semaphore, #tpu.memory_space<semaphore_mem>>)
      %dma_wait3A = arith.constant 0 : i32
      %dma_wait3A_15 = tpu.memref_slice %arg6[%arg0, %mul3A_0, %dma_wait3A] : memref<2x10112x128xf32, #tpu.memory_space<hbm>> -> memref<1x632x128xf32, #tpu.memory_space<hbm>>
      %dma_wait3A_16 = tpu.memref_squeeze %dma_wait3A_15 : memref<1x632x128xf32, #tpu.memory_space<hbm>> -> memref<632x128xf32, #tpu.memory_space<hbm>>
      %dma_wait3A_17 = arith.constant 0 : i32
      %dma_wait3A_18 = tpu.memref_slice %arg11[%mul3A_0, %dma_wait3A_17] : memref<10112x128xf32, #tpu.memory_space<vmem_shared>> -> memref<632x128xf32, #tpu.memory_space<vmem_shared>>
      tpu.wait_dma2 semaphore(%run_scoped3A : memref<!tpu.dma_semaphore, #tpu.memory_space<semaphore_mem>>) src(%dma_wait3A_18 : memref<632x128xf32, #tpu.memory_space<vmem_shared>>) dst(%dma_wait3A_16 : memref<632x128xf32, #tpu.memory_space<hbm>>)
      tpu.yield
    }) : () -> ()
    return
  }
}

module attributes {stable_mosaic.version = 14 : i64} {
  func.func @body(%arg0: i32, %arg1: memref<400x128xf32, #tpu.memory_space<vmem>>, %arg2: memref<400x128xf32, #tpu.memory_space<vmem>>, %arg3: memref<400x128xf32, #tpu.memory_space<vmem>>, %arg4: memref<128x128xf32, #tpu.memory_space<vmem>>, %arg5: memref<1x128xf32, #tpu.memory_space<vmem>>, %arg6: memref<16x16xf32, #tpu.memory_space<vmem>>, %arg7: memref<1x16xf32, #tpu.memory_space<vmem>>, %arg8: memref<272x128xf32, #tpu.memory_space<vmem>>, %arg9: memref<1x128xf32, #tpu.memory_space<vmem>>, %arg10: memref<400x128xf32, #tpu.memory_space<vmem>>, %arg11: memref<400x128xf32, #tpu.memory_space<vmem>>, %arg12: memref<400x128xf32, #tpu.memory_space<vmem>>, %arg13: memref<400x128xf32, #tpu.memory_space<vmem>>, %arg14: memref<400x128xf32, #tpu.memory_space<vmem>>) attributes {dimension_semantics = [#tpu.dimension_semantics<arbitrary>], iteration_bounds = array<i64: 25>, scalar_prefetch = 0 : i64, scratch_operands = 0 : i64, tpu.core_type = #tpu.core_type<tc>, window_params = [{transform_indices = @transform_0, window_bounds = array<i64: 400, 128>}, {transform_indices = @transform_1, window_bounds = array<i64: 400, 128>}, {transform_indices = @transform_2, window_bounds = array<i64: 400, 128>}, {pipeline_mode = #tpu.pipeline_mode<synchronous>, transform_indices = @transform_3, window_bounds = array<i64: 128, 128>}, {pipeline_mode = #tpu.pipeline_mode<synchronous>, transform_indices = @transform_4, window_bounds = array<i64: 1, 128>}, {pipeline_mode = #tpu.pipeline_mode<synchronous>, transform_indices = @transform_5, window_bounds = array<i64: 16, 16>}, {pipeline_mode = #tpu.pipeline_mode<synchronous>, transform_indices = @transform_6, window_bounds = array<i64: 1, 16>}, {pipeline_mode = #tpu.pipeline_mode<synchronous>, transform_indices = @transform_7, window_bounds = array<i64: 272, 128>}, {pipeline_mode = #tpu.pipeline_mode<synchronous>, transform_indices = @transform_8, window_bounds = array<i64: 1, 128>}, {transform_indices = @transform_9, window_bounds = array<i64: 400, 128>}, {transform_indices = @transform_10, window_bounds = array<i64: 400, 128>}, {transform_indices = @transform_11, window_bounds = array<i64: 400, 128>}, {transform_indices = @transform_12, window_bounds = array<i64: 400, 128>}, {transform_indices = @transform_13, window_bounds = array<i64: 400, 128>}]} {
    %get3A = arith.constant 0 : index
    %get3A_0 = arith.constant 0 : index
    %get3A_1 = vector.load %arg1[%get3A, %get3A_0] : memref<400x128xf32, #tpu.memory_space<vmem>>, vector<400x128xf32>
    %get3A_2 = arith.constant 0 : index
    %get3A_3 = arith.constant 0 : index
    %get3A_4 = vector.load %arg4[%get3A_2, %get3A_3] : memref<128x128xf32, #tpu.memory_space<vmem>>, vector<128x128xf32>
    %dot_general3A = arith.constant dense<0.000000e+00> : vector<400x128xf32>
    %dot_general3A_5 = tpu.matmul %get3A_1, %get3A_4, %dot_general3A {dimension_numbers = #tpu.dot_dimension_numbers<[1], [0], [0], [1], [0, 0, 1, 1], [], []>, transpose_lhs_hint = false} : vector<400x128xf32>, vector<128x128xf32>, vector<400x128xf32> -> vector<400x128xf32>
    %get3A_6 = arith.constant 0 : index
    %get3A_7 = arith.constant 0 : index
    %get3A_8 = vector.load %arg5[%get3A_6, %get3A_7] : memref<1x128xf32, #tpu.memory_space<vmem>>, vector<1x128xf32>
    %add3A = vector.broadcast %get3A_8 : vector<1x128xf32> to vector<400x128xf32>
    %add3A_9 = arith.addf %dot_general3A_5, %add3A : vector<400x128xf32>
    %get3A_10 = arith.constant 256 : index
    %get3A_11 = arith.constant 0 : index
    %get3A_12 = vector.load %arg8[%get3A_10, %get3A_11] : memref<272x128xf32, #tpu.memory_space<vmem>>, vector<16x128xf32>
    %get3A_13 = arith.constant 0 : index
    %get3A_14 = arith.constant 0 : index
    %get3A_15 = vector.load %arg2[%get3A_13, %get3A_14] : memref<400x128xf32, #tpu.memory_space<vmem>>, vector<400x128xf32>
    %get3A_16 = arith.constant 0 : index
    %get3A_17 = arith.constant 0 : index
    %get3A_18 = vector.load %arg3[%get3A_16, %get3A_17] : memref<400x128xf32, #tpu.memory_space<vmem>>, vector<400x128xf32>
    %add3A_19 = arith.addf %get3A_15, %get3A_18 : vector<400x128xf32>
    %get3A_20 = arith.constant 0 : index
    %get3A_21 = arith.constant 0 : index
    %get3A_22 = vector.load %arg6[%get3A_20, %get3A_21] : memref<16x16xf32, #tpu.memory_space<vmem>>, vector<16x16xf32>
    %dot_general3A_23 = arith.constant dense<0.000000e+00> : vector<16x128xf32>
    %dot_general3A_24 = tpu.matmul %get3A_22, %get3A_12, %dot_general3A_23 {dimension_numbers = #tpu.dot_dimension_numbers<[1], [0], [0], [1], [0, 0, 1, 1], [], []>, transpose_lhs_hint = false} : vector<16x16xf32>, vector<16x128xf32>, vector<16x128xf32> -> vector<16x128xf32>
    %get3A_25 = arith.constant 0 : index
    %get3A_26 = arith.constant 0 : index
    %get3A_27 = vector.load %arg7[%get3A_25, %get3A_26] : memref<1x16xf32, #tpu.memory_space<vmem>>, vector<1x16xf32>
    %dot_general3A_28 = arith.constant dense<0.000000e+00> : vector<1x128xf32>
    %dot_general3A_29 = tpu.matmul %get3A_27, %get3A_12, %dot_general3A_28 {dimension_numbers = #tpu.dot_dimension_numbers<[1], [0], [0], [1], [0, 0, 1, 1], [], []>, transpose_lhs_hint = false} : vector<1x16xf32>, vector<16x128xf32>, vector<1x128xf32> -> vector<1x128xf32>
    %get3A_30 = arith.constant 0 : index
    %get3A_31 = arith.constant 0 : index
    %get3A_32 = vector.load %arg9[%get3A_30, %get3A_31] : memref<1x128xf32, #tpu.memory_space<vmem>>, vector<1x128xf32>
    %add3A_33 = arith.addf %dot_general3A_29, %get3A_32 : vector<1x128xf32>
    %broadcast_in_dim3A = arith.constant 0.000000e+00 : f32
    %broadcast_in_dim3A_34 = vector.broadcast %broadcast_in_dim3A : f32 to vector<111x128xf32>
    %concatenate3A = tpu.concatenate %dot_general3A_24, %add3A_33, %broadcast_in_dim3A_34 in 0 : vector<16x128xf32>, vector<1x128xf32>, vector<111x128xf32> -> vector<128x128xf32>
    %broadcast_in_dim3A_35 = arith.constant 0.000000e+00 : f32
    %broadcast_in_dim3A_36 = vector.broadcast %broadcast_in_dim3A_35 : f32 to vector<16x128xf32>
    %broadcast_in_dim3A_37 = arith.constant 1.000000e+00 : f32
    %broadcast_in_dim3A_38 = vector.broadcast %broadcast_in_dim3A_37 : f32 to vector<1x128xf32>
    %broadcast_in_dim3A_39 = arith.constant 0.000000e+00 : f32
    %broadcast_in_dim3A_40 = vector.broadcast %broadcast_in_dim3A_39 : f32 to vector<111x128xf32>
    %concatenate3A_41 = tpu.concatenate %broadcast_in_dim3A_36, %broadcast_in_dim3A_38, %broadcast_in_dim3A_40 in 0 : vector<16x128xf32>, vector<1x128xf32>, vector<111x128xf32> -> vector<128x128xf32>
    %dot_general3A_42 = arith.constant dense<0.000000e+00> : vector<400x128xf32>
    %dot_general3A_43 = tpu.matmul %add3A_19, %concatenate3A, %dot_general3A_42 {dimension_numbers = #tpu.dot_dimension_numbers<[1], [0], [0], [1], [0, 0, 1, 1], [], []>, transpose_lhs_hint = false} : vector<400x128xf32>, vector<128x128xf32>, vector<400x128xf32> -> vector<400x128xf32>
    %swap3A = arith.constant 0 : index
    %swap3A_44 = arith.constant 0 : index
    %swap3A_45 = vector.load %arg13[%swap3A, %swap3A_44] : memref<400x128xf32, #tpu.memory_space<vmem>>, vector<400x128xf32>
    tpu.vector_store %arg13[%swap3A, %swap3A_44], %dot_general3A_43 {strides = array<i32>} : memref<400x128xf32, #tpu.memory_space<vmem>>, vector<400x128xf32>,
    %dot_general3A_46 = arith.constant dense<0.000000e+00> : vector<400x128xf32>
    %dot_general3A_47 = tpu.matmul %add3A_19, %concatenate3A_41, %dot_general3A_46 {dimension_numbers = #tpu.dot_dimension_numbers<[1], [0], [0], [1], [0, 0, 1, 1], [], []>, transpose_lhs_hint = false} : vector<400x128xf32>, vector<128x128xf32>, vector<400x128xf32> -> vector<400x128xf32>
    %swap3A_48 = arith.constant 0 : index
    %swap3A_49 = arith.constant 0 : index
    %swap3A_50 = vector.load %arg14[%swap3A_48, %swap3A_49] : memref<400x128xf32, #tpu.memory_space<vmem>>, vector<400x128xf32>
    tpu.vector_store %arg14[%swap3A_48, %swap3A_49], %dot_general3A_47 {strides = array<i32>} : memref<400x128xf32, #tpu.memory_space<vmem>>, vector<400x128xf32>,
    %swap3A_51 = arith.constant 0 : index
    %swap3A_52 = arith.constant 0 : index
    %swap3A_53 = vector.load %arg10[%swap3A_51, %swap3A_52] : memref<400x128xf32, #tpu.memory_space<vmem>>, vector<400x128xf32>
    tpu.vector_store %arg10[%swap3A_51, %swap3A_52], %add3A_9 {strides = array<i32>} : memref<400x128xf32, #tpu.memory_space<vmem>>, vector<400x128xf32>,
    %get3A_54 = arith.constant 0 : index
    %get3A_55 = arith.constant 0 : index
    %get3A_56 = vector.load %arg8[%get3A_54, %get3A_55] : memref<272x128xf32, #tpu.memory_space<vmem>>, vector<128x128xf32>
    %dot_general3A_57 = arith.constant dense<0.000000e+00> : vector<400x128xf32>
    %dot_general3A_58 = tpu.matmul %add3A_9, %get3A_56, %dot_general3A_57 {dimension_numbers = #tpu.dot_dimension_numbers<[1], [0], [0], [1], [0, 0, 1, 1], [], []>, transpose_lhs_hint = false} : vector<400x128xf32>, vector<128x128xf32>, vector<400x128xf32> -> vector<400x128xf32>
    %swap3A_59 = arith.constant 0 : index
    %swap3A_60 = arith.constant 0 : index
    %swap3A_61 = vector.load %arg11[%swap3A_59, %swap3A_60] : memref<400x128xf32, #tpu.memory_space<vmem>>, vector<400x128xf32>
    tpu.vector_store %arg11[%swap3A_59, %swap3A_60], %dot_general3A_58 {strides = array<i32>} : memref<400x128xf32, #tpu.memory_space<vmem>>, vector<400x128xf32>,
    %get3A_62 = arith.constant 128 : index
    %get3A_63 = arith.constant 0 : index
    %get3A_64 = vector.load %arg8[%get3A_62, %get3A_63] : memref<272x128xf32, #tpu.memory_space<vmem>>, vector<128x128xf32>
    %dot_general3A_65 = arith.constant dense<0.000000e+00> : vector<400x128xf32>
    %dot_general3A_66 = tpu.matmul %add3A_9, %get3A_64, %dot_general3A_65 {dimension_numbers = #tpu.dot_dimension_numbers<[1], [0], [0], [1], [0, 0, 1, 1], [], []>, transpose_lhs_hint = false} : vector<400x128xf32>, vector<128x128xf32>, vector<400x128xf32> -> vector<400x128xf32>
    %swap3A_67 = arith.constant 0 : index
    %swap3A_68 = arith.constant 0 : index
    %swap3A_69 = vector.load %arg12[%swap3A_67, %swap3A_68] : memref<400x128xf32, #tpu.memory_space<vmem>>, vector<400x128xf32>
    tpu.vector_store %arg12[%swap3A_67, %swap3A_68], %dot_general3A_66 {strides = array<i32>} : memref<400x128xf32, #tpu.memory_space<vmem>>, vector<400x128xf32>,
    return
  }
  func.func @transform_0(%arg0: i32) -> (i32, i32) {
    %c0_i32 = arith.constant 0 : i32
    %c0_i32_0 = arith.constant 0 : i32
    return %arg0, %c0_i32 : i32, i32
  }
  func.func @transform_1(%arg0: i32) -> (i32, i32) {
    %c0_i32 = arith.constant 0 : i32
    %c0_i32_0 = arith.constant 0 : i32
    return %arg0, %c0_i32 : i32, i32
  }
  func.func @transform_2(%arg0: i32) -> (i32, i32) {
    %c0_i32 = arith.constant 0 : i32
    %c0_i32_0 = arith.constant 0 : i32
    return %arg0, %c0_i32 : i32, i32
  }
  func.func @transform_3(%arg0: i32) -> (i32, i32) {
    %c0_i32 = arith.constant 0 : i32
    %c0_i32_0 = arith.constant 0 : i32
    %c0_i32_1 = arith.constant 0 : i32
    return %c0_i32, %c0_i32_0 : i32, i32
  }
  func.func @transform_4(%arg0: i32) -> (i32, i32) {
    %c0_i32 = arith.constant 0 : i32
    %c0_i32_0 = arith.constant 0 : i32
    %c0_i32_1 = arith.constant 0 : i32
    return %c0_i32, %c0_i32_0 : i32, i32
  }
  func.func @transform_5(%arg0: i32) -> (i32, i32) {
    %c0_i32 = arith.constant 0 : i32
    %c0_i32_0 = arith.constant 0 : i32
    %c0_i32_1 = arith.constant 0 : i32
    return %c0_i32, %c0_i32_0 : i32, i32
  }
  func.func @transform_6(%arg0: i32) -> (i32, i32) {
    %c0_i32 = arith.constant 0 : i32
    %c0_i32_0 = arith.constant 0 : i32
    %c0_i32_1 = arith.constant 0 : i32
    return %c0_i32, %c0_i32_0 : i32, i32
  }
  func.func @transform_7(%arg0: i32) -> (i32, i32) {
    %c0_i32 = arith.constant 0 : i32
    %c0_i32_0 = arith.constant 0 : i32
    %c0_i32_1 = arith.constant 0 : i32
    return %c0_i32, %c0_i32_0 : i32, i32
  }
  func.func @transform_8(%arg0: i32) -> (i32, i32) {
    %c0_i32 = arith.constant 0 : i32
    %c0_i32_0 = arith.constant 0 : i32
    %c0_i32_1 = arith.constant 0 : i32
    return %c0_i32, %c0_i32_0 : i32, i32
  }
  func.func @transform_9(%arg0: i32) -> (i32, i32) {
    %c0_i32 = arith.constant 0 : i32
    %c0_i32_0 = arith.constant 0 : i32
    return %arg0, %c0_i32 : i32, i32
  }
  func.func @transform_10(%arg0: i32) -> (i32, i32) {
    %c0_i32 = arith.constant 0 : i32
    %c0_i32_0 = arith.constant 0 : i32
    return %arg0, %c0_i32 : i32, i32
  }
  func.func @transform_11(%arg0: i32) -> (i32, i32) {
    %c0_i32 = arith.constant 0 : i32
    %c0_i32_0 = arith.constant 0 : i32
    return %arg0, %c0_i32 : i32, i32
  }
  func.func @transform_12(%arg0: i32) -> (i32, i32) {
    %c0_i32 = arith.constant 0 : i32
    %c0_i32_0 = arith.constant 0 : i32
    return %arg0, %c0_i32 : i32, i32
  }
  func.func @transform_13(%arg0: i32) -> (i32, i32) {
    %c0_i32 = arith.constant 0 : i32
    %c0_i32_0 = arith.constant 0 : i32
    return %arg0, %c0_i32 : i32, i32
  }
}

module attributes {stable_mosaic.version = 14 : i64} {
  func.func @body(%arg0: i32, %arg1: memref<400x128xf32, #tpu.memory_space<vmem>>, %arg2: memref<400x128xf32, #tpu.memory_space<vmem>>, %arg3: memref<400x128xf32, #tpu.memory_space<vmem>>, %arg4: memref<400x128xf32, #tpu.memory_space<vmem>>, %arg5: memref<400x128xf32, #tpu.memory_space<vmem>>, %arg6: memref<400x128xf32, #tpu.memory_space<vmem>>, %arg7: memref<256x128xf32, #tpu.memory_space<vmem>>, %arg8: memref<1x128xf32, #tpu.memory_space<vmem>>, %arg9: memref<272x128xf32, #tpu.memory_space<vmem>>, %arg10: memref<400x128xf32, #tpu.memory_space<vmem>>, %arg11: memref<400x128xf32, #tpu.memory_space<vmem>>, %arg12: memref<400x128xf32, #tpu.memory_space<vmem>>) attributes {dimension_semantics = [#tpu.dimension_semantics<arbitrary>], iteration_bounds = array<i64: 25>, scalar_prefetch = 0 : i64, scratch_operands = 0 : i64, tpu.core_type = #tpu.core_type<tc>, window_params = [{transform_indices = @transform_0, window_bounds = array<i64: 400, 128>}, {transform_indices = @transform_1, window_bounds = array<i64: 400, 128>}, {transform_indices = @transform_2, window_bounds = array<i64: 400, 128>}, {transform_indices = @transform_3, window_bounds = array<i64: 400, 128>}, {transform_indices = @transform_4, window_bounds = array<i64: 400, 128>}, {transform_indices = @transform_5, window_bounds = array<i64: 400, 128>}, {pipeline_mode = #tpu.pipeline_mode<synchronous>, transform_indices = @transform_6, window_bounds = array<i64: 256, 128>}, {pipeline_mode = #tpu.pipeline_mode<synchronous>, transform_indices = @transform_7, window_bounds = array<i64: 1, 128>}, {pipeline_mode = #tpu.pipeline_mode<synchronous>, transform_indices = @transform_8, window_bounds = array<i64: 272, 128>}, {transform_indices = @transform_9, window_bounds = array<i64: 400, 128>}, {transform_indices = @transform_10, window_bounds = array<i64: 400, 128>}, {transform_indices = @transform_11, window_bounds = array<i64: 400, 128>}]} {
    %get3A = arith.constant 0 : index
    %get3A_0 = arith.constant 0 : index
    %get3A_1 = vector.load %arg1[%get3A, %get3A_0] : memref<400x128xf32, #tpu.memory_space<vmem>>, vector<400x128xf32>
    %get3A_2 = arith.constant 0 : index
    %get3A_3 = arith.constant 0 : index
    %get3A_4 = vector.load %arg2[%get3A_2, %get3A_3] : memref<400x128xf32, #tpu.memory_space<vmem>>, vector<400x128xf32>
    %add3A = arith.addf %get3A_1, %get3A_4 : vector<400x128xf32>
    %get3A_5 = arith.constant 0 : index
    %get3A_6 = arith.constant 0 : index
    %get3A_7 = vector.load %arg5[%get3A_5, %get3A_6] : memref<400x128xf32, #tpu.memory_space<vmem>>, vector<400x128xf32>
    %add3A_8 = arith.addf %add3A, %get3A_7 : vector<400x128xf32>
    %get3A_9 = arith.constant 0 : index
    %get3A_10 = arith.constant 0 : index
    %get3A_11 = vector.load %arg6[%get3A_9, %get3A_10] : memref<400x128xf32, #tpu.memory_space<vmem>>, vector<400x128xf32>
    %get3A_12 = arith.constant 0 : index
    %get3A_13 = arith.constant 0 : index
    %get3A_14 = vector.load %arg3[%get3A_12, %get3A_13] : memref<400x128xf32, #tpu.memory_space<vmem>>, vector<400x128xf32>
    %mul3A = arith.mulf %get3A_11, %get3A_14 : vector<400x128xf32>
    %add3A_15 = arith.addf %add3A_8, %mul3A : vector<400x128xf32>
    %get3A_16 = arith.constant 0 : index
    %get3A_17 = arith.constant 0 : index
    %get3A_18 = vector.load %arg7[%get3A_16, %get3A_17] : memref<256x128xf32, #tpu.memory_space<vmem>>, vector<128x128xf32>
    %dot_general3A = arith.constant dense<0.000000e+00> : vector<400x128xf32>
    %dot_general3A_19 = tpu.matmul %add3A_15, %get3A_18, %dot_general3A {dimension_numbers = #tpu.dot_dimension_numbers<[1], [0], [0], [1], [0, 0, 1, 1], [], []>, transpose_lhs_hint = false} : vector<400x128xf32>, vector<128x128xf32>, vector<400x128xf32> -> vector<400x128xf32>
    %get3A_20 = arith.constant 0 : index
    %get3A_21 = arith.constant 0 : index
    %get3A_22 = vector.load %arg4[%get3A_20, %get3A_21] : memref<400x128xf32, #tpu.memory_space<vmem>>, vector<400x128xf32>
    %get3A_23 = arith.constant 128 : index
    %get3A_24 = arith.constant 0 : index
    %get3A_25 = vector.load %arg7[%get3A_23, %get3A_24] : memref<256x128xf32, #tpu.memory_space<vmem>>, vector<128x128xf32>
    %dot_general3A_26 = arith.constant dense<0.000000e+00> : vector<400x128xf32>
    %dot_general3A_27 = tpu.matmul %get3A_22, %get3A_25, %dot_general3A_26 {dimension_numbers = #tpu.dot_dimension_numbers<[1], [0], [0], [1], [0, 0, 1, 1], [], []>, transpose_lhs_hint = false} : vector<400x128xf32>, vector<128x128xf32>, vector<400x128xf32> -> vector<400x128xf32>
    %add3A_28 = arith.addf %dot_general3A_19, %dot_general3A_27 : vector<400x128xf32>
    %get3A_29 = arith.constant 0 : index
    %get3A_30 = arith.constant 0 : index
    %get3A_31 = vector.load %arg8[%get3A_29, %get3A_30] : memref<1x128xf32, #tpu.memory_space<vmem>>, vector<1x128xf32>
    %add3A_32 = vector.broadcast %get3A_31 : vector<1x128xf32> to vector<400x128xf32>
    %add3A_33 = arith.addf %add3A_28, %add3A_32 : vector<400x128xf32>
    %swap3A = arith.constant 0 : index
    %swap3A_34 = arith.constant 0 : index
    %swap3A_35 = vector.load %arg10[%swap3A, %swap3A_34] : memref<400x128xf32, #tpu.memory_space<vmem>>, vector<400x128xf32>
    tpu.vector_store %arg10[%swap3A, %swap3A_34], %add3A_33 {strides = array<i32>} : memref<400x128xf32, #tpu.memory_space<vmem>>, vector<400x128xf32>,
    %get3A_36 = arith.constant 0 : index
    %get3A_37 = arith.constant 0 : index
    %get3A_38 = vector.load %arg9[%get3A_36, %get3A_37] : memref<272x128xf32, #tpu.memory_space<vmem>>, vector<128x128xf32>
    %dot_general3A_39 = arith.constant dense<0.000000e+00> : vector<400x128xf32>
    %dot_general3A_40 = tpu.matmul %add3A_33, %get3A_38, %dot_general3A_39 {dimension_numbers = #tpu.dot_dimension_numbers<[1], [0], [0], [1], [0, 0, 1, 1], [], []>, transpose_lhs_hint = false} : vector<400x128xf32>, vector<128x128xf32>, vector<400x128xf32> -> vector<400x128xf32>
    %swap3A_41 = arith.constant 0 : index
    %swap3A_42 = arith.constant 0 : index
    %swap3A_43 = vector.load %arg11[%swap3A_41, %swap3A_42] : memref<400x128xf32, #tpu.memory_space<vmem>>, vector<400x128xf32>
    tpu.vector_store %arg11[%swap3A_41, %swap3A_42], %dot_general3A_40 {strides = array<i32>} : memref<400x128xf32, #tpu.memory_space<vmem>>, vector<400x128xf32>,
    %get3A_44 = arith.constant 128 : index
    %get3A_45 = arith.constant 0 : index
    %get3A_46 = vector.load %arg9[%get3A_44, %get3A_45] : memref<272x128xf32, #tpu.memory_space<vmem>>, vector<128x128xf32>
    %dot_general3A_47 = arith.constant dense<0.000000e+00> : vector<400x128xf32>
    %dot_general3A_48 = tpu.matmul %add3A_33, %get3A_46, %dot_general3A_47 {dimension_numbers = #tpu.dot_dimension_numbers<[1], [0], [0], [1], [0, 0, 1, 1], [], []>, transpose_lhs_hint = false} : vector<400x128xf32>, vector<128x128xf32>, vector<400x128xf32> -> vector<400x128xf32>
    %swap3A_49 = arith.constant 0 : index
    %swap3A_50 = arith.constant 0 : index
    %swap3A_51 = vector.load %arg12[%swap3A_49, %swap3A_50] : memref<400x128xf32, #tpu.memory_space<vmem>>, vector<400x128xf32>
    tpu.vector_store %arg12[%swap3A_49, %swap3A_50], %dot_general3A_48 {strides = array<i32>} : memref<400x128xf32, #tpu.memory_space<vmem>>, vector<400x128xf32>,
    return
  }
  func.func @transform_0(%arg0: i32) -> (i32, i32) {
    %c0_i32 = arith.constant 0 : i32
    %c0_i32_0 = arith.constant 0 : i32
    return %arg0, %c0_i32 : i32, i32
  }
  func.func @transform_1(%arg0: i32) -> (i32, i32) {
    %c0_i32 = arith.constant 0 : i32
    %c0_i32_0 = arith.constant 0 : i32
    return %arg0, %c0_i32 : i32, i32
  }
  func.func @transform_2(%arg0: i32) -> (i32, i32) {
    %c0_i32 = arith.constant 0 : i32
    %c0_i32_0 = arith.constant 0 : i32
    return %arg0, %c0_i32 : i32, i32
  }
  func.func @transform_3(%arg0: i32) -> (i32, i32) {
    %c0_i32 = arith.constant 0 : i32
    %c0_i32_0 = arith.constant 0 : i32
    return %arg0, %c0_i32 : i32, i32
  }
  func.func @transform_4(%arg0: i32) -> (i32, i32) {
    %c0_i32 = arith.constant 0 : i32
    %c0_i32_0 = arith.constant 0 : i32
    return %arg0, %c0_i32 : i32, i32
  }
  func.func @transform_5(%arg0: i32) -> (i32, i32) {
    %c0_i32 = arith.constant 0 : i32
    %c0_i32_0 = arith.constant 0 : i32
    return %arg0, %c0_i32 : i32, i32
  }
  func.func @transform_6(%arg0: i32) -> (i32, i32) {
    %c0_i32 = arith.constant 0 : i32
    %c0_i32_0 = arith.constant 0 : i32
    %c0_i32_1 = arith.constant 0 : i32
    return %c0_i32, %c0_i32_0 : i32, i32
  }
  func.func @transform_7(%arg0: i32) -> (i32, i32) {
    %c0_i32 = arith.constant 0 : i32
    %c0_i32_0 = arith.constant 0 : i32
    %c0_i32_1 = arith.constant 0 : i32
    return %c0_i32, %c0_i32_0 : i32, i32
  }
  func.func @transform_8(%arg0: i32) -> (i32, i32) {
    %c0_i32 = arith.constant 0 : i32
    %c0_i32_0 = arith.constant 0 : i32
    %c0_i32_1 = arith.constant 0 : i32
    return %c0_i32, %c0_i32_0 : i32, i32
  }
  func.func @transform_9(%arg0: i32) -> (i32, i32) {
    %c0_i32 = arith.constant 0 : i32
    %c0_i32_0 = arith.constant 0 : i32
    return %arg0, %c0_i32 : i32, i32
  }
  func.func @transform_10(%arg0: i32) -> (i32, i32) {
    %c0_i32 = arith.constant 0 : i32
    %c0_i32_0 = arith.constant 0 : i32
    return %arg0, %c0_i32 : i32, i32
  }
  func.func @transform_11(%arg0: i32) -> (i32, i32) {
    %c0_i32 = arith.constant 0 : i32
    %c0_i32_0 = arith.constant 0 : i32
    return %arg0, %c0_i32 : i32, i32
  }
}

module attributes {stable_mosaic.version = 14 : i64} {
  func.func @body(%arg0: i32, %arg1: memref<400x128xf32, #tpu.memory_space<vmem>>, %arg2: memref<400x128xf32, #tpu.memory_space<vmem>>, %arg3: memref<400x128xf32, #tpu.memory_space<vmem>>, %arg4: memref<400x128xf32, #tpu.memory_space<vmem>>, %arg5: memref<400x128xf32, #tpu.memory_space<vmem>>, %arg6: memref<400x128xf32, #tpu.memory_space<vmem>>, %arg7: memref<256x128xf32, #tpu.memory_space<vmem>>, %arg8: memref<1x128xf32, #tpu.memory_space<vmem>>, %arg9: memref<128x256xf32, #tpu.memory_space<vmem>>, %arg10: memref<1x256xf32, #tpu.memory_space<vmem>>, %arg11: memref<5x8x128xf32, #tpu.memory_space<vmem>>) attributes {dimension_semantics = [#tpu.dimension_semantics<arbitrary>], iteration_bounds = array<i64: 25>, scalar_prefetch = 0 : i64, scratch_operands = 0 : i64, tpu.core_type = #tpu.core_type<tc>, window_params = [{transform_indices = @transform_0, window_bounds = array<i64: 400, 128>}, {transform_indices = @transform_1, window_bounds = array<i64: 400, 128>}, {transform_indices = @transform_2, window_bounds = array<i64: 400, 128>}, {transform_indices = @transform_3, window_bounds = array<i64: 400, 128>}, {transform_indices = @transform_4, window_bounds = array<i64: 400, 128>}, {transform_indices = @transform_5, window_bounds = array<i64: 400, 128>}, {pipeline_mode = #tpu.pipeline_mode<synchronous>, transform_indices = @transform_6, window_bounds = array<i64: 256, 128>}, {pipeline_mode = #tpu.pipeline_mode<synchronous>, transform_indices = @transform_7, window_bounds = array<i64: 1, 128>}, {pipeline_mode = #tpu.pipeline_mode<synchronous>, transform_indices = @transform_8, window_bounds = array<i64: 128, 256>}, {pipeline_mode = #tpu.pipeline_mode<synchronous>, transform_indices = @transform_9, window_bounds = array<i64: 1, 256>}, {transform_indices = @transform_10, window_bounds = array<i64: 5, 8, 128>}]} {
    %get3A = arith.constant 0 : index
    %get3A_0 = arith.constant 0 : index
    %get3A_1 = vector.load %arg1[%get3A, %get3A_0] : memref<400x128xf32, #tpu.memory_space<vmem>>, vector<400x128xf32>
    %get3A_2 = arith.constant 0 : index
    %get3A_3 = arith.constant 0 : index
    %get3A_4 = vector.load %arg2[%get3A_2, %get3A_3] : memref<400x128xf32, #tpu.memory_space<vmem>>, vector<400x128xf32>
    %add3A = arith.addf %get3A_1, %get3A_4 : vector<400x128xf32>
    %get3A_5 = arith.constant 0 : index
    %get3A_6 = arith.constant 0 : index
    %get3A_7 = vector.load %arg5[%get3A_5, %get3A_6] : memref<400x128xf32, #tpu.memory_space<vmem>>, vector<400x128xf32>
    %add3A_8 = arith.addf %add3A, %get3A_7 : vector<400x128xf32>
    %get3A_9 = arith.constant 0 : index
    %get3A_10 = arith.constant 0 : index
    %get3A_11 = vector.load %arg6[%get3A_9, %get3A_10] : memref<400x128xf32, #tpu.memory_space<vmem>>, vector<400x128xf32>
    %get3A_12 = arith.constant 0 : index
    %get3A_13 = arith.constant 0 : index
    %get3A_14 = vector.load %arg3[%get3A_12, %get3A_13] : memref<400x128xf32, #tpu.memory_space<vmem>>, vector<400x128xf32>
    %mul3A = arith.mulf %get3A_11, %get3A_14 : vector<400x128xf32>
    %add3A_15 = arith.addf %add3A_8, %mul3A : vector<400x128xf32>
    %get3A_16 = arith.constant 0 : index
    %get3A_17 = arith.constant 0 : index
    %get3A_18 = vector.load %arg7[%get3A_16, %get3A_17] : memref<256x128xf32, #tpu.memory_space<vmem>>, vector<128x128xf32>
    %dot_general3A = arith.constant dense<0.000000e+00> : vector<400x128xf32>
    %dot_general3A_19 = tpu.matmul %add3A_15, %get3A_18, %dot_general3A {dimension_numbers = #tpu.dot_dimension_numbers<[1], [0], [0], [1], [0, 0, 1, 1], [], []>, transpose_lhs_hint = false} : vector<400x128xf32>, vector<128x128xf32>, vector<400x128xf32> -> vector<400x128xf32>
    %get3A_20 = arith.constant 0 : index
    %get3A_21 = arith.constant 0 : index
    %get3A_22 = vector.load %arg4[%get3A_20, %get3A_21] : memref<400x128xf32, #tpu.memory_space<vmem>>, vector<400x128xf32>
    %get3A_23 = arith.constant 128 : index
    %get3A_24 = arith.constant 0 : index
    %get3A_25 = vector.load %arg7[%get3A_23, %get3A_24] : memref<256x128xf32, #tpu.memory_space<vmem>>, vector<128x128xf32>
    %dot_general3A_26 = arith.constant dense<0.000000e+00> : vector<400x128xf32>
    %dot_general3A_27 = tpu.matmul %get3A_22, %get3A_25, %dot_general3A_26 {dimension_numbers = #tpu.dot_dimension_numbers<[1], [0], [0], [1], [0, 0, 1, 1], [], []>, transpose_lhs_hint = false} : vector<400x128xf32>, vector<128x128xf32>, vector<400x128xf32> -> vector<400x128xf32>
    %add3A_28 = arith.addf %dot_general3A_19, %dot_general3A_27 : vector<400x128xf32>
    %get3A_29 = arith.constant 0 : index
    %get3A_30 = arith.constant 0 : index
    %get3A_31 = vector.load %arg8[%get3A_29, %get3A_30] : memref<1x128xf32, #tpu.memory_space<vmem>>, vector<1x128xf32>
    %add3A_32 = vector.broadcast %get3A_31 : vector<1x128xf32> to vector<400x128xf32>
    %add3A_33 = arith.addf %add3A_28, %add3A_32 : vector<400x128xf32>
    %get3A_34 = arith.constant 0 : index
    %get3A_35 = arith.constant 0 : index
    %get3A_36 = vector.load %arg9[%get3A_34, %get3A_35] : memref<128x256xf32, #tpu.memory_space<vmem>>, vector<128x256xf32>
    %dot_general3A_37 = arith.constant dense<0.000000e+00> : vector<400x256xf32>
    %dot_general3A_38 = tpu.matmul %add3A_33, %get3A_36, %dot_general3A_37 {dimension_numbers = #tpu.dot_dimension_numbers<[1], [0], [0], [1], [0, 0, 1, 1], [], []>, transpose_lhs_hint = false} : vector<400x128xf32>, vector<128x256xf32>, vector<400x256xf32> -> vector<400x256xf32>
    %get3A_39 = arith.constant 0 : index
    %get3A_40 = arith.constant 0 : index
    %get3A_41 = vector.load %arg10[%get3A_39, %get3A_40] : memref<1x256xf32, #tpu.memory_space<vmem>>, vector<1x256xf32>
    %add3A_42 = vector.broadcast %get3A_41 : vector<1x256xf32> to vector<400x256xf32>
    %add3A_43 = arith.addf %dot_general3A_38, %add3A_42 : vector<400x256xf32>
    %slice3A = vector.extract_strided_slice %add3A_43 {offsets = [0, 0], sizes = [400, 128], strides = [1, 1]} : vector<400x256xf32> to vector<400x128xf32>
    %logistic3A = arith.negf %slice3A : vector<400x128xf32>
    %logistic3A_44 = math.exp %logistic3A : vector<400x128xf32>
    %logistic3A_45 = arith.constant 1.000000e+00 : f32
    %logistic3A_46 = vector.broadcast %logistic3A_45 : f32 to vector<400x128xf32>
    %logistic3A_47 = arith.addf %logistic3A_46, %logistic3A_44 : vector<400x128xf32>
    %logistic3A_48 = arith.divf %logistic3A_46, %logistic3A_47 : vector<400x128xf32>
    %slice3A_49 = vector.extract_strided_slice %add3A_43 {offsets = [0, 128], sizes = [400, 128], strides = [1, 1]} : vector<400x256xf32> to vector<400x128xf32>
    %mul3A_50 = arith.mulf %slice3A_49, %logistic3A_48 : vector<400x128xf32>
    %slice3A_51 = vector.extract_strided_slice %mul3A_50 {offsets = [0, 0], sizes = [40, 128], strides = [1, 1]} : vector<400x128xf32> to vector<40x128xf32>
    %slice3A_52 = vector.extract_strided_slice %mul3A_50 {offsets = [40, 0], sizes = [40, 128], strides = [1, 1]} : vector<400x128xf32> to vector<40x128xf32>
    %dot_general3A_53 = arith.constant dense<0.000000e+00> : vector<40x40xf32>
    %dot_general3A_54 = tpu.matmul %slice3A_51, %slice3A_52, %dot_general3A_53 {dimension_numbers = #tpu.dot_dimension_numbers<[1], [1], [0], [0], [0, 0, 1, 0], [], []>, transpose_lhs_hint = false} : vector<40x128xf32>, vector<40x128xf32>, vector<40x40xf32> -> vector<40x40xf32>
    %reduce_max3A = arith.constant dense<0xFF800000> : vector<40xf32>
    %reduce_max3A_55 = vector.multi_reduction <maximumf>, %dot_general3A_54, %reduce_max3A [1] : vector<40x40xf32> to vector<40xf32>
    %reduce_sum3A = vector.shape_cast %reduce_max3A_55 : vector<40xf32> to vector<1x40xf32>
    %reduce_sum3A_56 = arith.constant dense<0.000000e+00> : vector<1xf32>
    %reduce_sum3A_57 = vector.multi_reduction <add>, %reduce_sum3A, %reduce_sum3A_56 [1] : vector<1x40xf32> to vector<1xf32>
    %reduce_sum3A_58 = vector.shape_cast %reduce_sum3A_57 : vector<1xf32> to vector<1x1xf32>
    %reduce_sum3A_59 = vector.extract %reduce_sum3A_58[0, 0] : f32 from vector<1x1xf32>
    %broadcast_in_dim3A = vector.broadcast %reduce_sum3A_59 : f32 to vector<8x128xf32>
    %swap3A = arith.constant 0 : index
    %swap3A_60 = arith.constant 0 : index
    %swap3A_61 = arith.constant 0 : index
    %swap3A_62 = vector.load %arg11[%swap3A, %swap3A_60, %swap3A_61] : memref<5x8x128xf32, #tpu.memory_space<vmem>>, vector<1x8x128xf32>
    %swap3A_63 = vector.shape_cast %swap3A_62 : vector<1x8x128xf32> to vector<8x128xf32>
    %swap3A_64 = vector.shape_cast %broadcast_in_dim3A : vector<8x128xf32> to vector<1x8x128xf32>
    tpu.vector_store %arg11[%swap3A, %swap3A_60, %swap3A_61], %swap3A_64 {strides = array<i32>} : memref<5x8x128xf32, #tpu.memory_space<vmem>>, vector<1x8x128xf32>,
    %slice3A_65 = vector.extract_strided_slice %mul3A_50 {offsets = [80, 0], sizes = [40, 128], strides = [1, 1]} : vector<400x128xf32> to vector<40x128xf32>
    %slice3A_66 = vector.extract_strided_slice %mul3A_50 {offsets = [120, 0], sizes = [40, 128], strides = [1, 1]} : vector<400x128xf32> to vector<40x128xf32>
    %dot_general3A_67 = arith.constant dense<0.000000e+00> : vector<40x40xf32>
    %dot_general3A_68 = tpu.matmul %slice3A_65, %slice3A_66, %dot_general3A_67 {dimension_numbers = #tpu.dot_dimension_numbers<[1], [1], [0], [0], [0, 0, 1, 0], [], []>, transpose_lhs_hint = false} : vector<40x128xf32>, vector<40x128xf32>, vector<40x40xf32> -> vector<40x40xf32>
    %reduce_max3A_69 = arith.constant dense<0xFF800000> : vector<40xf32>
    %reduce_max3A_70 = vector.multi_reduction <maximumf>, %dot_general3A_68, %reduce_max3A_69 [1] : vector<40x40xf32> to vector<40xf32>
    %reduce_sum3A_71 = vector.shape_cast %reduce_max3A_70 : vector<40xf32> to vector<1x40xf32>
    %reduce_sum3A_72 = arith.constant dense<0.000000e+00> : vector<1xf32>
    %reduce_sum3A_73 = vector.multi_reduction <add>, %reduce_sum3A_71, %reduce_sum3A_72 [1] : vector<1x40xf32> to vector<1xf32>
    %reduce_sum3A_74 = vector.shape_cast %reduce_sum3A_73 : vector<1xf32> to vector<1x1xf32>
    %reduce_sum3A_75 = vector.extract %reduce_sum3A_74[0, 0] : f32 from vector<1x1xf32>
    %broadcast_in_dim3A_76 = vector.broadcast %reduce_sum3A_75 : f32 to vector<8x128xf32>
    %swap3A_77 = arith.constant 1 : index
    %swap3A_78 = arith.constant 0 : index
    %swap3A_79 = arith.constant 0 : index
    %swap3A_80 = vector.load %arg11[%swap3A_77, %swap3A_78, %swap3A_79] : memref<5x8x128xf32, #tpu.memory_space<vmem>>, vector<1x8x128xf32>
    %swap3A_81 = vector.shape_cast %swap3A_80 : vector<1x8x128xf32> to vector<8x128xf32>
    %swap3A_82 = vector.shape_cast %broadcast_in_dim3A_76 : vector<8x128xf32> to vector<1x8x128xf32>
    tpu.vector_store %arg11[%swap3A_77, %swap3A_78, %swap3A_79], %swap3A_82 {strides = array<i32>} : memref<5x8x128xf32, #tpu.memory_space<vmem>>, vector<1x8x128xf32>,
    %slice3A_83 = vector.extract_strided_slice %mul3A_50 {offsets = [160, 0], sizes = [40, 128], strides = [1, 1]} : vector<400x128xf32> to vector<40x128xf32>
    %slice3A_84 = vector.extract_strided_slice %mul3A_50 {offsets = [200, 0], sizes = [40, 128], strides = [1, 1]} : vector<400x128xf32> to vector<40x128xf32>
    %dot_general3A_85 = arith.constant dense<0.000000e+00> : vector<40x40xf32>
    %dot_general3A_86 = tpu.matmul %slice3A_83, %slice3A_84, %dot_general3A_85 {dimension_numbers = #tpu.dot_dimension_numbers<[1], [1], [0], [0], [0, 0, 1, 0], [], []>, transpose_lhs_hint = false} : vector<40x128xf32>, vector<40x128xf32>, vector<40x40xf32> -> vector<40x40xf32>
    %reduce_max3A_87 = arith.constant dense<0xFF800000> : vector<40xf32>
    %reduce_max3A_88 = vector.multi_reduction <maximumf>, %dot_general3A_86, %reduce_max3A_87 [1] : vector<40x40xf32> to vector<40xf32>
    %reduce_sum3A_89 = vector.shape_cast %reduce_max3A_88 : vector<40xf32> to vector<1x40xf32>
    %reduce_sum3A_90 = arith.constant dense<0.000000e+00> : vector<1xf32>
    %reduce_sum3A_91 = vector.multi_reduction <add>, %reduce_sum3A_89, %reduce_sum3A_90 [1] : vector<1x40xf32> to vector<1xf32>
    %reduce_sum3A_92 = vector.shape_cast %reduce_sum3A_91 : vector<1xf32> to vector<1x1xf32>
    %reduce_sum3A_93 = vector.extract %reduce_sum3A_92[0, 0] : f32 from vector<1x1xf32>
    %broadcast_in_dim3A_94 = vector.broadcast %reduce_sum3A_93 : f32 to vector<8x128xf32>
    %swap3A_95 = arith.constant 2 : index
    %swap3A_96 = arith.constant 0 : index
    %swap3A_97 = arith.constant 0 : index
    %swap3A_98 = vector.load %arg11[%swap3A_95, %swap3A_96, %swap3A_97] : memref<5x8x128xf32, #tpu.memory_space<vmem>>, vector<1x8x128xf32>
    %swap3A_99 = vector.shape_cast %swap3A_98 : vector<1x8x128xf32> to vector<8x128xf32>
    %swap3A_100 = vector.shape_cast %broadcast_in_dim3A_94 : vector<8x128xf32> to vector<1x8x128xf32>
    tpu.vector_store %arg11[%swap3A_95, %swap3A_96, %swap3A_97], %swap3A_100 {strides = array<i32>} : memref<5x8x128xf32, #tpu.memory_space<vmem>>, vector<1x8x128xf32>,
    %slice3A_101 = vector.extract_strided_slice %mul3A_50 {offsets = [240, 0], sizes = [40, 128], strides = [1, 1]} : vector<400x128xf32> to vector<40x128xf32>
    %slice3A_102 = vector.extract_strided_slice %mul3A_50 {offsets = [280, 0], sizes = [40, 128], strides = [1, 1]} : vector<400x128xf32> to vector<40x128xf32>
    %dot_general3A_103 = arith.constant dense<0.000000e+00> : vector<40x40xf32>
    %dot_general3A_104 = tpu.matmul %slice3A_101, %slice3A_102, %dot_general3A_103 {dimension_numbers = #tpu.dot_dimension_numbers<[1], [1], [0], [0], [0, 0, 1, 0], [], []>, transpose_lhs_hint = false} : vector<40x128xf32>, vector<40x128xf32>, vector<40x40xf32> -> vector<40x40xf32>
    %reduce_max3A_105 = arith.constant dense<0xFF800000> : vector<40xf32>
    %reduce_max3A_106 = vector.multi_reduction <maximumf>, %dot_general3A_104, %reduce_max3A_105 [1] : vector<40x40xf32> to vector<40xf32>
    %reduce_sum3A_107 = vector.shape_cast %reduce_max3A_106 : vector<40xf32> to vector<1x40xf32>
    %reduce_sum3A_108 = arith.constant dense<0.000000e+00> : vector<1xf32>
    %reduce_sum3A_109 = vector.multi_reduction <add>, %reduce_sum3A_107, %reduce_sum3A_108 [1] : vector<1x40xf32> to vector<1xf32>
    %reduce_sum3A_110 = vector.shape_cast %reduce_sum3A_109 : vector<1xf32> to vector<1x1xf32>
    %reduce_sum3A_111 = vector.extract %reduce_sum3A_110[0, 0] : f32 from vector<1x1xf32>
    %broadcast_in_dim3A_112 = vector.broadcast %reduce_sum3A_111 : f32 to vector<8x128xf32>
    %swap3A_113 = arith.constant 3 : index
    %swap3A_114 = arith.constant 0 : index
    %swap3A_115 = arith.constant 0 : index
    %swap3A_116 = vector.load %arg11[%swap3A_113, %swap3A_114, %swap3A_115] : memref<5x8x128xf32, #tpu.memory_space<vmem>>, vector<1x8x128xf32>
    %swap3A_117 = vector.shape_cast %swap3A_116 : vector<1x8x128xf32> to vector<8x128xf32>
    %swap3A_118 = vector.shape_cast %broadcast_in_dim3A_112 : vector<8x128xf32> to vector<1x8x128xf32>
    tpu.vector_store %arg11[%swap3A_113, %swap3A_114, %swap3A_115], %swap3A_118 {strides = array<i32>} : memref<5x8x128xf32, #tpu.memory_space<vmem>>, vector<1x8x128xf32>,
    %slice3A_119 = vector.extract_strided_slice %mul3A_50 {offsets = [320, 0], sizes = [40, 128], strides = [1, 1]} : vector<400x128xf32> to vector<40x128xf32>
    %slice3A_120 = vector.extract_strided_slice %mul3A_50 {offsets = [360, 0], sizes = [40, 128], strides = [1, 1]} : vector<400x128xf32> to vector<40x128xf32>
    %dot_general3A_121 = arith.constant dense<0.000000e+00> : vector<40x40xf32>
    %dot_general3A_122 = tpu.matmul %slice3A_119, %slice3A_120, %dot_general3A_121 {dimension_numbers = #tpu.dot_dimension_numbers<[1], [1], [0], [0], [0, 0, 1, 0], [], []>, transpose_lhs_hint = false} : vector<40x128xf32>, vector<40x128xf32>, vector<40x40xf32> -> vector<40x40xf32>
    %reduce_max3A_123 = arith.constant dense<0xFF800000> : vector<40xf32>
    %reduce_max3A_124 = vector.multi_reduction <maximumf>, %dot_general3A_122, %reduce_max3A_123 [1] : vector<40x40xf32> to vector<40xf32>
    %reduce_sum3A_125 = vector.shape_cast %reduce_max3A_124 : vector<40xf32> to vector<1x40xf32>
    %reduce_sum3A_126 = arith.constant dense<0.000000e+00> : vector<1xf32>
    %reduce_sum3A_127 = vector.multi_reduction <add>, %reduce_sum3A_125, %reduce_sum3A_126 [1] : vector<1x40xf32> to vector<1xf32>
    %reduce_sum3A_128 = vector.shape_cast %reduce_sum3A_127 : vector<1xf32> to vector<1x1xf32>
    %reduce_sum3A_129 = vector.extract %reduce_sum3A_128[0, 0] : f32 from vector<1x1xf32>
    %broadcast_in_dim3A_130 = vector.broadcast %reduce_sum3A_129 : f32 to vector<8x128xf32>
    %swap3A_131 = arith.constant 4 : index
    %swap3A_132 = arith.constant 0 : index
    %swap3A_133 = arith.constant 0 : index
    %swap3A_134 = vector.load %arg11[%swap3A_131, %swap3A_132, %swap3A_133] : memref<5x8x128xf32, #tpu.memory_space<vmem>>, vector<1x8x128xf32>
    %swap3A_135 = vector.shape_cast %swap3A_134 : vector<1x8x128xf32> to vector<8x128xf32>
    %swap3A_136 = vector.shape_cast %broadcast_in_dim3A_130 : vector<8x128xf32> to vector<1x8x128xf32>
    tpu.vector_store %arg11[%swap3A_131, %swap3A_132, %swap3A_133], %swap3A_136 {strides = array<i32>} : memref<5x8x128xf32, #tpu.memory_space<vmem>>, vector<1x8x128xf32>,
    return
  }
  func.func @transform_0(%arg0: i32) -> (i32, i32) {
    %c0_i32 = arith.constant 0 : i32
    %c0_i32_0 = arith.constant 0 : i32
    return %arg0, %c0_i32 : i32, i32
  }
  func.func @transform_1(%arg0: i32) -> (i32, i32) {
    %c0_i32 = arith.constant 0 : i32
    %c0_i32_0 = arith.constant 0 : i32
    return %arg0, %c0_i32 : i32, i32
  }
  func.func @transform_2(%arg0: i32) -> (i32, i32) {
    %c0_i32 = arith.constant 0 : i32
    %c0_i32_0 = arith.constant 0 : i32
    return %arg0, %c0_i32 : i32, i32
  }
  func.func @transform_3(%arg0: i32) -> (i32, i32) {
    %c0_i32 = arith.constant 0 : i32
    %c0_i32_0 = arith.constant 0 : i32
    return %arg0, %c0_i32 : i32, i32
  }
  func.func @transform_4(%arg0: i32) -> (i32, i32) {
    %c0_i32 = arith.constant 0 : i32
    %c0_i32_0 = arith.constant 0 : i32
    return %arg0, %c0_i32 : i32, i32
  }
  func.func @transform_5(%arg0: i32) -> (i32, i32) {
    %c0_i32 = arith.constant 0 : i32
    %c0_i32_0 = arith.constant 0 : i32
    return %arg0, %c0_i32 : i32, i32
  }
  func.func @transform_6(%arg0: i32) -> (i32, i32) {
    %c0_i32 = arith.constant 0 : i32
    %c0_i32_0 = arith.constant 0 : i32
    %c0_i32_1 = arith.constant 0 : i32
    return %c0_i32, %c0_i32_0 : i32, i32
  }
  func.func @transform_7(%arg0: i32) -> (i32, i32) {
    %c0_i32 = arith.constant 0 : i32
    %c0_i32_0 = arith.constant 0 : i32
    %c0_i32_1 = arith.constant 0 : i32
    return %c0_i32, %c0_i32_0 : i32, i32
  }
  func.func @transform_8(%arg0: i32) -> (i32, i32) {
    %c0_i32 = arith.constant 0 : i32
    %c0_i32_0 = arith.constant 0 : i32
    %c0_i32_1 = arith.constant 0 : i32
    return %c0_i32, %c0_i32_0 : i32, i32
  }
  func.func @transform_9(%arg0: i32) -> (i32, i32) {
    %c0_i32 = arith.constant 0 : i32
    %c0_i32_0 = arith.constant 0 : i32
    %c0_i32_1 = arith.constant 0 : i32
    return %c0_i32, %c0_i32_0 : i32, i32
  }
  func.func @transform_10(%arg0: i32) -> (i32, i32, i32) {
    %c0_i32 = arith.constant 0 : i32
    %c0_i32_0 = arith.constant 0 : i32
    %c0_i32_1 = arith.constant 0 : i32
    return %arg0, %c0_i32, %c0_i32_0 : i32, i32, i32
  }
}

</mosaic_0001>

<sc_bundles>
// kernel: kernel.10.cloned.1.call-start
scs
__scs_entry_jumppad:
0x0: {  	(pc) =	sbr.rel $0x88, $3  }
0x1: {  	(tag) =	ssettag $0x0;
	lr =	simm.s32 $0x1  }
0x2: {  	[smem:$0x3F93] =	sst lr;
	_ =	strace $0xD0000000  }
0x3: {  	_ = 	snop  }
0x4: {  	_ = 	snop  }
0x5: {  	_ = 	snop  }
0x6: {  	_ = 	snop  }
0x7: {  	_ = 	snop  }
__scs_overlays_trampoline_lowered:
0x8: {  	[smem:$0x3FA2] =	sst s0  }
0x9: {  	[smem:$0x3FA3] =	sst s1  }
0xa: {  	[smem:$0x3FA4] =	sst s2  }
0xb: {  	[smem:$0x3FA5] =	sst s3  }
0xc: {  	[smem:$0x3FA6] =	sst s4  }
0xd: {  	[smem:$0x3FA7] =	sst s5  }
0xe: {  	[smem:$0x3FA8] =	sst s6  }
0xf: {  	[smem:$0x3FA9] =	sst s7  }
0x10: {  	[smem:$0x3FAA] =	sst s8  }
0x11: {  	[smem:$0x3FAB] =	sst s9;
	s0 =	simm.s32 @!p0 $0x0  }
0x12: {  	s1 =	sld [smem:$0x3F91];
	s0 =	simm.s32 @p0 $0x1  }
0x13: {  	[smem:$0x3FAC] =	sst s0;
	s0 =	simm.s32 @!p1 $0x0  }
0x14: {  	s2 =	sld [smem:$0x3F90];
	s0 =	simm.s32 @p1 $0x1  }
0x15: {  	[smem:$0x3FAD] =	sst s0;
	s0 =	simm.s32 @!p2 $0x0  }
0x16: {  	s3 =	sld [smem:$0x3FDB];
	s0 =	simm.s32 @p2 $0x1  }
0x17: {  	s4 =	simm.s32 $0x1BF5;
	[smem:$0x3FAF] =	sst s0  }
0x18: {  	s0 =	sld [smem:$0x3F92];
	_ =	swait.ge [sflag:s4], $0x0  }
0x19: {  	s7 =	sld [smem:$0x3F93]  }
0x1a: {  	s8 =	sadd.s32 $0xFFFFE003, lr  }
0x1b: {  	s9 =	sadd.s32 $0xFFFFFEF7, lr;
	s5 =	simm.s32 $0xFFFFFFFF;
	p2 =	slt.u32 s8, $0xFFFFF086  }
0x1c: {  	p1 =	slt.u32 s9, $0xF7A;
	s5 =	simm.s32 @!p2 $0x0  }
0x1d: {  	s5 =	simm.s32 @p1 $0x1;
	p0 =	seq.s32 s7, s2  }
0x1e: {  	s7 =	smul.u32 @!p0 $0xF7A, s2;
	p2 =	seq.s32 @!p0 s5, $0x0  }
0x1f: {  	s9 =	smul.u32 $0xF7A, s1;
	s8 =	simm.s32 @!p0 $0x1BF5;
	p2 =	por !p2, p0  }
0x20: {  	[sflag:s8] =	ssyncset.s32 @!p0 $0xFFFFF086;
	s6 =	sadd.s32 @!p0 s3, s7;
	s7 =	simm.s32 @!p0 $0x108  }
0x21: {  	s3 =	sadd.s32 s3, s9;
	s6 =	sadd.s32 @!p0 $0x88, s6;
	s7 =	simm.s32 @p2 $0x1082  }
0x22: {  	[simem:s7], [sflag:s8] =	dma.local @!p0 [hbm:s6], $0xF7A  }
0x23: {  	s9 =	sor.u32 $0xD0000000, s2;
	s6 =	simm.s32 $0x108;
	_ =	swait.ge @!p0 [sflag:s8], $0x0  }
0x24: {  	s3 =	sadd.s32 $0x88, s3;
	s6 =	simm.s32 @!p1 $0x1082;
	[sflag:s4] =	ssyncset.s32 $0xFFFFF086  }
0x25: {  	[simem:s6], [sflag:s4] =	dma.local [hbm:s3], $0xF7A  }
0x26: {  	[smem:$0x3F93] =	sst s1;
	(tag) =	ssettag s2;
	_ =	strace s9  }
0x27: {  	s1 =	sld [smem:$0x3FA3]  }
0x28: {  	s2 =	sld [smem:$0x3FA4]  }
0x29: {  	s4 =	sld [smem:$0x3FA6]  }
0x2a: {  	p0 =	seq.s32 s5, $0x0;
	s5 =	sld [smem:$0x3FA7]  }
0x2b: {  	s6 =	sld [smem:$0x3FA8]  }
0x2c: {  	s7 =	sld [smem:$0x3FA9]  }
0x2d: {  	s3 =	simm.s32 $0x108;
	s8 =	sld [smem:$0x3FAA]  }
0x2e: {  	s3 =	simm.s32 @!p0 $0x1082;
	s9 =	sld [smem:$0x3FAB]  }
0x2f: {  	lr =	sadd.s32 s0, s3;
	s0 =	sld [smem:$0x3FA2]  }
0x30: {  	s3 =	sld [smem:$0x3FA5]  }
0x31: {  	[smem:$0x3FAE] =	sst s10  }
0x32: {  	s10 =	sld [smem:$0x3FAC];
	_ =	sdelay $0x3  }
0x33: {  	p0 =	seq.s32 s10, $0x1;
	s10 =	sld [smem:$0x3FAE];
	_ =	sdelay $0x3  }
0x34: {  	[smem:$0x3FAE] =	sst s10  }
0x35: {  	s10 =	sld [smem:$0x3FAD];
	_ =	sdelay $0x3  }
0x36: {  	p1 =	seq.s32 s10, $0x1;
	s10 =	sld [smem:$0x3FAE];
	_ =	sdelay $0x3  }
0x37: {  	[smem:$0x3FAE] =	sst s10  }
0x38: {  	s10 =	sld [smem:$0x3FAF]  }
0x39: {  	_ = 	snop;
	(pc) =	sbr.ind lr, $3  }
0x3a: {  	_ = 	snop  }
0x3b: {  	_ = 	snop  }
0x3c: {  	p2 =	seq.s32 s10, $0x1;
	s10 =	sld [smem:$0x3FAE]  }
0x3d: {  	_ =	shalt  }
0x3e: {  	_ =	shalt  }
0x3f: {  	_ =	shalt  }
0x40: {  	_ =	shalt  }
0x41: {  	_ =	shalt  }
0x42: {  	_ =	shalt  }
0x43: {  	_ =	shalt  }
0x44: {  	_ =	shalt  }
0x45: {  	_ =	shalt  }
0x46: {  	_ =	shalt  }
0x47: {  	_ =	shalt  }
0x48: {  	_ =	shalt  }
0x49: {  	_ =	shalt  }
0x4a: {  	_ =	shalt  }
0x4b: {  	_ =	shalt  }
0x4c: {  	_ =	shalt  }
0x4d: {  	_ =	shalt  }
0x4e: {  	_ =	shalt  }
0x4f: {  	_ =	shalt  }
0x50: {  	_ =	shalt  }
0x51: {  	_ =	shalt  }
0x52: {  	_ =	shalt  }
0x53: {  	_ =	shalt  }
0x54: {  	_ =	shalt  }
0x55: {  	_ =	shalt  }
0x56: {  	_ =	shalt  }
0x57: {  	_ =	shalt  }
0x58: {  	_ =	shalt  }
0x59: {  	_ =	shalt  }
0x5a: {  	_ =	shalt  }
0x5b: {  	_ =	shalt  }
0x5c: {  	_ =	shalt  }
0x5d: {  	_ =	shalt  }
0x5e: {  	_ =	shalt  }
0x5f: {  	_ =	shalt  }
0x60: {  	_ =	shalt  }
0x61: {  	_ =	shalt  }
0x62: {  	_ =	shalt  }
0x63: {  	_ =	shalt  }
0x64: {  	_ =	shalt  }
0x65: {  	_ =	shalt  }
0x66: {  	_ =	shalt  }
0x67: {  	_ =	shalt  }
0x68: {  	_ =	shalt  }
0x69: {  	_ =	shalt  }
0x6a: {  	_ =	shalt  }
0x6b: {  	_ =	shalt  }
0x6c: {  	_ =	shalt  }
0x6d: {  	_ =	shalt  }
0x6e: {  	_ =	shalt  }
0x6f: {  	_ =	shalt  }
0x70: {  	_ =	shalt  }
0x71: {  	_ =	shalt  }
0x72: {  	_ =	shalt  }
0x73: {  	_ =	shalt  }
0x74: {  	_ =	shalt  }
0x75: {  	_ =	shalt  }
0x76: {  	_ =	shalt  }
0x77: {  	_ =	shalt  }
0x78: {  	_ =	shalt  }
0x79: {  	_ =	shalt  }
0x7a: {  	_ =	shalt  }
0x7b: {  	_ =	shalt  }
0x7c: {  	_ =	shalt  }
0x7d: {  	_ =	shalt  }
0x7e: {  	_ =	shalt  }
0x7f: {  	_ =	shalt  }
0x80: {  	_ =	shalt  }
0x81: {  	_ =	shalt  }
0x82: {  	_ =	shalt  }
0x83: {  	_ =	shalt  }
0x84: {  	_ =	shalt  }
0x85: {  	_ =	shalt  }
0x86: {  	_ =	shalt  }
0x87: {  	_ =	shalt  }
.Lfunc_end0:
.L_simem_size_0:
called_computation_lowered:
.L_overlay_start_0:
0x88: {  	s2 =	sld [smem:$0x3FD9]  }
0x89: {  	s3 =	sld [smem:$0x3FFE];
	_ =	sdelay $0x1  }
0x8a: {  	s1 =	srdreg.scid  }
0x8b: {  	s0 =	sand.u32 $0x1, s1  }
0x8c: {  	s16 =	sshll.u32 s0, $0xA;
	s2 =	sadd.s32 s3, s2  }
0x8d: {  	s2 =	sadd.s32 s2, s16  }
0x8e: {  	[smem:$0x3FBA] =	sst s2  }
0x8f: {  	_ = 	snop  }
0x90: {  	(tm) =	ssettm $0x1  }
0x91: {  	s17 =	sld [smem:$0x3FFB];
	_ =	sdelay $0x3  }
0x92: {  	_ =	strace s17  }
0x93: {  	s2 =	sld [smem:$0x3FFC];
	_ =	sdelay $0x3  }
0x94: {  	_ =	strace s2  }
0x95: {  	s2 =	sld [smem:$0x3FFD];
	_ =	sdelay $0x3  }
0x96: {  	_ =	strace s2  }
0x97: {  	_ =	strace $0x8FFFFFFF  }
0x98: {  	s18 =	sld [smem:$0x3FDB];
	_ =	sdelay $0x1  }
0x99: {  	s19 =	simm.s32 $_scs_section_size  }
0x9a: {  	s4 =	simm.s32 $_size__tile_overlayer_lowered;
	s5 =	simm.s32 $_tile_overlayer_lowered  }
0x9b: {  	s22 =	simm.s32 $0x1BFF;
	s21 =	sshll.u32 s5, $0x1;
	s2 =	sadd.s32 s19, s18  }
0x9c: {  	s6 =	simm.s32 $0x0;
	s20 =	sshll.u32 s4, $0x1;
	s4 =	sadd.s32 s21, s2  }
0x9d: {  	[timem:s6], [sflag:s22] =	dma.local [hbm:s4], s20  }
0x9e: {  	_ =	swait.ge [sflag:s22], s20  }
0x9f: {  	s3 =	ssub.s32 $0x0, s20;
	[sflag:s22] =	ssyncset.done $0x0  }
0xa0: {  	[sflag:s22] =	ssyncadd.s32 s3;
	_ =	sdelay $0x1  }
0xa1: {  	s23 =	simm.s32 $0x1B8B  }
0xa2: {  	_ =	swait.ge [sflag:s23], $0x1  }
0xa3: {  	[sflag:s23] =	ssyncset.done $0x0  }
0xa4: {  	s25 =	simm.s32 $0x1B8E;
	s24 =	sld [smem:$0x3FFE];
	[sflag:s23] =	ssyncadd.s32 $0xFFFFFFFF  }
0xa5: {  	s26 =	simm.s32 $execute0_lowered;
	[smem:$0x3FD2] =	sst s25  }
0xa6: {  	s4 =	sshll.u32 s26, $0x1;
	_ =	strace $0x80000046;
	[dreg:$0x1] =	wrdreg $0xFFFFFFFF  }
0xa7: {  	s28 =	simm.s32 $_size_execute0_lowered;
	s2 =	sadd.s32 s2, s4;
	[dreg:$0x0] =	wrdreg $0x0  }
0xa8: {  	s4 =	sshll.u32 s28, $0x1;
	[dreg:$0x2] =	wrdreg s2  }
0xa9: {  	[dreg:$0x3] =	wrdreg s4  }
0xaa: {  	[dreg:$0x4] =	wrdreg $0xC0  }
0xab: {  	_ =	task [dreg:s6], $0x5FFFF  }
0xac: {  	[dreg:$0x1] =	wrdreg $0xFFFFFFFF  }
0xad: {  	[dreg:$0x0] =	wrdreg $0x60  }
0xae: {  	[dreg:$0x2] =	wrdreg s24  }
0xaf: {  	[dreg:$0x3] =	wrdreg $0xA0000  }
0xb0: {  	[dreg:$0x4] =	wrdreg $0x9  }
0xb1: {  	_ =	task.clear_ibuf [dreg:s6], $0x5FFFF;
	_ =	strace $0x90000046  }
0xb2: {  	s29 =	simm.s32 $0x9;
	_ =	strace $0x80000048  }
0xb3: {  	_ =	swait.ge [sflag:s29], $0x1  }
0xb4: {  	[sflag:s29] =	ssyncadd.s32 $0xFFFFFFFF  }
0xb5: {  	_ =	strace $0x90000048  }
0xb6: {  	_ =	sfence  }
0xb7: {  	s30 =	sld [smem:$0x0];
	_ =	sdelay $0x2  }
0xb8: {  	s31 =	sshll.u32 s1, $0xD;
	s1 =	sshrl.u32 s1, $0x2  }
0xb9: {  	s3 =	sand.u32 $0x4000, s31;
	s1 =	sadd.s32 s1, s30  }
0xba: {  	s0 =	sor.u32 s3, s0;
	s1 =	sshll.u32 s1, $0x11  }
0xbb: {  	s0 =	sor.u32 s1, s0  }
0xbc: {  	s0 =	sadd.s32 $0x8F2B, s0  }
0xbd: {  	[sflag:s0] =	ssyncadd.remote.s32 $0x1  }
0xbe: {  	_ =	sfence.sel $0xFFFF  }
0xbf: {  	[dreg:$0x0] =	wrdreg $0xFFFFFFFF;
	(pc) =	sbr.abs _section_cstart, $3  }
0xc0: {  	[dreg:$0x1] =	wrdreg $0xFFFFFFFF  }
0xc1: {  	_ =	task.clear_ibuf [dreg:s6], $0x2FFFF;
	_ =	strace $0x9FFFFFFF  }
0xc2: {  	(tm) =	ssettm $0x7FFFFFFF  }
0xc3: {  	_ =	shalt  }
tec
execute0_lowered:
.L_overlay_start_1:
0x0: {  	(tag) =	ssettag $0x1  }
0x1: {  	s7 =	rddreg [dreg:$0x0]  }
0x2: {  	s2 =	rddreg [dreg:$0x1]  }
0x3: {  	s0 =	rddreg [dreg:$0x2]  }
0x4: {  	s3 =	simm.s32 $0x0;
	s1 =	stileid.u32;
	s4 =	srdreg.scid  }
0x5: {  	s15 =	simm.s32 $0x80;
	s16 =	simm.s32 $0x2000;
	s17 =	simm.s32 $0x6000  }
0x6: {  	s18 =	simm.s32 $0x1;
	s19 =	simm.s32 $0x2;
	s20 =	simm.s32 $0x3  }
0x7: {  	s21 =	simm.s32 $0x4;
	s22 =	simm.s32 $0x1F00;
	s23 =	simm.s32 $0x1F80  }
0x8: {  	[smem:$0x7FF] =	sst s3;
	s8 =	smul.u32 $0x13C00, s1;
	s9 =	sand.u32 $0x1, s4  }
0x9: {  	s4 =	sadd.s32 $0x4E8200, s7;
	s5 =	sadd.s32 $0x6200, s7;
	s6 =	sadd.s32 $0x2E200, s7  }
0xa: {  	s12 =	smul.u32 $0x4F000, s1;
	s31 =	sshll.u32 s1, $0x6;
	_ =	strace $0x80000047  }
0xb: {  	s10 =	smul.u32 $0x13C000, s9;
	s29 =	ssub.s32 $0x2, s9;
	s9 =	sshll.u32 s9, $0x4  }
0xc: {  	s11 =	sshrl.u32 s8, $0x3;
	s13 =	sshrl.u32 s29, $0x1;
	s30 =	sshrl.u32 s12, $0x2  }
0xd: {  	s9 =	sor.u32 s1, s9;
	s8 =	sadd.s32 s8, s10;
	s11 =	sadd.s32 s11, s7  }
0xe: {  	s13 =	ssub.s32 s29, s13;
	s12 =	sadd.s32 s30, s2;
	s8 =	sshrl.u32 s8, $0x3  }
0xf: {  	s9 =	smul.u32 $0x5000, s9;
	s12 =	sshrl.u32 s12, $0x3;
	s14 =	sadd.s32 s8, s7  }
0x10: {  	s7 =	sadd.s32 $0x42200, s11;
	s8 =	sor.u32 $0x1C05, s31;
	s11 =	smax.u32 s13, $0x1  }
0x11: {  	s13 =	simm.s32 $0x5;
	s10 =	sadd.s32 $0x69A00, s14;
	s14 =	simm.s32 $0x1000  }
.LBB2_1:
0x12: {  	[spmem:s12], [sflag:s8] =	dma.local [hbm:s7], $0x2780  }
0x13: {  	_ =	swait.ge [sflag:s13], $0x2780  }
0x14: {  	[sflag:s13] =	ssyncset.done $0x0  }
0x15: {  	[sflag:s13] =	ssyncadd.s32 $0xFFFFD880  }
0x16: {  	s24 =	simm.s32 $0x0;
	[bflag:$0x0] =	sbarrier.arrive $0xFFFF  }
.LBB2_2:
0x17: {  	s25 =	sshll.u32 s24, $0xC  }
0x18: {  	s25 =	sadd.s32 s9, s25  }
0x19: {  	s25 =	sshrl.u32 s25, $0x3  }
0x1a: {  	s28 =	simm.s32 $0x0;
	s26 =	sadd.s32 s5, s25  }
0x1b: {  	[tilespmem:s28], [sflag:$0x5] =	stream.linear.gather [hbm4b:s26+s28], $0x1000, $0x38;
	[tilespmem:$0x1DC00] =	vst v63  }
0x1c: {  	_ =	swait.ge [sflag:s13], $0x1000  }
0x1d: {  	[sflag:s13] =	ssyncset.done $0x0  }
0x1e: {  	s25 =	sadd.s32 s6, s25;
	[sflag:s13] =	ssyncadd.s32 $0xFFFFF000  }
0x1f: {  	[tilespmem:s14], [sflag:$0x5] =	stream.linear.gather [hbm4b:s25+s28], $0x1000, $0x38;
	[tilespmem:$0x1DC00] =	vst v63  }
0x20: {  	_ =	swait.ge [sflag:s13], $0x1000  }
0x21: {  	[sflag:s13] =	ssyncset.done $0x0  }
0x22: {  	[sflag:s13] =	ssyncadd.s32 $0xFFFFF000  }
0x23: {  	[tilespmem:s16], [sflag:$0x1] =	stream.indirect.gather [hbm4b:s4+s15], $0x80, s28, s15, $0xb8;
	[tilespmem:$0x1DC00] =	vst v63  }
0x24: {  	_ = 	snop  }
0x25: {  	[tilespmem:s17], [sflag:$0x2] =	stream.indirect.gather [hbm4b:s4+s15], $0x80, s15, s15, $0xb8;
	[tilespmem:$0x1DC00] =	vst v63  }
0x26: {  	_ =	swait.ge [sflag:s18], $0x4000  }
0x27: {  	[sflag:s18] =	ssyncset.done $0x0  }
0x28: {  	s29 =	simm.s32 $0x1000;
	[sflag:s18] =	ssyncadd.s32 $0xFFFFC000  }
0x29: {  	[spmem:s2] =	stream.indirect.scatter.add.f32 [tilespmem:s16], [sflag:$0x3], $0x80, s29, s15, $0xb8;
	[tilespmem:$0x1DC00] =	vst v63  }
0x2a: {  	_ =	swait.ge [sflag:s19], $0x4000  }
0x2b: {  	[sflag:s19] =	ssyncset.done $0x0  }
0x2c: {  	s30 =	simm.s32 $0x1080;
	[sflag:s19] =	ssyncadd.s32 $0xFFFFC000  }
0x2d: {  	[spmem:s2] =	stream.indirect.scatter.add.f32 [tilespmem:s17], [sflag:$0x4], $0x80, s30, s15, $0xb8;
	[tilespmem:$0x1DC00] =	vst v63  }
0x2e: {  	_ =	swait.ge [sflag:s20], $0x4000  }
0x2f: {  	[sflag:s20] =	ssyncset.done $0x0  }
0x30: {  	s31 =	simm.s32 $0x100;
	[sflag:s20] =	ssyncadd.s32 $0xFFFFC000  }
0x31: {  	[tilespmem:s16], [sflag:$0x1] =	stream.indirect.gather [hbm4b:s4+s15], $0x80, s31, s15, $0xb8;
	[tilespmem:$0x1DC00] =	vst v63  }
0x32: {  	_ =	swait.ge [sflag:s21], $0x4000  }
0x33: {  	[sflag:s21] =	ssyncset.done $0x0  }
0x34: {  	s26 =	simm.s32 $0x180;
	s25 =	simm.s32 $0x400;
	[sflag:s21] =	ssyncadd.s32 $0xFFFFC000  }
.LBB2_3:
0x35: {  	[tilespmem:s17], [sflag:$0x2] =	stream.indirect.gather [hbm4b:s4+s15], $0x80, s26, s15, $0xb8;
	[tilespmem:$0x1DC00] =	vst v63  }
0x36: {  	s26 =	smov.u32 s25  }
0x37: {  	p0 =	sne.s32 s25, $0x3800;
	s25 =	sadd.s32 $0x400, s25;
	_ =	swait.ge [sflag:s18], $0x4000  }
0x38: {  	s26 =	sshra.s32 s26, $0x2;
	[sflag:s18] =	ssyncset.done $0x0  }
0x39: {  	s28 =	sadd.s32 $0x1000, s26;
	[sflag:s18] =	ssyncadd.s32 $0xFFFFC000  }
0x3a: {  	[spmem:s2] =	stream.indirect.scatter.add.f32 [tilespmem:s16], [sflag:$0x3], $0x80, s28, s15, $0xb8;
	[tilespmem:$0x1DC00] =	vst v63  }
0x3b: {  	_ =	swait.ge [sflag:s19], $0x4000  }
0x3c: {  	[sflag:s19] =	ssyncset.done $0x0  }
0x3d: {  	s28 =	sadd.s32 $0x1080, s26;
	[sflag:s19] =	ssyncadd.s32 $0xFFFFC000  }
0x3e: {  	[spmem:s2] =	stream.indirect.scatter.add.f32 [tilespmem:s17], [sflag:$0x4], $0x80, s28, s15, $0xb8;
	[tilespmem:$0x1DC00] =	vst v63  }
0x3f: {  	_ =	swait.ge [sflag:s20], $0x4000  }
0x40: {  	[sflag:s20] =	ssyncset.done $0x0  }
.Ltmp0:
0x41: {  	s28 =	sadd.s32 $0x100, s26;
	[sflag:s20] =	ssyncadd.s32 $0xFFFFC000;
	(pc) =	sbr.rel @p0 .LBB2_3-.Ltmp0, $4  }
0x42: {  	[tilespmem:s16], [sflag:$0x1] =	stream.indirect.gather [hbm4b:s4+s15], $0x80, s28, s15, $0xb8;
	[tilespmem:$0x1DC00] =	vst v63  }
0x43: {  	_ =	swait.ge [sflag:s21], $0x4000  }
0x44: {  	[sflag:s21] =	ssyncset.done $0x0  }
0x45: {  	s26 =	sadd.s32 $0x180, s26;
	[sflag:s21] =	ssyncadd.s32 $0xFFFFC000  }
0x46: {  	[tilespmem:s17], [sflag:$0x2] =	stream.indirect.gather [hbm4b:s4+s15], $0x80, s26, s15, $0xb8;
	[tilespmem:$0x1DC00] =	vst v63  }
0x47: {  	_ =	swait.ge [sflag:s18], $0x4000  }
0x48: {  	[sflag:s18] =	ssyncset.done $0x0  }
0x49: {  	[sflag:s18] =	ssyncadd.s32 $0xFFFFC000  }
0x4a: {  	[spmem:s2] =	stream.indirect.scatter.add.f32 [tilespmem:s16], [sflag:$0x3], $0x80, s22, s15, $0xb8;
	[tilespmem:$0x1DC00] =	vst v63  }
0x4b: {  	_ =	swait.ge [sflag:s19], $0x4000  }
0x4c: {  	[sflag:s19] =	ssyncset.done $0x0  }
0x4d: {  	s24 =	sadd.s32 $0x1, s24;
	[sflag:s19] =	ssyncadd.s32 $0xFFFFC000  }
0x4e: {  	[spmem:s2] =	stream.indirect.scatter.add.f32 [tilespmem:s17], [sflag:$0x4], $0x80, s23, s15, $0xb8;
	[tilespmem:$0x1DC00] =	vst v63  }
0x4f: {  	p0 =	sne.s32 s24, $0x5;
	_ =	swait.ge [sflag:s20], $0x4000  }
.Ltmp1:
0x50: {  	[sflag:s20] =	ssyncset.done $0x0;
	(pc) =	sbr.rel @p0 .LBB2_2-.Ltmp1, $4  }
0x51: {  	[sflag:s20] =	ssyncadd.s32 $0xFFFFC000  }
0x52: {  	_ =	swait.ge [sflag:s21], $0x4000  }
0x53: {  	[sflag:s21] =	ssyncset.done $0x0  }
0x54: {  	[sflag:s21] =	ssyncadd.s32 $0xFFFFC000  }
0x55: {  	s3 =	sadd.s32 $0x1, s3  }
0x56: {  	p0 =	sne.s32 s3, s11  }
.Ltmp2:
0x57: {  	[bflag:$0x0] =	sbarrier.arrive $0xFFFF;
	(pc) =	sbr.rel @p0 .LBB2_1-.Ltmp2, $4  }
0x58: {  	[hbm:s10], [sflag:s8] =	dma.local [spmem:s12], $0x2780  }
0x59: {  	_ =	swait.ge [sflag:s13], $0x2780  }
0x5a: {  	[sflag:s13] =	ssyncset.done $0x0  }
0x5b: {  	[sflag:s13] =	ssyncadd.s32 $0xFFFFD880  }
0x5c: {  	_ =	sfence.sel $0x180000  }
0x5d: {  	[bflag:$0x0] =	sbarrier.arrive $0xFFFF  }
0x5e: {  	p0 =	sne.s32 s1, $0x0;
	_ =	strace $0x90000047  }
0x5f: {  	s0 =	sadd.s32 @!p0 $0x100000, s0;
	[bflag:$0x2] =	sbarrier.arrive $0xFFFF  }
0x60: {  	[sflag:s0] =	ssyncadd.tile.s32 @!p0 $0x1;
	_ =	shalt  }
.Lfunc_end2:
_tile_overlayer_lowered:
.L_overlay_start_2:
0x61: {  	(tag) =	ssettag $0x2  }
0x62: {  	s0 =	rddreg [dreg:$0x0];
	s2 =	stileid.u32  }
0x63: {  	s1 =	rddreg [dreg:$0x1];
	p0 =	sne.s32 s2, $0x0  }
0x64: {  	s3 =	rddreg [dreg:$0x2];
	[bflag:$0x3] =	sbarrier.arrive $0xFFFF;
	s2 =	simm.s32 @!p0 $0x1C05  }
0x65: {  	[timem:s3], [sflag:s2] =	dma.local @!p0 [hbm:s0], s1  }
0x66: {  	s0 =	simm.s32 @!p0 $0x5  }
0x67: {  	_ =	swait.ge @!p0 [sflag:s0], s1  }
0x68: {  	s1 =	ssub.s32 @!p0 $0x0, s1;
	[sflag:s0] =	ssyncset.done @!p0 $0x0  }
0x69: {  	[sflag:s0] =	ssyncadd.s32 @!p0 s1  }
0x6a: {  	[bflag:$0x3] =	sbarrier.arrive $0xFFFF  }
0x6b: {  	_ =	shalt  }

// kernel: kernel.13.cloned.1.call-start
scs
__scs_entry_jumppad:
0x0: {  	(pc) =	sbr.rel $0x88, $3  }
0x1: {  	(tag) =	ssettag $0x0;
	lr =	simm.s32 $0x1  }
0x2: {  	[smem:$0x3F93] =	sst lr;
	_ =	strace $0xD0000000  }
0x3: {  	_ = 	snop  }
0x4: {  	_ = 	snop  }
0x5: {  	_ = 	snop  }
0x6: {  	_ = 	snop  }
0x7: {  	_ = 	snop  }
__scs_overlays_trampoline_lowered:
0x8: {  	[smem:$0x3FA2] =	sst s0  }
0x9: {  	[smem:$0x3FA3] =	sst s1  }
0xa: {  	[smem:$0x3FA4] =	sst s2  }
0xb: {  	[smem:$0x3FA5] =	sst s3  }
0xc: {  	[smem:$0x3FA6] =	sst s4  }
0xd: {  	[smem:$0x3FA7] =	sst s5  }
0xe: {  	[smem:$0x3FA8] =	sst s6  }
0xf: {  	[smem:$0x3FA9] =	sst s7  }
0x10: {  	[smem:$0x3FAA] =	sst s8  }
0x11: {  	[smem:$0x3FAB] =	sst s9;
	s0 =	simm.s32 @!p0 $0x0  }
0x12: {  	s1 =	sld [smem:$0x3F91];
	s0 =	simm.s32 @p0 $0x1  }
0x13: {  	[smem:$0x3FAC] =	sst s0;
	s0 =	simm.s32 @!p1 $0x0  }
0x14: {  	s2 =	sld [smem:$0x3F90];
	s0 =	simm.s32 @p1 $0x1  }
0x15: {  	[smem:$0x3FAD] =	sst s0;
	s0 =	simm.s32 @!p2 $0x0  }
0x16: {  	s3 =	sld [smem:$0x3FDB];
	s0 =	simm.s32 @p2 $0x1  }
0x17: {  	s4 =	simm.s32 $0x1BF5;
	[smem:$0x3FAF] =	sst s0  }
0x18: {  	s0 =	sld [smem:$0x3F92];
	_ =	swait.ge [sflag:s4], $0x0  }
0x19: {  	s7 =	sld [smem:$0x3F93]  }
0x1a: {  	s8 =	sadd.s32 $0xFFFFE003, lr  }
0x1b: {  	s9 =	sadd.s32 $0xFFFFFEF7, lr;
	s5 =	simm.s32 $0xFFFFFFFF;
	p2 =	slt.u32 s8, $0xFFFFF086  }
0x1c: {  	p1 =	slt.u32 s9, $0xF7A;
	s5 =	simm.s32 @!p2 $0x0  }
0x1d: {  	s5 =	simm.s32 @p1 $0x1;
	p0 =	seq.s32 s7, s2  }
0x1e: {  	s7 =	smul.u32 @!p0 $0xF7A, s2;
	p2 =	seq.s32 @!p0 s5, $0x0  }
0x1f: {  	s9 =	smul.u32 $0xF7A, s1;
	s8 =	simm.s32 @!p0 $0x1BF5;
	p2 =	por !p2, p0  }
0x20: {  	[sflag:s8] =	ssyncset.s32 @!p0 $0xFFFFF086;
	s6 =	sadd.s32 @!p0 s3, s7;
	s7 =	simm.s32 @!p0 $0x108  }
0x21: {  	s3 =	sadd.s32 s3, s9;
	s6 =	sadd.s32 @!p0 $0x88, s6;
	s7 =	simm.s32 @p2 $0x1082  }
0x22: {  	[simem:s7], [sflag:s8] =	dma.local @!p0 [hbm:s6], $0xF7A  }
0x23: {  	s9 =	sor.u32 $0xD0000000, s2;
	s6 =	simm.s32 $0x108;
	_ =	swait.ge @!p0 [sflag:s8], $0x0  }
0x24: {  	s3 =	sadd.s32 $0x88, s3;
	s6 =	simm.s32 @!p1 $0x1082;
	[sflag:s4] =	ssyncset.s32 $0xFFFFF086  }
0x25: {  	[simem:s6], [sflag:s4] =	dma.local [hbm:s3], $0xF7A  }
0x26: {  	[smem:$0x3F93] =	sst s1;
	(tag) =	ssettag s2;
	_ =	strace s9  }
0x27: {  	s1 =	sld [smem:$0x3FA3]  }
0x28: {  	s2 =	sld [smem:$0x3FA4]  }
0x29: {  	s4 =	sld [smem:$0x3FA6]  }
0x2a: {  	p0 =	seq.s32 s5, $0x0;
	s5 =	sld [smem:$0x3FA7]  }
0x2b: {  	s6 =	sld [smem:$0x3FA8]  }
0x2c: {  	s7 =	sld [smem:$0x3FA9]  }
0x2d: {  	s3 =	simm.s32 $0x108;
	s8 =	sld [smem:$0x3FAA]  }
0x2e: {  	s3 =	simm.s32 @!p0 $0x1082;
	s9 =	sld [smem:$0x3FAB]  }
0x2f: {  	lr =	sadd.s32 s0, s3;
	s0 =	sld [smem:$0x3FA2]  }
0x30: {  	s3 =	sld [smem:$0x3FA5]  }
0x31: {  	[smem:$0x3FAE] =	sst s10  }
0x32: {  	s10 =	sld [smem:$0x3FAC];
	_ =	sdelay $0x3  }
0x33: {  	p0 =	seq.s32 s10, $0x1;
	s10 =	sld [smem:$0x3FAE];
	_ =	sdelay $0x3  }
0x34: {  	[smem:$0x3FAE] =	sst s10  }
0x35: {  	s10 =	sld [smem:$0x3FAD];
	_ =	sdelay $0x3  }
0x36: {  	p1 =	seq.s32 s10, $0x1;
	s10 =	sld [smem:$0x3FAE];
	_ =	sdelay $0x3  }
0x37: {  	[smem:$0x3FAE] =	sst s10  }
0x38: {  	s10 =	sld [smem:$0x3FAF]  }
0x39: {  	_ = 	snop;
	(pc) =	sbr.ind lr, $3  }
0x3a: {  	_ = 	snop  }
0x3b: {  	_ = 	snop  }
0x3c: {  	p2 =	seq.s32 s10, $0x1;
	s10 =	sld [smem:$0x3FAE]  }
0x3d: {  	_ =	shalt  }
0x3e: {  	_ =	shalt  }
0x3f: {  	_ =	shalt  }
0x40: {  	_ =	shalt  }
0x41: {  	_ =	shalt  }
0x42: {  	_ =	shalt  }
0x43: {  	_ =	shalt  }
0x44: {  	_ =	shalt  }
0x45: {  	_ =	shalt  }
0x46: {  	_ =	shalt  }
0x47: {  	_ =	shalt  }
0x48: {  	_ =	shalt  }
0x49: {  	_ =	shalt  }
0x4a: {  	_ =	shalt  }
0x4b: {  	_ =	shalt  }
0x4c: {  	_ =	shalt  }
0x4d: {  	_ =	shalt  }
0x4e: {  	_ =	shalt  }
0x4f: {  	_ =	shalt  }
0x50: {  	_ =	shalt  }
0x51: {  	_ =	shalt  }
0x52: {  	_ =	shalt  }
0x53: {  	_ =	shalt  }
0x54: {  	_ =	shalt  }
0x55: {  	_ =	shalt  }
0x56: {  	_ =	shalt  }
0x57: {  	_ =	shalt  }
0x58: {  	_ =	shalt  }
0x59: {  	_ =	shalt  }
0x5a: {  	_ =	shalt  }
0x5b: {  	_ =	shalt  }
0x5c: {  	_ =	shalt  }
0x5d: {  	_ =	shalt  }
0x5e: {  	_ =	shalt  }
0x5f: {  	_ =	shalt  }
0x60: {  	_ =	shalt  }
0x61: {  	_ =	shalt  }
0x62: {  	_ =	shalt  }
0x63: {  	_ =	shalt  }
0x64: {  	_ =	shalt  }
0x65: {  	_ =	shalt  }
0x66: {  	_ =	shalt  }
0x67: {  	_ =	shalt  }
0x68: {  	_ =	shalt  }
0x69: {  	_ =	shalt  }
0x6a: {  	_ =	shalt  }
0x6b: {  	_ =	shalt  }
0x6c: {  	_ =	shalt  }
0x6d: {  	_ =	shalt  }
0x6e: {  	_ =	shalt  }
0x6f: {  	_ =	shalt  }
0x70: {  	_ =	shalt  }
0x71: {  	_ =	shalt  }
0x72: {  	_ =	shalt  }
0x73: {  	_ =	shalt  }
0x74: {  	_ =	shalt  }
0x75: {  	_ =	shalt  }
0x76: {  	_ =	shalt  }
0x77: {  	_ =	shalt  }
0x78: {  	_ =	shalt  }
0x79: {  	_ =	shalt  }
0x7a: {  	_ =	shalt  }
0x7b: {  	_ =	shalt  }
0x7c: {  	_ =	shalt  }
0x7d: {  	_ =	shalt  }
0x7e: {  	_ =	shalt  }
0x7f: {  	_ =	shalt  }
0x80: {  	_ =	shalt  }
0x81: {  	_ =	shalt  }
0x82: {  	_ =	shalt  }
0x83: {  	_ =	shalt  }
0x84: {  	_ =	shalt  }
0x85: {  	_ =	shalt  }
0x86: {  	_ =	shalt  }
0x87: {  	_ =	shalt  }
.Lfunc_end0:
.L_simem_size_0:
called_computation.1_lowered:
.L_overlay_start_0:
0x88: {  	s2 =	sld [smem:$0x3FD9]  }
0x89: {  	s3 =	sld [smem:$0x3FFE];
	_ =	sdelay $0x1  }
0x8a: {  	s1 =	srdreg.scid  }
0x8b: {  	s0 =	sand.u32 $0x1, s1  }
0x8c: {  	s16 =	sshll.u32 s0, $0xA;
	s2 =	sadd.s32 s3, s2  }
0x8d: {  	s2 =	sadd.s32 s2, s16  }
0x8e: {  	[smem:$0x3FBA] =	sst s2  }
0x8f: {  	_ = 	snop  }
0x90: {  	(tm) =	ssettm $0x1  }
0x91: {  	s17 =	sld [smem:$0x3FFB];
	_ =	sdelay $0x3  }
0x92: {  	_ =	strace s17  }
0x93: {  	s2 =	sld [smem:$0x3FFC];
	_ =	sdelay $0x3  }
0x94: {  	_ =	strace s2  }
0x95: {  	s2 =	sld [smem:$0x3FFD];
	_ =	sdelay $0x3  }
0x96: {  	_ =	strace s2  }
0x97: {  	_ =	strace $0x8FFFFFFF  }
0x98: {  	s18 =	sld [smem:$0x3FDB];
	_ =	sdelay $0x1  }
0x99: {  	s19 =	simm.s32 $_scs_section_size  }
0x9a: {  	s4 =	simm.s32 $_size__tile_overlayer_lowered;
	s5 =	simm.s32 $_tile_overlayer_lowered  }
0x9b: {  	s22 =	simm.s32 $0x1BFF;
	s21 =	sshll.u32 s5, $0x1;
	s2 =	sadd.s32 s19, s18  }
0x9c: {  	s6 =	simm.s32 $0x0;
	s20 =	sshll.u32 s4, $0x1;
	s4 =	sadd.s32 s21, s2  }
0x9d: {  	[timem:s6], [sflag:s22] =	dma.local [hbm:s4], s20  }
0x9e: {  	_ =	swait.ge [sflag:s22], s20  }
0x9f: {  	s3 =	ssub.s32 $0x0, s20;
	[sflag:s22] =	ssyncset.done $0x0  }
0xa0: {  	[sflag:s22] =	ssyncadd.s32 s3;
	_ =	sdelay $0x1  }
0xa1: {  	s23 =	simm.s32 $0x1B8B  }
0xa2: {  	_ =	swait.ge [sflag:s23], $0x1  }
0xa3: {  	[sflag:s23] =	ssyncset.done $0x0  }
0xa4: {  	s25 =	simm.s32 $0x1B8E;
	s24 =	sld [smem:$0x3FFE];
	[sflag:s23] =	ssyncadd.s32 $0xFFFFFFFF  }
0xa5: {  	s26 =	simm.s32 $execute0_lowered;
	[smem:$0x3FD2] =	sst s25  }
0xa6: {  	s4 =	sshll.u32 s26, $0x1;
	_ =	strace $0x80000049;
	[dreg:$0x1] =	wrdreg $0xFFFFFFFF  }
0xa7: {  	s28 =	simm.s32 $_size_execute0_lowered;
	s2 =	sadd.s32 s2, s4;
	[dreg:$0x0] =	wrdreg $0x0  }
0xa8: {  	s4 =	sshll.u32 s28, $0x1;
	[dreg:$0x2] =	wrdreg s2  }
0xa9: {  	[dreg:$0x3] =	wrdreg s4  }
0xaa: {  	[dreg:$0x4] =	wrdreg $0xC0  }
0xab: {  	_ =	task [dreg:s6], $0x5FFFF  }
0xac: {  	[dreg:$0x1] =	wrdreg $0xFFFFFFFF  }
0xad: {  	[dreg:$0x0] =	wrdreg $0x60  }
0xae: {  	[dreg:$0x2] =	wrdreg s24  }
0xaf: {  	[dreg:$0x3] =	wrdreg $0xA0000  }
0xb0: {  	[dreg:$0x4] =	wrdreg $0x9  }
0xb1: {  	_ =	task.clear_ibuf [dreg:s6], $0x5FFFF;
	_ =	strace $0x90000049  }
0xb2: {  	s29 =	simm.s32 $0x9;
	_ =	strace $0x8000004B  }
0xb3: {  	_ =	swait.ge [sflag:s29], $0x1  }
0xb4: {  	[sflag:s29] =	ssyncadd.s32 $0xFFFFFFFF  }
0xb5: {  	_ =	strace $0x9000004B  }
0xb6: {  	_ =	sfence  }
0xb7: {  	s30 =	sld [smem:$0x0];
	_ =	sdelay $0x2  }
0xb8: {  	s31 =	sshll.u32 s1, $0xD;
	s1 =	sshrl.u32 s1, $0x2  }
0xb9: {  	s3 =	sand.u32 $0x4000, s31;
	s1 =	sadd.s32 s1, s30  }
0xba: {  	s0 =	sor.u32 s3, s0;
	s1 =	sshll.u32 s1, $0x11  }
0xbb: {  	s0 =	sor.u32 s1, s0  }
0xbc: {  	s0 =	sadd.s32 $0x8F2B, s0  }
0xbd: {  	[sflag:s0] =	ssyncadd.remote.s32 $0x1  }
0xbe: {  	_ =	sfence.sel $0xFFFF  }
0xbf: {  	[dreg:$0x0] =	wrdreg $0xFFFFFFFF;
	(pc) =	sbr.abs _section_cstart, $3  }
0xc0: {  	[dreg:$0x1] =	wrdreg $0xFFFFFFFF  }
0xc1: {  	_ =	task.clear_ibuf [dreg:s6], $0x2FFFF;
	_ =	strace $0x9FFFFFFF  }
0xc2: {  	(tm) =	ssettm $0x7FFFFFFF  }
0xc3: {  	_ =	shalt  }
tec
execute0_lowered:
.L_overlay_start_1:
0x0: {  	(tag) =	ssettag $0x1  }
0x1: {  	s7 =	rddreg [dreg:$0x0]  }
0x2: {  	s2 =	rddreg [dreg:$0x1]  }
0x3: {  	s0 =	rddreg [dreg:$0x2]  }
0x4: {  	s3 =	simm.s32 $0x0;
	s1 =	stileid.u32;
	s4 =	srdreg.scid  }
0x5: {  	s15 =	simm.s32 $0x80;
	s16 =	simm.s32 $0x2000;
	s17 =	simm.s32 $0x6000  }
0x6: {  	s18 =	simm.s32 $0x1;
	s19 =	simm.s32 $0x2;
	s20 =	simm.s32 $0x3  }
0x7: {  	s21 =	simm.s32 $0x4;
	s22 =	simm.s32 $0x1F00;
	s23 =	simm.s32 $0x1F80  }
0x8: {  	[smem:$0x7FF] =	sst s3;
	s8 =	smul.u32 $0x13C00, s1;
	s9 =	sand.u32 $0x1, s4  }
0x9: {  	s4 =	sadd.s32 $0x90C00, s7;
	s5 =	sadd.s32 $0x1A200, s7;
	s6 =	sadd.s32 $0x2E200, s7  }
0xa: {  	s12 =	smul.u32 $0x4F000, s1;
	s31 =	sshll.u32 s1, $0x6;
	_ =	strace $0x8000004A  }
0xb: {  	s10 =	smul.u32 $0x13C000, s9;
	s29 =	ssub.s32 $0x2, s9;
	s9 =	sshll.u32 s9, $0x4  }
0xc: {  	s11 =	sshrl.u32 s8, $0x3;
	s13 =	sshrl.u32 s29, $0x1;
	s30 =	sshrl.u32 s12, $0x2  }
0xd: {  	s9 =	sor.u32 s1, s9;
	s8 =	sadd.s32 s8, s10;
	s11 =	sadd.s32 s11, s7  }
0xe: {  	s13 =	ssub.s32 s29, s13;
	s12 =	sadd.s32 s30, s2;
	s8 =	sshrl.u32 s8, $0x3  }
0xf: {  	s9 =	smul.u32 $0x5000, s9;
	s12 =	sshrl.u32 s12, $0x3;
	s14 =	sadd.s32 s8, s7  }
0x10: {  	s7 =	sadd.s32 $0x42200, s11;
	s8 =	sor.u32 $0x1C05, s31;
	s11 =	smax.u32 s13, $0x1  }
0x11: {  	s13 =	simm.s32 $0x5;
	s10 =	sadd.s32 $0x106200, s14;
	s14 =	simm.s32 $0x1000  }
.LBB2_1:
0x12: {  	[spmem:s12], [sflag:s8] =	dma.local [hbm:s7], $0x2780  }
0x13: {  	_ =	swait.ge [sflag:s13], $0x2780  }
0x14: {  	[sflag:s13] =	ssyncset.done $0x0  }
0x15: {  	[sflag:s13] =	ssyncadd.s32 $0xFFFFD880  }
0x16: {  	s24 =	simm.s32 $0x0;
	[bflag:$0x0] =	sbarrier.arrive $0xFFFF  }
.LBB2_2:
0x17: {  	s25 =	sshll.u32 s24, $0xC  }
0x18: {  	s25 =	sadd.s32 s9, s25  }
0x19: {  	s25 =	sshrl.u32 s25, $0x3  }
0x1a: {  	s28 =	simm.s32 $0x0;
	s26 =	sadd.s32 s5, s25  }
0x1b: {  	[tilespmem:s28], [sflag:$0x5] =	stream.linear.gather [hbm4b:s26+s28], $0x1000, $0x38;
	[tilespmem:$0x1DC00] =	vst v63  }
0x1c: {  	_ =	swait.ge [sflag:s13], $0x1000  }
0x1d: {  	[sflag:s13] =	ssyncset.done $0x0  }
0x1e: {  	s25 =	sadd.s32 s6, s25;
	[sflag:s13] =	ssyncadd.s32 $0xFFFFF000  }
0x1f: {  	[tilespmem:s14], [sflag:$0x5] =	stream.linear.gather [hbm4b:s25+s28], $0x1000, $0x38;
	[tilespmem:$0x1DC00] =	vst v63  }
0x20: {  	_ =	swait.ge [sflag:s13], $0x1000  }
0x21: {  	[sflag:s13] =	ssyncset.done $0x0  }
0x22: {  	[sflag:s13] =	ssyncadd.s32 $0xFFFFF000  }
0x23: {  	[tilespmem:s16], [sflag:$0x1] =	stream.indirect.gather [hbm4b:s4+s15], $0x80, s28, s15, $0xb8;
	[tilespmem:$0x1DC00] =	vst v63  }
0x24: {  	_ = 	snop  }
0x25: {  	[tilespmem:s17], [sflag:$0x2] =	stream.indirect.gather [hbm4b:s4+s15], $0x80, s15, s15, $0xb8;
	[tilespmem:$0x1DC00] =	vst v63  }
0x26: {  	_ =	swait.ge [sflag:s18], $0x4000  }
0x27: {  	[sflag:s18] =	ssyncset.done $0x0  }
0x28: {  	s29 =	simm.s32 $0x1000;
	[sflag:s18] =	ssyncadd.s32 $0xFFFFC000  }
0x29: {  	[spmem:s2] =	stream.indirect.scatter.add.f32 [tilespmem:s16], [sflag:$0x3], $0x80, s29, s15, $0xb8;
	[tilespmem:$0x1DC00] =	vst v63  }
0x2a: {  	_ =	swait.ge [sflag:s19], $0x4000  }
0x2b: {  	[sflag:s19] =	ssyncset.done $0x0  }
0x2c: {  	s30 =	simm.s32 $0x1080;
	[sflag:s19] =	ssyncadd.s32 $0xFFFFC000  }
0x2d: {  	[spmem:s2] =	stream.indirect.scatter.add.f32 [tilespmem:s17], [sflag:$0x4], $0x80, s30, s15, $0xb8;
	[tilespmem:$0x1DC00] =	vst v63  }
0x2e: {  	_ =	swait.ge [sflag:s20], $0x4000  }
0x2f: {  	[sflag:s20] =	ssyncset.done $0x0  }
0x30: {  	s31 =	simm.s32 $0x100;
	[sflag:s20] =	ssyncadd.s32 $0xFFFFC000  }
0x31: {  	[tilespmem:s16], [sflag:$0x1] =	stream.indirect.gather [hbm4b:s4+s15], $0x80, s31, s15, $0xb8;
	[tilespmem:$0x1DC00] =	vst v63  }
0x32: {  	_ =	swait.ge [sflag:s21], $0x4000  }
0x33: {  	[sflag:s21] =	ssyncset.done $0x0  }
0x34: {  	s26 =	simm.s32 $0x180;
	s25 =	simm.s32 $0x400;
	[sflag:s21] =	ssyncadd.s32 $0xFFFFC000  }
.LBB2_3:
0x35: {  	[tilespmem:s17], [sflag:$0x2] =	stream.indirect.gather [hbm4b:s4+s15], $0x80, s26, s15, $0xb8;
	[tilespmem:$0x1DC00] =	vst v63  }
0x36: {  	s26 =	smov.u32 s25  }
0x37: {  	p0 =	sne.s32 s25, $0x3800;
	s25 =	sadd.s32 $0x400, s25;
	_ =	swait.ge [sflag:s18], $0x4000  }
0x38: {  	s26 =	sshra.s32 s26, $0x2;
	[sflag:s18] =	ssyncset.done $0x0  }
0x39: {  	s28 =	sadd.s32 $0x1000, s26;
	[sflag:s18] =	ssyncadd.s32 $0xFFFFC000  }
0x3a: {  	[spmem:s2] =	stream.indirect.scatter.add.f32 [tilespmem:s16], [sflag:$0x3], $0x80, s28, s15, $0xb8;
	[tilespmem:$0x1DC00] =	vst v63  }
0x3b: {  	_ =	swait.ge [sflag:s19], $0x4000  }
0x3c: {  	[sflag:s19] =	ssyncset.done $0x0  }
0x3d: {  	s28 =	sadd.s32 $0x1080, s26;
	[sflag:s19] =	ssyncadd.s32 $0xFFFFC000  }
0x3e: {  	[spmem:s2] =	stream.indirect.scatter.add.f32 [tilespmem:s17], [sflag:$0x4], $0x80, s28, s15, $0xb8;
	[tilespmem:$0x1DC00] =	vst v63  }
0x3f: {  	_ =	swait.ge [sflag:s20], $0x4000  }
0x40: {  	[sflag:s20] =	ssyncset.done $0x0  }
.Ltmp0:
0x41: {  	s28 =	sadd.s32 $0x100, s26;
	[sflag:s20] =	ssyncadd.s32 $0xFFFFC000;
	(pc) =	sbr.rel @p0 .LBB2_3-.Ltmp0, $4  }
0x42: {  	[tilespmem:s16], [sflag:$0x1] =	stream.indirect.gather [hbm4b:s4+s15], $0x80, s28, s15, $0xb8;
	[tilespmem:$0x1DC00] =	vst v63  }
0x43: {  	_ =	swait.ge [sflag:s21], $0x4000  }
0x44: {  	[sflag:s21] =	ssyncset.done $0x0  }
0x45: {  	s26 =	sadd.s32 $0x180, s26;
	[sflag:s21] =	ssyncadd.s32 $0xFFFFC000  }
0x46: {  	[tilespmem:s17], [sflag:$0x2] =	stream.indirect.gather [hbm4b:s4+s15], $0x80, s26, s15, $0xb8;
	[tilespmem:$0x1DC00] =	vst v63  }
0x47: {  	_ =	swait.ge [sflag:s18], $0x4000  }
0x48: {  	[sflag:s18] =	ssyncset.done $0x0  }
0x49: {  	[sflag:s18] =	ssyncadd.s32 $0xFFFFC000  }
0x4a: {  	[spmem:s2] =	stream.indirect.scatter.add.f32 [tilespmem:s16], [sflag:$0x3], $0x80, s22, s15, $0xb8;
	[tilespmem:$0x1DC00] =	vst v63  }
0x4b: {  	_ =	swait.ge [sflag:s19], $0x4000  }
0x4c: {  	[sflag:s19] =	ssyncset.done $0x0  }
0x4d: {  	s24 =	sadd.s32 $0x1, s24;
	[sflag:s19] =	ssyncadd.s32 $0xFFFFC000  }
0x4e: {  	[spmem:s2] =	stream.indirect.scatter.add.f32 [tilespmem:s17], [sflag:$0x4], $0x80, s23, s15, $0xb8;
	[tilespmem:$0x1DC00] =	vst v63  }
0x4f: {  	p0 =	sne.s32 s24, $0x5;
	_ =	swait.ge [sflag:s20], $0x4000  }
.Ltmp1:
0x50: {  	[sflag:s20] =	ssyncset.done $0x0;
	(pc) =	sbr.rel @p0 .LBB2_2-.Ltmp1, $4  }
0x51: {  	[sflag:s20] =	ssyncadd.s32 $0xFFFFC000  }
0x52: {  	_ =	swait.ge [sflag:s21], $0x4000  }
0x53: {  	[sflag:s21] =	ssyncset.done $0x0  }
0x54: {  	[sflag:s21] =	ssyncadd.s32 $0xFFFFC000  }
0x55: {  	s3 =	sadd.s32 $0x1, s3  }
0x56: {  	p0 =	sne.s32 s3, s11  }
.Ltmp2:
0x57: {  	[bflag:$0x0] =	sbarrier.arrive $0xFFFF;
	(pc) =	sbr.rel @p0 .LBB2_1-.Ltmp2, $4  }
0x58: {  	[hbm:s10], [sflag:s8] =	dma.local [spmem:s12], $0x2780  }
0x59: {  	_ =	swait.ge [sflag:s13], $0x2780  }
0x5a: {  	[sflag:s13] =	ssyncset.done $0x0  }
0x5b: {  	[sflag:s13] =	ssyncadd.s32 $0xFFFFD880  }
0x5c: {  	_ =	sfence.sel $0x180000  }
0x5d: {  	[bflag:$0x0] =	sbarrier.arrive $0xFFFF  }
0x5e: {  	p0 =	sne.s32 s1, $0x0;
	_ =	strace $0x9000004A  }
0x5f: {  	s0 =	sadd.s32 @!p0 $0x100000, s0;
	[bflag:$0x2] =	sbarrier.arrive $0xFFFF  }
0x60: {  	[sflag:s0] =	ssyncadd.tile.s32 @!p0 $0x1;
	_ =	shalt  }
.Lfunc_end2:
_tile_overlayer_lowered:
.L_overlay_start_2:
0x61: {  	(tag) =	ssettag $0x2  }
0x62: {  	s0 =	rddreg [dreg:$0x0];
	s2 =	stileid.u32  }
0x63: {  	s1 =	rddreg [dreg:$0x1];
	p0 =	sne.s32 s2, $0x0  }
0x64: {  	s3 =	rddreg [dreg:$0x2];
	[bflag:$0x3] =	sbarrier.arrive $0xFFFF;
	s2 =	simm.s32 @!p0 $0x1C05  }
0x65: {  	[timem:s3], [sflag:s2] =	dma.local @!p0 [hbm:s0], s1  }
0x66: {  	s0 =	simm.s32 @!p0 $0x5  }
0x67: {  	_ =	swait.ge @!p0 [sflag:s0], s1  }
0x68: {  	s1 =	ssub.s32 @!p0 $0x0, s1;
	[sflag:s0] =	ssyncset.done @!p0 $0x0  }
0x69: {  	[sflag:s0] =	ssyncadd.s32 @!p0 s1  }
0x6a: {  	[bflag:$0x3] =	sbarrier.arrive $0xFFFF  }
0x6b: {  	_ =	shalt  }

// kernel: kernel.16.cloned.1.call-start
scs
__scs_entry_jumppad:
0x0: {  	(pc) =	sbr.rel $0x88, $3  }
0x1: {  	(tag) =	ssettag $0x0;
	lr =	simm.s32 $0x1  }
0x2: {  	[smem:$0x3F93] =	sst lr;
	_ =	strace $0xD0000000  }
0x3: {  	_ = 	snop  }
0x4: {  	_ = 	snop  }
0x5: {  	_ = 	snop  }
0x6: {  	_ = 	snop  }
0x7: {  	_ = 	snop  }
__scs_overlays_trampoline_lowered:
0x8: {  	[smem:$0x3FA2] =	sst s0  }
0x9: {  	[smem:$0x3FA3] =	sst s1  }
0xa: {  	[smem:$0x3FA4] =	sst s2  }
0xb: {  	[smem:$0x3FA5] =	sst s3  }
0xc: {  	[smem:$0x3FA6] =	sst s4  }
0xd: {  	[smem:$0x3FA7] =	sst s5  }
0xe: {  	[smem:$0x3FA8] =	sst s6  }
0xf: {  	[smem:$0x3FA9] =	sst s7  }
0x10: {  	[smem:$0x3FAA] =	sst s8  }
0x11: {  	[smem:$0x3FAB] =	sst s9;
	s0 =	simm.s32 @!p0 $0x0  }
0x12: {  	s1 =	sld [smem:$0x3F91];
	s0 =	simm.s32 @p0 $0x1  }
0x13: {  	[smem:$0x3FAC] =	sst s0;
	s0 =	simm.s32 @!p1 $0x0  }
0x14: {  	s2 =	sld [smem:$0x3F90];
	s0 =	simm.s32 @p1 $0x1  }
0x15: {  	[smem:$0x3FAD] =	sst s0;
	s0 =	simm.s32 @!p2 $0x0  }
0x16: {  	s3 =	sld [smem:$0x3FDB];
	s0 =	simm.s32 @p2 $0x1  }
0x17: {  	s4 =	simm.s32 $0x1BF5;
	[smem:$0x3FAF] =	sst s0  }
0x18: {  	s0 =	sld [smem:$0x3F92];
	_ =	swait.ge [sflag:s4], $0x0  }
0x19: {  	s7 =	sld [smem:$0x3F93]  }
0x1a: {  	s8 =	sadd.s32 $0xFFFFE003, lr  }
0x1b: {  	s9 =	sadd.s32 $0xFFFFFEF7, lr;
	s5 =	simm.s32 $0xFFFFFFFF;
	p2 =	slt.u32 s8, $0xFFFFF086  }
0x1c: {  	p1 =	slt.u32 s9, $0xF7A;
	s5 =	simm.s32 @!p2 $0x0  }
0x1d: {  	s5 =	simm.s32 @p1 $0x1;
	p0 =	seq.s32 s7, s2  }
0x1e: {  	s7 =	smul.u32 @!p0 $0xF7A, s2;
	p2 =	seq.s32 @!p0 s5, $0x0  }
0x1f: {  	s9 =	smul.u32 $0xF7A, s1;
	s8 =	simm.s32 @!p0 $0x1BF5;
	p2 =	por !p2, p0  }
0x20: {  	[sflag:s8] =	ssyncset.s32 @!p0 $0xFFFFF086;
	s6 =	sadd.s32 @!p0 s3, s7;
	s7 =	simm.s32 @!p0 $0x108  }
0x21: {  	s3 =	sadd.s32 s3, s9;
	s6 =	sadd.s32 @!p0 $0x88, s6;
	s7 =	simm.s32 @p2 $0x1082  }
0x22: {  	[simem:s7], [sflag:s8] =	dma.local @!p0 [hbm:s6], $0xF7A  }
0x23: {  	s9 =	sor.u32 $0xD0000000, s2;
	s6 =	simm.s32 $0x108;
	_ =	swait.ge @!p0 [sflag:s8], $0x0  }
0x24: {  	s3 =	sadd.s32 $0x88, s3;
	s6 =	simm.s32 @!p1 $0x1082;
	[sflag:s4] =	ssyncset.s32 $0xFFFFF086  }
0x25: {  	[simem:s6], [sflag:s4] =	dma.local [hbm:s3], $0xF7A  }
0x26: {  	[smem:$0x3F93] =	sst s1;
	(tag) =	ssettag s2;
	_ =	strace s9  }
0x27: {  	s1 =	sld [smem:$0x3FA3]  }
0x28: {  	s2 =	sld [smem:$0x3FA4]  }
0x29: {  	s4 =	sld [smem:$0x3FA6]  }
0x2a: {  	p0 =	seq.s32 s5, $0x0;
	s5 =	sld [smem:$0x3FA7]  }
0x2b: {  	s6 =	sld [smem:$0x3FA8]  }
0x2c: {  	s7 =	sld [smem:$0x3FA9]  }
0x2d: {  	s3 =	simm.s32 $0x108;
	s8 =	sld [smem:$0x3FAA]  }
0x2e: {  	s3 =	simm.s32 @!p0 $0x1082;
	s9 =	sld [smem:$0x3FAB]  }
0x2f: {  	lr =	sadd.s32 s0, s3;
	s0 =	sld [smem:$0x3FA2]  }
0x30: {  	s3 =	sld [smem:$0x3FA5]  }
0x31: {  	[smem:$0x3FAE] =	sst s10  }
0x32: {  	s10 =	sld [smem:$0x3FAC];
	_ =	sdelay $0x3  }
0x33: {  	p0 =	seq.s32 s10, $0x1;
	s10 =	sld [smem:$0x3FAE];
	_ =	sdelay $0x3  }
0x34: {  	[smem:$0x3FAE] =	sst s10  }
0x35: {  	s10 =	sld [smem:$0x3FAD];
	_ =	sdelay $0x3  }
0x36: {  	p1 =	seq.s32 s10, $0x1;
	s10 =	sld [smem:$0x3FAE];
	_ =	sdelay $0x3  }
0x37: {  	[smem:$0x3FAE] =	sst s10  }
0x38: {  	s10 =	sld [smem:$0x3FAF]  }
0x39: {  	_ = 	snop;
	(pc) =	sbr.ind lr, $3  }
0x3a: {  	_ = 	snop  }
0x3b: {  	_ = 	snop  }
0x3c: {  	p2 =	seq.s32 s10, $0x1;
	s10 =	sld [smem:$0x3FAE]  }
0x3d: {  	_ =	shalt  }
0x3e: {  	_ =	shalt  }
0x3f: {  	_ =	shalt  }
0x40: {  	_ =	shalt  }
0x41: {  	_ =	shalt  }
0x42: {  	_ =	shalt  }
0x43: {  	_ =	shalt  }
0x44: {  	_ =	shalt  }
0x45: {  	_ =	shalt  }
0x46: {  	_ =	shalt  }
0x47: {  	_ =	shalt  }
0x48: {  	_ =	shalt  }
0x49: {  	_ =	shalt  }
0x4a: {  	_ =	shalt  }
0x4b: {  	_ =	shalt  }
0x4c: {  	_ =	shalt  }
0x4d: {  	_ =	shalt  }
0x4e: {  	_ =	shalt  }
0x4f: {  	_ =	shalt  }
0x50: {  	_ =	shalt  }
0x51: {  	_ =	shalt  }
0x52: {  	_ =	shalt  }
0x53: {  	_ =	shalt  }
0x54: {  	_ =	shalt  }
0x55: {  	_ =	shalt  }
0x56: {  	_ =	shalt  }
0x57: {  	_ =	shalt  }
0x58: {  	_ =	shalt  }
0x59: {  	_ =	shalt  }
0x5a: {  	_ =	shalt  }
0x5b: {  	_ =	shalt  }
0x5c: {  	_ =	shalt  }
0x5d: {  	_ =	shalt  }
0x5e: {  	_ =	shalt  }
0x5f: {  	_ =	shalt  }
0x60: {  	_ =	shalt  }
0x61: {  	_ =	shalt  }
0x62: {  	_ =	shalt  }
0x63: {  	_ =	shalt  }
0x64: {  	_ =	shalt  }
0x65: {  	_ =	shalt  }
0x66: {  	_ =	shalt  }
0x67: {  	_ =	shalt  }
0x68: {  	_ =	shalt  }
0x69: {  	_ =	shalt  }
0x6a: {  	_ =	shalt  }
0x6b: {  	_ =	shalt  }
0x6c: {  	_ =	shalt  }
0x6d: {  	_ =	shalt  }
0x6e: {  	_ =	shalt  }
0x6f: {  	_ =	shalt  }
0x70: {  	_ =	shalt  }
0x71: {  	_ =	shalt  }
0x72: {  	_ =	shalt  }
0x73: {  	_ =	shalt  }
0x74: {  	_ =	shalt  }
0x75: {  	_ =	shalt  }
0x76: {  	_ =	shalt  }
0x77: {  	_ =	shalt  }
0x78: {  	_ =	shalt  }
0x79: {  	_ =	shalt  }
0x7a: {  	_ =	shalt  }
0x7b: {  	_ =	shalt  }
0x7c: {  	_ =	shalt  }
0x7d: {  	_ =	shalt  }
0x7e: {  	_ =	shalt  }
0x7f: {  	_ =	shalt  }
0x80: {  	_ =	shalt  }
0x81: {  	_ =	shalt  }
0x82: {  	_ =	shalt  }
0x83: {  	_ =	shalt  }
0x84: {  	_ =	shalt  }
0x85: {  	_ =	shalt  }
0x86: {  	_ =	shalt  }
0x87: {  	_ =	shalt  }
.Lfunc_end0:
.L_simem_size_0:
called_computation.2_lowered:
.L_overlay_start_0:
0x88: {  	s2 =	sld [smem:$0x3FD9]  }
0x89: {  	s3 =	sld [smem:$0x3FFE];
	_ =	sdelay $0x1  }
0x8a: {  	s1 =	srdreg.scid  }
0x8b: {  	s0 =	sand.u32 $0x1, s1  }
0x8c: {  	s16 =	sshll.u32 s0, $0xA;
	s2 =	sadd.s32 s3, s2  }
0x8d: {  	s2 =	sadd.s32 s2, s16  }
0x8e: {  	[smem:$0x3FBA] =	sst s2  }
0x8f: {  	_ = 	snop  }
0x90: {  	(tm) =	ssettm $0x1  }
0x91: {  	s17 =	sld [smem:$0x3FFB];
	_ =	sdelay $0x3  }
0x92: {  	_ =	strace s17  }
0x93: {  	s2 =	sld [smem:$0x3FFC];
	_ =	sdelay $0x3  }
0x94: {  	_ =	strace s2  }
0x95: {  	s2 =	sld [smem:$0x3FFD];
	_ =	sdelay $0x3  }
0x96: {  	_ =	strace s2  }
0x97: {  	_ =	strace $0x8FFFFFFF  }
0x98: {  	s18 =	sld [smem:$0x3FDB];
	_ =	sdelay $0x1  }
0x99: {  	s19 =	simm.s32 $_scs_section_size  }
0x9a: {  	s4 =	simm.s32 $_size__tile_overlayer_lowered;
	s5 =	simm.s32 $_tile_overlayer_lowered  }
0x9b: {  	s22 =	simm.s32 $0x1BFF;
	s21 =	sshll.u32 s5, $0x1;
	s2 =	sadd.s32 s19, s18  }
0x9c: {  	s6 =	simm.s32 $0x0;
	s20 =	sshll.u32 s4, $0x1;
	s4 =	sadd.s32 s21, s2  }
0x9d: {  	[timem:s6], [sflag:s22] =	dma.local [hbm:s4], s20  }
0x9e: {  	_ =	swait.ge [sflag:s22], s20  }
0x9f: {  	s3 =	ssub.s32 $0x0, s20;
	[sflag:s22] =	ssyncset.done $0x0  }
0xa0: {  	[sflag:s22] =	ssyncadd.s32 s3;
	_ =	sdelay $0x1  }
0xa1: {  	s23 =	simm.s32 $0x1B8B  }
0xa2: {  	_ =	swait.ge [sflag:s23], $0x1  }
0xa3: {  	[sflag:s23] =	ssyncset.done $0x0  }
0xa4: {  	s25 =	simm.s32 $0x1B8E;
	s24 =	sld [smem:$0x3FFE];
	[sflag:s23] =	ssyncadd.s32 $0xFFFFFFFF  }
0xa5: {  	s26 =	simm.s32 $execute0_lowered;
	[smem:$0x3FD2] =	sst s25  }
0xa6: {  	s4 =	sshll.u32 s26, $0x1;
	_ =	strace $0x8000004C;
	[dreg:$0x1] =	wrdreg $0xFFFFFFFF  }
0xa7: {  	s28 =	simm.s32 $_size_execute0_lowered;
	s2 =	sadd.s32 s2, s4;
	[dreg:$0x0] =	wrdreg $0x0  }
0xa8: {  	s4 =	sshll.u32 s28, $0x1;
	[dreg:$0x2] =	wrdreg s2  }
0xa9: {  	[dreg:$0x3] =	wrdreg s4  }
0xaa: {  	[dreg:$0x4] =	wrdreg $0xC0  }
0xab: {  	_ =	task [dreg:s6], $0x5FFFF  }
0xac: {  	[dreg:$0x1] =	wrdreg $0xFFFFFFFF  }
0xad: {  	[dreg:$0x0] =	wrdreg $0x60  }
0xae: {  	[dreg:$0x2] =	wrdreg s24  }
0xaf: {  	[dreg:$0x3] =	wrdreg $0xA0000  }
0xb0: {  	[dreg:$0x4] =	wrdreg $0x9  }
0xb1: {  	_ =	task.clear_ibuf [dreg:s6], $0x5FFFF;
	_ =	strace $0x9000004C  }
0xb2: {  	s29 =	simm.s32 $0x9;
	_ =	strace $0x8000004E  }
0xb3: {  	_ =	swait.ge [sflag:s29], $0x1  }
0xb4: {  	[sflag:s29] =	ssyncadd.s32 $0xFFFFFFFF  }
0xb5: {  	_ =	strace $0x9000004E  }
0xb6: {  	_ =	sfence  }
0xb7: {  	s30 =	sld [smem:$0x0];
	_ =	sdelay $0x2  }
0xb8: {  	s31 =	sshll.u32 s1, $0xD;
	s1 =	sshrl.u32 s1, $0x2  }
0xb9: {  	s3 =	sand.u32 $0x4000, s31;
	s1 =	sadd.s32 s1, s30  }
0xba: {  	s0 =	sor.u32 s3, s0;
	s1 =	sshll.u32 s1, $0x11  }
0xbb: {  	s0 =	sor.u32 s1, s0  }
0xbc: {  	s0 =	sadd.s32 $0x8F2B, s0  }
0xbd: {  	[sflag:s0] =	ssyncadd.remote.s32 $0x1  }
0xbe: {  	_ =	sfence.sel $0xFFFF  }
0xbf: {  	[dreg:$0x0] =	wrdreg $0xFFFFFFFF;
	(pc) =	sbr.abs _section_cstart, $3  }
0xc0: {  	[dreg:$0x1] =	wrdreg $0xFFFFFFFF  }
0xc1: {  	_ =	task.clear_ibuf [dreg:s6], $0x2FFFF;
	_ =	strace $0x9FFFFFFF  }
0xc2: {  	(tm) =	ssettm $0x7FFFFFFF  }
0xc3: {  	_ =	shalt  }
tec
execute0_lowered:
.L_overlay_start_1:
0x0: {  	(tag) =	ssettag $0x1  }
0x1: {  	s7 =	rddreg [dreg:$0x0]  }
0x2: {  	s2 =	rddreg [dreg:$0x1]  }
0x3: {  	s0 =	rddreg [dreg:$0x2]  }
0x4: {  	s3 =	simm.s32 $0x0;
	s1 =	stileid.u32;
	s4 =	srdreg.scid  }
0x5: {  	s15 =	simm.s32 $0x80;
	s16 =	simm.s32 $0x2000;
	s17 =	simm.s32 $0x6000  }
0x6: {  	s18 =	simm.s32 $0x1;
	s19 =	simm.s32 $0x2;
	s20 =	simm.s32 $0x3  }
0x7: {  	s21 =	simm.s32 $0x4;
	s22 =	simm.s32 $0x1F00;
	s23 =	simm.s32 $0x1F80  }
0x8: {  	[smem:$0x7FF] =	sst s3;
	s8 =	smul.u32 $0x13C00, s1;
	s9 =	sand.u32 $0x1, s4  }
0x9: {  	s4 =	sadd.s32 $0x90C00, s7;
	s5 =	sadd.s32 $0x1A200, s7;
	s6 =	sadd.s32 $0x2E200, s7  }
0xa: {  	s12 =	smul.u32 $0x4F000, s1;
	s31 =	sshll.u32 s1, $0x6;
	_ =	strace $0x8000004D  }
0xb: {  	s10 =	smul.u32 $0x13C000, s9;
	s29 =	ssub.s32 $0x2, s9;
	s9 =	sshll.u32 s9, $0x4  }
0xc: {  	s11 =	sshrl.u32 s8, $0x3;
	s13 =	sshrl.u32 s29, $0x1;
	s30 =	sshrl.u32 s12, $0x2  }
0xd: {  	s9 =	sor.u32 s1, s9;
	s8 =	sadd.s32 s8, s10;
	s11 =	sadd.s32 s11, s7  }
0xe: {  	s13 =	ssub.s32 s29, s13;
	s12 =	sadd.s32 s30, s2;
	s8 =	sshrl.u32 s8, $0x3  }
0xf: {  	s9 =	smul.u32 $0x5000, s9;
	s12 =	sshrl.u32 s12, $0x3;
	s14 =	sadd.s32 s8, s7  }
0x10: {  	s7 =	sadd.s32 $0x42200, s11;
	s8 =	sor.u32 $0x1C05, s31;
	s11 =	smax.u32 s13, $0x1  }
0x11: {  	s13 =	simm.s32 $0x5;
	s10 =	sadd.s32 $0x12D400, s14;
	s14 =	simm.s32 $0x1000  }
.LBB2_1:
0x12: {  	[spmem:s12], [sflag:s8] =	dma.local [hbm:s7], $0x2780  }
0x13: {  	_ =	swait.ge [sflag:s13], $0x2780  }
0x14: {  	[sflag:s13] =	ssyncset.done $0x0  }
0x15: {  	[sflag:s13] =	ssyncadd.s32 $0xFFFFD880  }
0x16: {  	s24 =	simm.s32 $0x0;
	[bflag:$0x0] =	sbarrier.arrive $0xFFFF  }
.LBB2_2:
0x17: {  	s25 =	sshll.u32 s24, $0xC  }
0x18: {  	s25 =	sadd.s32 s9, s25  }
0x19: {  	s25 =	sshrl.u32 s25, $0x3  }
0x1a: {  	s28 =	simm.s32 $0x0;
	s26 =	sadd.s32 s5, s25  }
0x1b: {  	[tilespmem:s28], [sflag:$0x5] =	stream.linear.gather [hbm4b:s26+s28], $0x1000, $0x38;
	[tilespmem:$0x1DC00] =	vst v63  }
0x1c: {  	_ =	swait.ge [sflag:s13], $0x1000  }
0x1d: {  	[sflag:s13] =	ssyncset.done $0x0  }
0x1e: {  	s25 =	sadd.s32 s6, s25;
	[sflag:s13] =	ssyncadd.s32 $0xFFFFF000  }
0x1f: {  	[tilespmem:s14], [sflag:$0x5] =	stream.linear.gather [hbm4b:s25+s28], $0x1000, $0x38;
	[tilespmem:$0x1DC00] =	vst v63  }
0x20: {  	_ =	swait.ge [sflag:s13], $0x1000  }
0x21: {  	[sflag:s13] =	ssyncset.done $0x0  }
0x22: {  	[sflag:s13] =	ssyncadd.s32 $0xFFFFF000  }
0x23: {  	[tilespmem:s16], [sflag:$0x1] =	stream.indirect.gather [hbm4b:s4+s15], $0x80, s28, s15, $0xb8;
	[tilespmem:$0x1DC00] =	vst v63  }
0x24: {  	_ = 	snop  }
0x25: {  	[tilespmem:s17], [sflag:$0x2] =	stream.indirect.gather [hbm4b:s4+s15], $0x80, s15, s15, $0xb8;
	[tilespmem:$0x1DC00] =	vst v63  }
0x26: {  	_ =	swait.ge [sflag:s18], $0x4000  }
0x27: {  	[sflag:s18] =	ssyncset.done $0x0  }
0x28: {  	s29 =	simm.s32 $0x1000;
	[sflag:s18] =	ssyncadd.s32 $0xFFFFC000  }
0x29: {  	[spmem:s2] =	stream.indirect.scatter.add.f32 [tilespmem:s16], [sflag:$0x3], $0x80, s29, s15, $0xb8;
	[tilespmem:$0x1DC00] =	vst v63  }
0x2a: {  	_ =	swait.ge [sflag:s19], $0x4000  }
0x2b: {  	[sflag:s19] =	ssyncset.done $0x0  }
0x2c: {  	s30 =	simm.s32 $0x1080;
	[sflag:s19] =	ssyncadd.s32 $0xFFFFC000  }
0x2d: {  	[spmem:s2] =	stream.indirect.scatter.add.f32 [tilespmem:s17], [sflag:$0x4], $0x80, s30, s15, $0xb8;
	[tilespmem:$0x1DC00] =	vst v63  }
0x2e: {  	_ =	swait.ge [sflag:s20], $0x4000  }
0x2f: {  	[sflag:s20] =	ssyncset.done $0x0  }
0x30: {  	s31 =	simm.s32 $0x100;
	[sflag:s20] =	ssyncadd.s32 $0xFFFFC000  }
0x31: {  	[tilespmem:s16], [sflag:$0x1] =	stream.indirect.gather [hbm4b:s4+s15], $0x80, s31, s15, $0xb8;
	[tilespmem:$0x1DC00] =	vst v63  }
0x32: {  	_ =	swait.ge [sflag:s21], $0x4000  }
0x33: {  	[sflag:s21] =	ssyncset.done $0x0  }
0x34: {  	s26 =	simm.s32 $0x180;
	s25 =	simm.s32 $0x400;
	[sflag:s21] =	ssyncadd.s32 $0xFFFFC000  }
.LBB2_3:
0x35: {  	[tilespmem:s17], [sflag:$0x2] =	stream.indirect.gather [hbm4b:s4+s15], $0x80, s26, s15, $0xb8;
	[tilespmem:$0x1DC00] =	vst v63  }
0x36: {  	s26 =	smov.u32 s25  }
0x37: {  	p0 =	sne.s32 s25, $0x3800;
	s25 =	sadd.s32 $0x400, s25;
	_ =	swait.ge [sflag:s18], $0x4000  }
0x38: {  	s26 =	sshra.s32 s26, $0x2;
	[sflag:s18] =	ssyncset.done $0x0  }
0x39: {  	s28 =	sadd.s32 $0x1000, s26;
	[sflag:s18] =	ssyncadd.s32 $0xFFFFC000  }
0x3a: {  	[spmem:s2] =	stream.indirect.scatter.add.f32 [tilespmem:s16], [sflag:$0x3], $0x80, s28, s15, $0xb8;
	[tilespmem:$0x1DC00] =	vst v63  }
0x3b: {  	_ =	swait.ge [sflag:s19], $0x4000  }
0x3c: {  	[sflag:s19] =	ssyncset.done $0x0  }
0x3d: {  	s28 =	sadd.s32 $0x1080, s26;
	[sflag:s19] =	ssyncadd.s32 $0xFFFFC000  }
0x3e: {  	[spmem:s2] =	stream.indirect.scatter.add.f32 [tilespmem:s17], [sflag:$0x4], $0x80, s28, s15, $0xb8;
	[tilespmem:$0x1DC00] =	vst v63  }
0x3f: {  	_ =	swait.ge [sflag:s20], $0x4000  }
0x40: {  	[sflag:s20] =	ssyncset.done $0x0  }
.Ltmp0:
0x41: {  	s28 =	sadd.s32 $0x100, s26;
	[sflag:s20] =	ssyncadd.s32 $0xFFFFC000;
	(pc) =	sbr.rel @p0 .LBB2_3-.Ltmp0, $4  }
0x42: {  	[tilespmem:s16], [sflag:$0x1] =	stream.indirect.gather [hbm4b:s4+s15], $0x80, s28, s15, $0xb8;
	[tilespmem:$0x1DC00] =	vst v63  }
0x43: {  	_ =	swait.ge [sflag:s21], $0x4000  }
0x44: {  	[sflag:s21] =	ssyncset.done $0x0  }
0x45: {  	s26 =	sadd.s32 $0x180, s26;
	[sflag:s21] =	ssyncadd.s32 $0xFFFFC000  }
0x46: {  	[tilespmem:s17], [sflag:$0x2] =	stream.indirect.gather [hbm4b:s4+s15], $0x80, s26, s15, $0xb8;
	[tilespmem:$0x1DC00] =	vst v63  }
0x47: {  	_ =	swait.ge [sflag:s18], $0x4000  }
0x48: {  	[sflag:s18] =	ssyncset.done $0x0  }
0x49: {  	[sflag:s18] =	ssyncadd.s32 $0xFFFFC000  }
0x4a: {  	[spmem:s2] =	stream.indirect.scatter.add.f32 [tilespmem:s16], [sflag:$0x3], $0x80, s22, s15, $0xb8;
	[tilespmem:$0x1DC00] =	vst v63  }
0x4b: {  	_ =	swait.ge [sflag:s19], $0x4000  }
0x4c: {  	[sflag:s19] =	ssyncset.done $0x0  }
0x4d: {  	s24 =	sadd.s32 $0x1, s24;
	[sflag:s19] =	ssyncadd.s32 $0xFFFFC000  }
0x4e: {  	[spmem:s2] =	stream.indirect.scatter.add.f32 [tilespmem:s17], [sflag:$0x4], $0x80, s23, s15, $0xb8;
	[tilespmem:$0x1DC00] =	vst v63  }
0x4f: {  	p0 =	sne.s32 s24, $0x5;
	_ =	swait.ge [sflag:s20], $0x4000  }
.Ltmp1:
0x50: {  	[sflag:s20] =	ssyncset.done $0x0;
	(pc) =	sbr.rel @p0 .LBB2_2-.Ltmp1, $4  }
0x51: {  	[sflag:s20] =	ssyncadd.s32 $0xFFFFC000  }
0x52: {  	_ =	swait.ge [sflag:s21], $0x4000  }
0x53: {  	[sflag:s21] =	ssyncset.done $0x0  }
0x54: {  	[sflag:s21] =	ssyncadd.s32 $0xFFFFC000  }
0x55: {  	s3 =	sadd.s32 $0x1, s3  }
0x56: {  	p0 =	sne.s32 s3, s11  }
.Ltmp2:
0x57: {  	[bflag:$0x0] =	sbarrier.arrive $0xFFFF;
	(pc) =	sbr.rel @p0 .LBB2_1-.Ltmp2, $4  }
0x58: {  	[hbm:s10], [sflag:s8] =	dma.local [spmem:s12], $0x2780  }
0x59: {  	_ =	swait.ge [sflag:s13], $0x2780  }
0x5a: {  	[sflag:s13] =	ssyncset.done $0x0  }
0x5b: {  	[sflag:s13] =	ssyncadd.s32 $0xFFFFD880  }
0x5c: {  	_ =	sfence.sel $0x180000  }
0x5d: {  	[bflag:$0x0] =	sbarrier.arrive $0xFFFF  }
0x5e: {  	p0 =	sne.s32 s1, $0x0;
	_ =	strace $0x9000004D  }
0x5f: {  	s0 =	sadd.s32 @!p0 $0x100000, s0;
	[bflag:$0x2] =	sbarrier.arrive $0xFFFF  }
0x60: {  	[sflag:s0] =	ssyncadd.tile.s32 @!p0 $0x1;
	_ =	shalt  }
.Lfunc_end2:
_tile_overlayer_lowered:
.L_overlay_start_2:
0x61: {  	(tag) =	ssettag $0x2  }
0x62: {  	s0 =	rddreg [dreg:$0x0];
	s2 =	stileid.u32  }
0x63: {  	s1 =	rddreg [dreg:$0x1];
	p0 =	sne.s32 s2, $0x0  }
0x64: {  	s3 =	rddreg [dreg:$0x2];
	[bflag:$0x3] =	sbarrier.arrive $0xFFFF;
	s2 =	simm.s32 @!p0 $0x1C05  }
0x65: {  	[timem:s3], [sflag:s2] =	dma.local @!p0 [hbm:s0], s1  }
0x66: {  	s0 =	simm.s32 @!p0 $0x5  }
0x67: {  	_ =	swait.ge @!p0 [sflag:s0], s1  }
0x68: {  	s1 =	ssub.s32 @!p0 $0x0, s1;
	[sflag:s0] =	ssyncset.done @!p0 $0x0  }
0x69: {  	[sflag:s0] =	ssyncadd.s32 @!p0 s1  }
0x6a: {  	[bflag:$0x3] =	sbarrier.arrive $0xFFFF  }
0x6b: {  	_ =	shalt  }

// kernel: kernel.19.cloned.1.call-start
scs
__scs_entry_jumppad:
0x0: {  	(pc) =	sbr.rel $0x88, $3  }
0x1: {  	(tag) =	ssettag $0x0;
	lr =	simm.s32 $0x1  }
0x2: {  	[smem:$0x3F93] =	sst lr;
	_ =	strace $0xD0000000  }
0x3: {  	_ = 	snop  }
0x4: {  	_ = 	snop  }
0x5: {  	_ = 	snop  }
0x6: {  	_ = 	snop  }
0x7: {  	_ = 	snop  }
__scs_overlays_trampoline_lowered:
0x8: {  	[smem:$0x3FA2] =	sst s0  }
0x9: {  	[smem:$0x3FA3] =	sst s1  }
0xa: {  	[smem:$0x3FA4] =	sst s2  }
0xb: {  	[smem:$0x3FA5] =	sst s3  }
0xc: {  	[smem:$0x3FA6] =	sst s4  }
0xd: {  	[smem:$0x3FA7] =	sst s5  }
0xe: {  	[smem:$0x3FA8] =	sst s6  }
0xf: {  	[smem:$0x3FA9] =	sst s7  }
0x10: {  	[smem:$0x3FAA] =	sst s8  }
0x11: {  	[smem:$0x3FAB] =	sst s9;
	s0 =	simm.s32 @!p0 $0x0  }
0x12: {  	s1 =	sld [smem:$0x3F91];
	s0 =	simm.s32 @p0 $0x1  }
0x13: {  	[smem:$0x3FAC] =	sst s0;
	s0 =	simm.s32 @!p1 $0x0  }
0x14: {  	s2 =	sld [smem:$0x3F90];
	s0 =	simm.s32 @p1 $0x1  }
0x15: {  	[smem:$0x3FAD] =	sst s0;
	s0 =	simm.s32 @!p2 $0x0  }
0x16: {  	s3 =	sld [smem:$0x3FDB];
	s0 =	simm.s32 @p2 $0x1  }
0x17: {  	s4 =	simm.s32 $0x1BF5;
	[smem:$0x3FAF] =	sst s0  }
0x18: {  	s0 =	sld [smem:$0x3F92];
	_ =	swait.ge [sflag:s4], $0x0  }
0x19: {  	s7 =	sld [smem:$0x3F93]  }
0x1a: {  	s8 =	sadd.s32 $0xFFFFE003, lr  }
0x1b: {  	s9 =	sadd.s32 $0xFFFFFEF7, lr;
	s5 =	simm.s32 $0xFFFFFFFF;
	p2 =	slt.u32 s8, $0xFFFFF086  }
0x1c: {  	p1 =	slt.u32 s9, $0xF7A;
	s5 =	simm.s32 @!p2 $0x0  }
0x1d: {  	s5 =	simm.s32 @p1 $0x1;
	p0 =	seq.s32 s7, s2  }
0x1e: {  	s7 =	smul.u32 @!p0 $0xF7A, s2;
	p2 =	seq.s32 @!p0 s5, $0x0  }
0x1f: {  	s9 =	smul.u32 $0xF7A, s1;
	s8 =	simm.s32 @!p0 $0x1BF5;
	p2 =	por !p2, p0  }
0x20: {  	[sflag:s8] =	ssyncset.s32 @!p0 $0xFFFFF086;
	s6 =	sadd.s32 @!p0 s3, s7;
	s7 =	simm.s32 @!p0 $0x108  }
0x21: {  	s3 =	sadd.s32 s3, s9;
	s6 =	sadd.s32 @!p0 $0x88, s6;
	s7 =	simm.s32 @p2 $0x1082  }
0x22: {  	[simem:s7], [sflag:s8] =	dma.local @!p0 [hbm:s6], $0xF7A  }
0x23: {  	s9 =	sor.u32 $0xD0000000, s2;
	s6 =	simm.s32 $0x108;
	_ =	swait.ge @!p0 [sflag:s8], $0x0  }
0x24: {  	s3 =	sadd.s32 $0x88, s3;
	s6 =	simm.s32 @!p1 $0x1082;
	[sflag:s4] =	ssyncset.s32 $0xFFFFF086  }
0x25: {  	[simem:s6], [sflag:s4] =	dma.local [hbm:s3], $0xF7A  }
0x26: {  	[smem:$0x3F93] =	sst s1;
	(tag) =	ssettag s2;
	_ =	strace s9  }
0x27: {  	s1 =	sld [smem:$0x3FA3]  }
0x28: {  	s2 =	sld [smem:$0x3FA4]  }
0x29: {  	s4 =	sld [smem:$0x3FA6]  }
0x2a: {  	p0 =	seq.s32 s5, $0x0;
	s5 =	sld [smem:$0x3FA7]  }
0x2b: {  	s6 =	sld [smem:$0x3FA8]  }
0x2c: {  	s7 =	sld [smem:$0x3FA9]  }
0x2d: {  	s3 =	simm.s32 $0x108;
	s8 =	sld [smem:$0x3FAA]  }
0x2e: {  	s3 =	simm.s32 @!p0 $0x1082;
	s9 =	sld [smem:$0x3FAB]  }
0x2f: {  	lr =	sadd.s32 s0, s3;
	s0 =	sld [smem:$0x3FA2]  }
0x30: {  	s3 =	sld [smem:$0x3FA5]  }
0x31: {  	[smem:$0x3FAE] =	sst s10  }
0x32: {  	s10 =	sld [smem:$0x3FAC];
	_ =	sdelay $0x3  }
0x33: {  	p0 =	seq.s32 s10, $0x1;
	s10 =	sld [smem:$0x3FAE];
	_ =	sdelay $0x3  }
0x34: {  	[smem:$0x3FAE] =	sst s10  }
0x35: {  	s10 =	sld [smem:$0x3FAD];
	_ =	sdelay $0x3  }
0x36: {  	p1 =	seq.s32 s10, $0x1;
	s10 =	sld [smem:$0x3FAE];
	_ =	sdelay $0x3  }
0x37: {  	[smem:$0x3FAE] =	sst s10  }
0x38: {  	s10 =	sld [smem:$0x3FAF]  }
0x39: {  	_ = 	snop;
	(pc) =	sbr.ind lr, $3  }
0x3a: {  	_ = 	snop  }
0x3b: {  	_ = 	snop  }
0x3c: {  	p2 =	seq.s32 s10, $0x1;
	s10 =	sld [smem:$0x3FAE]  }
0x3d: {  	_ =	shalt  }
0x3e: {  	_ =	shalt  }
0x3f: {  	_ =	shalt  }
0x40: {  	_ =	shalt  }
0x41: {  	_ =	shalt  }
0x42: {  	_ =	shalt  }
0x43: {  	_ =	shalt  }
0x44: {  	_ =	shalt  }
0x45: {  	_ =	shalt  }
0x46: {  	_ =	shalt  }
0x47: {  	_ =	shalt  }
0x48: {  	_ =	shalt  }
0x49: {  	_ =	shalt  }
0x4a: {  	_ =	shalt  }
0x4b: {  	_ =	shalt  }
0x4c: {  	_ =	shalt  }
0x4d: {  	_ =	shalt  }
0x4e: {  	_ =	shalt  }
0x4f: {  	_ =	shalt  }
0x50: {  	_ =	shalt  }
0x51: {  	_ =	shalt  }
0x52: {  	_ =	shalt  }
0x53: {  	_ =	shalt  }
0x54: {  	_ =	shalt  }
0x55: {  	_ =	shalt  }
0x56: {  	_ =	shalt  }
0x57: {  	_ =	shalt  }
0x58: {  	_ =	shalt  }
0x59: {  	_ =	shalt  }
0x5a: {  	_ =	shalt  }
0x5b: {  	_ =	shalt  }
0x5c: {  	_ =	shalt  }
0x5d: {  	_ =	shalt  }
0x5e: {  	_ =	shalt  }
0x5f: {  	_ =	shalt  }
0x60: {  	_ =	shalt  }
0x61: {  	_ =	shalt  }
0x62: {  	_ =	shalt  }
0x63: {  	_ =	shalt  }
0x64: {  	_ =	shalt  }
0x65: {  	_ =	shalt  }
0x66: {  	_ =	shalt  }
0x67: {  	_ =	shalt  }
0x68: {  	_ =	shalt  }
0x69: {  	_ =	shalt  }
0x6a: {  	_ =	shalt  }
0x6b: {  	_ =	shalt  }
0x6c: {  	_ =	shalt  }
0x6d: {  	_ =	shalt  }
0x6e: {  	_ =	shalt  }
0x6f: {  	_ =	shalt  }
0x70: {  	_ =	shalt  }
0x71: {  	_ =	shalt  }
0x72: {  	_ =	shalt  }
0x73: {  	_ =	shalt  }
0x74: {  	_ =	shalt  }
0x75: {  	_ =	shalt  }
0x76: {  	_ =	shalt  }
0x77: {  	_ =	shalt  }
0x78: {  	_ =	shalt  }
0x79: {  	_ =	shalt  }
0x7a: {  	_ =	shalt  }
0x7b: {  	_ =	shalt  }
0x7c: {  	_ =	shalt  }
0x7d: {  	_ =	shalt  }
0x7e: {  	_ =	shalt  }
0x7f: {  	_ =	shalt  }
0x80: {  	_ =	shalt  }
0x81: {  	_ =	shalt  }
0x82: {  	_ =	shalt  }
0x83: {  	_ =	shalt  }
0x84: {  	_ =	shalt  }
0x85: {  	_ =	shalt  }
0x86: {  	_ =	shalt  }
0x87: {  	_ =	shalt  }
.Lfunc_end0:
.L_simem_size_0:
called_computation.3_lowered:
.L_overlay_start_0:
0x88: {  	s2 =	sld [smem:$0x3FD9]  }
0x89: {  	s3 =	sld [smem:$0x3FFE];
	_ =	sdelay $0x1  }
0x8a: {  	s1 =	srdreg.scid  }
0x8b: {  	s0 =	sand.u32 $0x1, s1  }
0x8c: {  	s16 =	sshll.u32 s0, $0xA;
	s2 =	sadd.s32 s3, s2  }
0x8d: {  	s2 =	sadd.s32 s2, s16  }
0x8e: {  	[smem:$0x3FBA] =	sst s2  }
0x8f: {  	_ = 	snop  }
0x90: {  	(tm) =	ssettm $0x1  }
0x91: {  	s17 =	sld [smem:$0x3FFB];
	_ =	sdelay $0x3  }
0x92: {  	_ =	strace s17  }
0x93: {  	s2 =	sld [smem:$0x3FFC];
	_ =	sdelay $0x3  }
0x94: {  	_ =	strace s2  }
0x95: {  	s2 =	sld [smem:$0x3FFD];
	_ =	sdelay $0x3  }
0x96: {  	_ =	strace s2  }
0x97: {  	_ =	strace $0x8FFFFFFF  }
0x98: {  	s18 =	sld [smem:$0x3FDB];
	_ =	sdelay $0x1  }
0x99: {  	s19 =	simm.s32 $_scs_section_size  }
0x9a: {  	s4 =	simm.s32 $_size__tile_overlayer_lowered;
	s5 =	simm.s32 $_tile_overlayer_lowered  }
0x9b: {  	s22 =	simm.s32 $0x1BFF;
	s21 =	sshll.u32 s5, $0x1;
	s2 =	sadd.s32 s19, s18  }
0x9c: {  	s6 =	simm.s32 $0x0;
	s20 =	sshll.u32 s4, $0x1;
	s4 =	sadd.s32 s21, s2  }
0x9d: {  	[timem:s6], [sflag:s22] =	dma.local [hbm:s4], s20  }
0x9e: {  	_ =	swait.ge [sflag:s22], s20  }
0x9f: {  	s3 =	ssub.s32 $0x0, s20;
	[sflag:s22] =	ssyncset.done $0x0  }
0xa0: {  	[sflag:s22] =	ssyncadd.s32 s3;
	_ =	sdelay $0x1  }
0xa1: {  	s23 =	simm.s32 $0x1B8B  }
0xa2: {  	_ =	swait.ge [sflag:s23], $0x1  }
0xa3: {  	[sflag:s23] =	ssyncset.done $0x0  }
0xa4: {  	s25 =	simm.s32 $0x1B8E;
	s24 =	sld [smem:$0x3FFE];
	[sflag:s23] =	ssyncadd.s32 $0xFFFFFFFF  }
0xa5: {  	s26 =	simm.s32 $execute0_lowered;
	[smem:$0x3FD2] =	sst s25  }
0xa6: {  	s4 =	sshll.u32 s26, $0x1;
	_ =	strace $0x8000004F;
	[dreg:$0x1] =	wrdreg $0xFFFFFFFF  }
0xa7: {  	s28 =	simm.s32 $_size_execute0_lowered;
	s2 =	sadd.s32 s2, s4;
	[dreg:$0x0] =	wrdreg $0x0  }
0xa8: {  	s4 =	sshll.u32 s28, $0x1;
	[dreg:$0x2] =	wrdreg s2  }
0xa9: {  	[dreg:$0x3] =	wrdreg s4  }
0xaa: {  	[dreg:$0x4] =	wrdreg $0xC0  }
0xab: {  	_ =	task [dreg:s6], $0x5FFFF  }
0xac: {  	[dreg:$0x1] =	wrdreg $0xFFFFFFFF  }
0xad: {  	[dreg:$0x0] =	wrdreg $0x60  }
0xae: {  	[dreg:$0x2] =	wrdreg s24  }
0xaf: {  	[dreg:$0x3] =	wrdreg $0xA0000  }
0xb0: {  	[dreg:$0x4] =	wrdreg $0x9  }
0xb1: {  	_ =	task.clear_ibuf [dreg:s6], $0x5FFFF;
	_ =	strace $0x9000004F  }
0xb2: {  	s29 =	simm.s32 $0x9;
	_ =	strace $0x80000051  }
0xb3: {  	_ =	swait.ge [sflag:s29], $0x1  }
0xb4: {  	[sflag:s29] =	ssyncadd.s32 $0xFFFFFFFF  }
0xb5: {  	_ =	strace $0x90000051  }
0xb6: {  	_ =	sfence  }
0xb7: {  	s30 =	sld [smem:$0x0];
	_ =	sdelay $0x2  }
0xb8: {  	s31 =	sshll.u32 s1, $0xD;
	s1 =	sshrl.u32 s1, $0x2  }
0xb9: {  	s3 =	sand.u32 $0x4000, s31;
	s1 =	sadd.s32 s1, s30  }
0xba: {  	s0 =	sor.u32 s3, s0;
	s1 =	sshll.u32 s1, $0x11  }
0xbb: {  	s0 =	sor.u32 s1, s0  }
0xbc: {  	s0 =	sadd.s32 $0x8F2B, s0  }
0xbd: {  	[sflag:s0] =	ssyncadd.remote.s32 $0x1  }
0xbe: {  	_ =	sfence.sel $0xFFFF  }
0xbf: {  	[dreg:$0x0] =	wrdreg $0xFFFFFFFF;
	(pc) =	sbr.abs _section_cstart, $3  }
0xc0: {  	[dreg:$0x1] =	wrdreg $0xFFFFFFFF  }
0xc1: {  	_ =	task.clear_ibuf [dreg:s6], $0x2FFFF;
	_ =	strace $0x9FFFFFFF  }
0xc2: {  	(tm) =	ssettm $0x7FFFFFFF  }
0xc3: {  	_ =	shalt  }
tec
execute0_lowered:
.L_overlay_start_1:
0x0: {  	(tag) =	ssettag $0x1  }
0x1: {  	s7 =	rddreg [dreg:$0x0]  }
0x2: {  	s2 =	rddreg [dreg:$0x1]  }
0x3: {  	s0 =	rddreg [dreg:$0x2]  }
0x4: {  	s3 =	simm.s32 $0x0;
	s1 =	stileid.u32;
	s4 =	srdreg.scid  }
0x5: {  	s15 =	simm.s32 $0x80;
	s16 =	simm.s32 $0x2000;
	s17 =	simm.s32 $0x6000  }
0x6: {  	s18 =	simm.s32 $0x1;
	s19 =	simm.s32 $0x2;
	s20 =	simm.s32 $0x3  }
0x7: {  	s21 =	simm.s32 $0x4;
	s22 =	simm.s32 $0x1F00;
	s23 =	simm.s32 $0x1F80  }
0x8: {  	[smem:$0x7FF] =	sst s3;
	s8 =	smul.u32 $0x13C00, s1;
	s9 =	sand.u32 $0x1, s4  }
0x9: {  	s4 =	sadd.s32 $0x90C00, s7;
	s5 =	sadd.s32 $0x1A200, s7;
	s6 =	sadd.s32 $0x2E200, s7  }
0xa: {  	s12 =	smul.u32 $0x4F000, s1;
	s31 =	sshll.u32 s1, $0x6;
	_ =	strace $0x80000050  }
0xb: {  	s10 =	smul.u32 $0x13C000, s9;
	s29 =	ssub.s32 $0x2, s9;
	s9 =	sshll.u32 s9, $0x4  }
0xc: {  	s11 =	sshrl.u32 s8, $0x3;
	s13 =	sshrl.u32 s29, $0x1;
	s30 =	sshrl.u32 s12, $0x2  }
0xd: {  	s9 =	sor.u32 s1, s9;
	s8 =	sadd.s32 s8, s10;
	s11 =	sadd.s32 s11, s7  }
0xe: {  	s13 =	ssub.s32 s29, s13;
	s12 =	sadd.s32 s30, s2;
	s8 =	sshrl.u32 s8, $0x3  }
0xf: {  	s9 =	smul.u32 $0x5000, s9;
	s12 =	sshrl.u32 s12, $0x3;
	s14 =	sadd.s32 s8, s7  }
0x10: {  	s7 =	sadd.s32 $0x42200, s11;
	s8 =	sor.u32 $0x1C05, s31;
	s11 =	smax.u32 s13, $0x1  }
0x11: {  	s13 =	simm.s32 $0x5;
	s10 =	sadd.s32 $0x12D400, s14;
	s14 =	simm.s32 $0x1000  }
.LBB2_1:
0x12: {  	[spmem:s12], [sflag:s8] =	dma.local [hbm:s7], $0x2780  }
0x13: {  	_ =	swait.ge [sflag:s13], $0x2780  }
0x14: {  	[sflag:s13] =	ssyncset.done $0x0  }
0x15: {  	[sflag:s13] =	ssyncadd.s32 $0xFFFFD880  }
0x16: {  	s24 =	simm.s32 $0x0;
	[bflag:$0x0] =	sbarrier.arrive $0xFFFF  }
.LBB2_2:
0x17: {  	s25 =	sshll.u32 s24, $0xC  }
0x18: {  	s25 =	sadd.s32 s9, s25  }
0x19: {  	s25 =	sshrl.u32 s25, $0x3  }
0x1a: {  	s28 =	simm.s32 $0x0;
	s26 =	sadd.s32 s5, s25  }
0x1b: {  	[tilespmem:s28], [sflag:$0x5] =	stream.linear.gather [hbm4b:s26+s28], $0x1000, $0x38;
	[tilespmem:$0x1DC00] =	vst v63  }
0x1c: {  	_ =	swait.ge [sflag:s13], $0x1000  }
0x1d: {  	[sflag:s13] =	ssyncset.done $0x0  }
0x1e: {  	s25 =	sadd.s32 s6, s25;
	[sflag:s13] =	ssyncadd.s32 $0xFFFFF000  }
0x1f: {  	[tilespmem:s14], [sflag:$0x5] =	stream.linear.gather [hbm4b:s25+s28], $0x1000, $0x38;
	[tilespmem:$0x1DC00] =	vst v63  }
0x20: {  	_ =	swait.ge [sflag:s13], $0x1000  }
0x21: {  	[sflag:s13] =	ssyncset.done $0x0  }
0x22: {  	[sflag:s13] =	ssyncadd.s32 $0xFFFFF000  }
0x23: {  	[tilespmem:s16], [sflag:$0x1] =	stream.indirect.gather [hbm4b:s4+s15], $0x80, s28, s15, $0xb8;
	[tilespmem:$0x1DC00] =	vst v63  }
0x24: {  	_ = 	snop  }
0x25: {  	[tilespmem:s17], [sflag:$0x2] =	stream.indirect.gather [hbm4b:s4+s15], $0x80, s15, s15, $0xb8;
	[tilespmem:$0x1DC00] =	vst v63  }
0x26: {  	_ =	swait.ge [sflag:s18], $0x4000  }
0x27: {  	[sflag:s18] =	ssyncset.done $0x0  }
0x28: {  	s29 =	simm.s32 $0x1000;
	[sflag:s18] =	ssyncadd.s32 $0xFFFFC000  }
0x29: {  	[spmem:s2] =	stream.indirect.scatter.add.f32 [tilespmem:s16], [sflag:$0x3], $0x80, s29, s15, $0xb8;
	[tilespmem:$0x1DC00] =	vst v63  }
0x2a: {  	_ =	swait.ge [sflag:s19], $0x4000  }
0x2b: {  	[sflag:s19] =	ssyncset.done $0x0  }
0x2c: {  	s30 =	simm.s32 $0x1080;
	[sflag:s19] =	ssyncadd.s32 $0xFFFFC000  }
0x2d: {  	[spmem:s2] =	stream.indirect.scatter.add.f32 [tilespmem:s17], [sflag:$0x4], $0x80, s30, s15, $0xb8;
	[tilespmem:$0x1DC00] =	vst v63  }
0x2e: {  	_ =	swait.ge [sflag:s20], $0x4000  }
0x2f: {  	[sflag:s20] =	ssyncset.done $0x0  }
0x30: {  	s31 =	simm.s32 $0x100;
	[sflag:s20] =	ssyncadd.s32 $0xFFFFC000  }
0x31: {  	[tilespmem:s16], [sflag:$0x1] =	stream.indirect.gather [hbm4b:s4+s15], $0x80, s31, s15, $0xb8;
	[tilespmem:$0x1DC00] =	vst v63  }
0x32: {  	_ =	swait.ge [sflag:s21], $0x4000  }
0x33: {  	[sflag:s21] =	ssyncset.done $0x0  }
0x34: {  	s26 =	simm.s32 $0x180;
	s25 =	simm.s32 $0x400;
	[sflag:s21] =	ssyncadd.s32 $0xFFFFC000  }
.LBB2_3:
0x35: {  	[tilespmem:s17], [sflag:$0x2] =	stream.indirect.gather [hbm4b:s4+s15], $0x80, s26, s15, $0xb8;
	[tilespmem:$0x1DC00] =	vst v63  }
0x36: {  	s26 =	smov.u32 s25  }
0x37: {  	p0 =	sne.s32 s25, $0x3800;
	s25 =	sadd.s32 $0x400, s25;
	_ =	swait.ge [sflag:s18], $0x4000  }
0x38: {  	s26 =	sshra.s32 s26, $0x2;
	[sflag:s18] =	ssyncset.done $0x0  }
0x39: {  	s28 =	sadd.s32 $0x1000, s26;
	[sflag:s18] =	ssyncadd.s32 $0xFFFFC000  }
0x3a: {  	[spmem:s2] =	stream.indirect.scatter.add.f32 [tilespmem:s16], [sflag:$0x3], $0x80, s28, s15, $0xb8;
	[tilespmem:$0x1DC00] =	vst v63  }
0x3b: {  	_ =	swait.ge [sflag:s19], $0x4000  }
0x3c: {  	[sflag:s19] =	ssyncset.done $0x0  }
0x3d: {  	s28 =	sadd.s32 $0x1080, s26;
	[sflag:s19] =	ssyncadd.s32 $0xFFFFC000  }
0x3e: {  	[spmem:s2] =	stream.indirect.scatter.add.f32 [tilespmem:s17], [sflag:$0x4], $0x80, s28, s15, $0xb8;
	[tilespmem:$0x1DC00] =	vst v63  }
0x3f: {  	_ =	swait.ge [sflag:s20], $0x4000  }
0x40: {  	[sflag:s20] =	ssyncset.done $0x0  }
.Ltmp0:
0x41: {  	s28 =	sadd.s32 $0x100, s26;
	[sflag:s20] =	ssyncadd.s32 $0xFFFFC000;
	(pc) =	sbr.rel @p0 .LBB2_3-.Ltmp0, $4  }
0x42: {  	[tilespmem:s16], [sflag:$0x1] =	stream.indirect.gather [hbm4b:s4+s15], $0x80, s28, s15, $0xb8;
	[tilespmem:$0x1DC00] =	vst v63  }
0x43: {  	_ =	swait.ge [sflag:s21], $0x4000  }
0x44: {  	[sflag:s21] =	ssyncset.done $0x0  }
0x45: {  	s26 =	sadd.s32 $0x180, s26;
	[sflag:s21] =	ssyncadd.s32 $0xFFFFC000  }
0x46: {  	[tilespmem:s17], [sflag:$0x2] =	stream.indirect.gather [hbm4b:s4+s15], $0x80, s26, s15, $0xb8;
	[tilespmem:$0x1DC00] =	vst v63  }
0x47: {  	_ =	swait.ge [sflag:s18], $0x4000  }
0x48: {  	[sflag:s18] =	ssyncset.done $0x0  }
0x49: {  	[sflag:s18] =	ssyncadd.s32 $0xFFFFC000  }
0x4a: {  	[spmem:s2] =	stream.indirect.scatter.add.f32 [tilespmem:s16], [sflag:$0x3], $0x80, s22, s15, $0xb8;
	[tilespmem:$0x1DC00] =	vst v63  }
0x4b: {  	_ =	swait.ge [sflag:s19], $0x4000  }
0x4c: {  	[sflag:s19] =	ssyncset.done $0x0  }
0x4d: {  	s24 =	sadd.s32 $0x1, s24;
	[sflag:s19] =	ssyncadd.s32 $0xFFFFC000  }
0x4e: {  	[spmem:s2] =	stream.indirect.scatter.add.f32 [tilespmem:s17], [sflag:$0x4], $0x80, s23, s15, $0xb8;
	[tilespmem:$0x1DC00] =	vst v63  }
0x4f: {  	p0 =	sne.s32 s24, $0x5;
	_ =	swait.ge [sflag:s20], $0x4000  }
.Ltmp1:
0x50: {  	[sflag:s20] =	ssyncset.done $0x0;
	(pc) =	sbr.rel @p0 .LBB2_2-.Ltmp1, $4  }
0x51: {  	[sflag:s20] =	ssyncadd.s32 $0xFFFFC000  }
0x52: {  	_ =	swait.ge [sflag:s21], $0x4000  }
0x53: {  	[sflag:s21] =	ssyncset.done $0x0  }
0x54: {  	[sflag:s21] =	ssyncadd.s32 $0xFFFFC000  }
0x55: {  	s3 =	sadd.s32 $0x1, s3  }
0x56: {  	p0 =	sne.s32 s3, s11  }
.Ltmp2:
0x57: {  	[bflag:$0x0] =	sbarrier.arrive $0xFFFF;
	(pc) =	sbr.rel @p0 .LBB2_1-.Ltmp2, $4  }
0x58: {  	[hbm:s10], [sflag:s8] =	dma.local [spmem:s12], $0x2780  }
0x59: {  	_ =	swait.ge [sflag:s13], $0x2780  }
0x5a: {  	[sflag:s13] =	ssyncset.done $0x0  }
0x5b: {  	[sflag:s13] =	ssyncadd.s32 $0xFFFFD880  }
0x5c: {  	_ =	sfence.sel $0x180000  }
0x5d: {  	[bflag:$0x0] =	sbarrier.arrive $0xFFFF  }
0x5e: {  	p0 =	sne.s32 s1, $0x0;
	_ =	strace $0x90000050  }
0x5f: {  	s0 =	sadd.s32 @!p0 $0x100000, s0;
	[bflag:$0x2] =	sbarrier.arrive $0xFFFF  }
0x60: {  	[sflag:s0] =	ssyncadd.tile.s32 @!p0 $0x1;
	_ =	shalt  }
.Lfunc_end2:
_tile_overlayer_lowered:
.L_overlay_start_2:
0x61: {  	(tag) =	ssettag $0x2  }
0x62: {  	s0 =	rddreg [dreg:$0x0];
	s2 =	stileid.u32  }
0x63: {  	s1 =	rddreg [dreg:$0x1];
	p0 =	sne.s32 s2, $0x0  }
0x64: {  	s3 =	rddreg [dreg:$0x2];
	[bflag:$0x3] =	sbarrier.arrive $0xFFFF;
	s2 =	simm.s32 @!p0 $0x1C05  }
0x65: {  	[timem:s3], [sflag:s2] =	dma.local @!p0 [hbm:s0], s1  }
0x66: {  	s0 =	simm.s32 @!p0 $0x5  }
0x67: {  	_ =	swait.ge @!p0 [sflag:s0], s1  }
0x68: {  	s1 =	ssub.s32 @!p0 $0x0, s1;
	[sflag:s0] =	ssyncset.done @!p0 $0x0  }
0x69: {  	[sflag:s0] =	ssyncadd.s32 @!p0 s1  }
0x6a: {  	[bflag:$0x3] =	sbarrier.arrive $0xFFFF  }
0x6b: {  	_ =	shalt  }

</sc_bundles>
